<compile_context>
chip_gen: v7x
topology: tpu7x:2x2x1
jax: 0.10.2.dev20260603
libtpu: 0.0.44.dev20260713+nightly
codegen_flags: <defaults>
</compile_context>

<pallas_src>
import jax
import jax.numpy as jnp
from jax import lax
from jax.experimental import pallas as pl
from jax.experimental.pallas import tpu as pltpu
from jax.experimental.pallas import tpu_sc as plsc

N = 10000
D = 128
E = 320000
NC, NS = 2, 16
NW = NC * NS
EPW = 10240
EP = NW * EPW
B = 128
GROUP = 16
ROWS_PER_TILE = 632
NPAD = ROWS_PER_TILE * NS
CW = 8
L = 16
NBANK = 2


def _mlp_block(x_ref, w_ref, b_ref, o_ref):
  o_ref[...] = jnp.maximum(
      jnp.dot(x_ref[...], w_ref[...], preferred_element_type=jnp.float32)
      + b_ref[...], 0.0)


def _node_messages(src_emb, w1t, b1row):
  grid = 10
  return pl.pallas_call(
      _mlp_block,
      grid=(grid,),
      in_specs=[
          pl.BlockSpec((N // grid, D), lambda i: (i, 0)),
          pl.BlockSpec((D, D), lambda i: (0, 0)),
          pl.BlockSpec((1, D), lambda i: (0, 0)),
      ],
      out_specs=pl.BlockSpec((N // grid, D), lambda i: (i, 0)),
      out_shape=jax.ShapeDtypeStruct((N, D), jnp.float32),
  )(src_emb, w1t, b1row)


def _sc_body(msg_hbm, src_hbm, dst_hbm,
             agg_out, cnt_out,
             src_v, dst_v, rows_v, ones_v, z16_v, agg_s, cnt_s,
             gsem, ssem, csem):
  c = lax.axis_index("c")
  s = lax.axis_index("s")
  base = s * ROWS_PER_TILE
  row0 = (c * NS + s) * (EPW // B)
  ngroup = EPW // (GROUP * B)

  def fill_ones(i, carry):
    ones_v[pl.ds(i * 2, 2)] = jnp.full((2, CW), 1.0, jnp.float32)
    return carry
  lax.fori_loop(0, B // 2, fill_ones, 0)

  def fill_z16(i, carry):
    z16_v[pl.ds(i * 2, 2)] = jnp.zeros((2, CW), jnp.float32)
    return carry
  lax.fori_loop(0, ROWS_PER_TILE // 2, fill_z16, 0)

  def fill_zrows(i, carry):
    for j in range(D // L):
      rows_v[i, pl.ds(j * L, L)] = jnp.zeros((L,), jnp.float32)
    return carry
  lax.fori_loop(0, NBANK * B, fill_zrows, 0)

  nb = NBANK * B
  pltpu.sync_copy(rows_v, agg_s.at[pl.ds(base, nb)])
  pltpu.sync_copy(rows_v, agg_s.at[pl.ds(base + nb, nb)])
  tail = ROWS_PER_TILE - 2 * nb
  pltpu.sync_copy(rows_v.at[pl.ds(0, tail)],
                  agg_s.at[pl.ds(base + 2 * nb, tail)])
  pltpu.sync_copy(z16_v, cnt_s.at[pl.ds(base, ROWS_PER_TILE)])
  plsc.subcore_barrier()

  def bank(i):
    return rows_v.at[pl.ds((i % NBANK) * B, B)]

  def group(g, carry):
    r0 = row0 + g * GROUP
    pltpu.sync_copy(src_hbm.at[pl.ds(r0, GROUP)], src_v)
    pltpu.sync_copy(dst_hbm.at[pl.ds(r0, GROUP)], dst_v)

    gd = [None] * GROUP
    sd = [None] * GROUP
    cd = [None] * GROUP
    gd[0] = pltpu.async_copy(msg_hbm.at[src_v.at[0]], bank(0), gsem)
    for j in range(GROUP):
      if j >= 1:
        sd[j - 1].wait()
      if j + 1 < GROUP:
        gd[j + 1] = pltpu.async_copy(msg_hbm.at[src_v.at[j + 1]],
                                     bank(j + 1), gsem)
      gd[j].wait()
      sd[j] = pltpu.async_copy(bank(j), agg_s.at[dst_v.at[j]], ssem,
                               add=True)
      cd[j] = pltpu.async_copy(ones_v, cnt_s.at[dst_v.at[j]], csem,
                               add=True)
      if j >= 1:
        cd[j - 1].wait()
    sd[GROUP - 1].wait()
    cd[GROUP - 1].wait()
    return carry

  lax.fori_loop(0, ngroup, group, 0)
  plsc.subcore_barrier()

  pltpu.sync_copy(agg_s.at[pl.ds(base, nb)], rows_v)
  pltpu.sync_copy(rows_v, agg_out.at[c, pl.ds(base, nb)])
  pltpu.sync_copy(agg_s.at[pl.ds(base + nb, nb)], rows_v)
  pltpu.sync_copy(rows_v, agg_out.at[c, pl.ds(base + nb, nb)])
  pltpu.sync_copy(agg_s.at[pl.ds(base + 2 * nb, tail)],
                  rows_v.at[pl.ds(0, tail)])
  pltpu.sync_copy(rows_v.at[pl.ds(0, tail)],
                  agg_out.at[c, pl.ds(base + 2 * nb, tail)])
  pltpu.sync_copy(cnt_s.at[pl.ds(base, ROWS_PER_TILE)], z16_v)
  pltpu.sync_copy(z16_v, cnt_out.at[c, pl.ds(base, ROWS_PER_TILE)])


def _sc_aggregate(msg, srcp, dstp):
  mesh = plsc.VectorSubcoreMesh(core_axis_name="c", subcore_axis_name="s",
                                num_cores=NC, num_subcores=NS)
  f = pl.kernel(
      _sc_body,
      out_type=[
          jax.ShapeDtypeStruct((NC, NPAD, D), jnp.float32),
          jax.ShapeDtypeStruct((NC, NPAD, CW), jnp.float32),
      ],
      mesh=mesh,
      scratch_types=[
          pltpu.VMEM((GROUP, B), jnp.int32),
          pltpu.VMEM((GROUP, B), jnp.int32),
          pltpu.VMEM((NBANK * B, D), jnp.float32),
          pltpu.VMEM((B, CW), jnp.float32),
          pltpu.VMEM((ROWS_PER_TILE, CW), jnp.float32),
          pltpu.VMEM_SHARED((NPAD, D), jnp.float32),
          pltpu.VMEM_SHARED((NPAD, CW), jnp.float32),
          pltpu.SemaphoreType.DMA,
          pltpu.SemaphoreType.DMA,
          pltpu.SemaphoreType.DMA,
      ],
      compiler_params=pltpu.CompilerParams(use_tc_tiling_on_sc=False),
  )
  return f(msg, srcp, dstp)


def _update_block(dst_ref, agg_ref, cnt_ref, wa_ref, wb_ref, b_ref, o_ref):
  cnt = cnt_ref[0, :, :1] + cnt_ref[1, :, :1]
  agg = (agg_ref[0] + agg_ref[1]) / jnp.maximum(cnt, 1.0)
  acc = jnp.dot(dst_ref[...], wa_ref[...], preferred_element_type=jnp.float32)
  acc += jnp.dot(agg, wb_ref[...], preferred_element_type=jnp.float32)
  o_ref[...] = jnp.maximum(acc + b_ref[...], 0.0)


def _update(dst_emb, agg_parts, cnt_parts, w2at, w2bt, b2row):
  grid = 10
  r = N // grid
  return pl.pallas_call(
      _update_block,
      grid=(grid,),
      in_specs=[
          pl.BlockSpec((r, D), lambda i: (i, 0)),
          pl.BlockSpec((NC, r, D), lambda i: (0, i, 0)),
          pl.BlockSpec((NC, r, CW), lambda i: (0, i, 0)),
          pl.BlockSpec((D, D), lambda i: (0, 0)),
          pl.BlockSpec((D, D), lambda i: (0, 0)),
          pl.BlockSpec((1, D), lambda i: (0, 0)),
      ],
      out_specs=pl.BlockSpec((r, D), lambda i: (i, 0)),
      out_shape=jax.ShapeDtypeStruct((N, D), jnp.float32),
  )(dst_emb, agg_parts, cnt_parts, w2at, w2bt, b2row)


def kernel(src_embeddings, dst_embeddings, edge_index, W1, b1, W2, b2):
  src_idx = edge_index[0]
  dst_idx = edge_index[1]
  pad = EP - E
  pad_src = jnp.arange(pad, dtype=jnp.int32) % N
  srcp = jnp.concatenate([src_idx, pad_src]).reshape(EP // B, B)
  pad_dst = N + jnp.arange(pad, dtype=jnp.int32) % (NPAD - N)
  dstp = jnp.concatenate([dst_idx, pad_dst]).reshape(EP // B, B)

  msg = _node_messages(src_embeddings, W1.T, b1.reshape(1, D))
  agg_parts, cnt_parts = _sc_aggregate(msg, srcp, dstp)
  return _update(dst_embeddings, agg_parts, cnt_parts,
                 W2[:, :D].T, W2[:, D:].T, b2.reshape(1, D))

# --- scband reference (transcript-rebuilt; emitter-appended) ---
"""Pipeline reference for scband-message-passing-layer-14113262535303 (READ-ONLY COPY).

The authoritative reference and input builder live on the scoring server;
editing this copy changes nothing except your own understanding.
"""

import jax, jax.numpy as jnp
import numpy as np

N_SRC = 10000
N_DST = 10000
E = 320000
D_IN = 128
D_OUT = 128


def setup_inputs(seed: int = 0) -> dict:
    key = jax.random.key(seed)
    k1, k2, k3, k4, k5, k6, k7 = jax.random.split(key, 7)
    src_embeddings = jax.random.normal(k1, (N_SRC, D_IN), dtype=jnp.float32)
    dst_embeddings = jax.random.normal(k2, (N_DST, D_IN), dtype=jnp.float32)
    edge_index = jax.random.randint(k3, (2, E), 0, N_DST, dtype=jnp.int32)
    # message_mlp: Linear(in_dim -> out_dim) (+ReLU, Dropout is identity at eval)
    W1 = jax.random.normal(k4, (D_OUT, D_IN), dtype=jnp.float32) * (1.0 / np.sqrt(D_IN))
    b1 = jax.random.normal(k5, (D_OUT,), dtype=jnp.float32) * 0.01
    # update_mlp: Linear(in_dim + out_dim -> out_dim) (+ReLU)
    W2 = jax.random.normal(k6, (D_OUT, D_IN + D_OUT), dtype=jnp.float32) * (1.0 / np.sqrt(D_IN + D_OUT))
    b2 = jax.random.normal(k7, (D_OUT,), dtype=jnp.float32) * 0.01
    return {
        "src_embeddings": src_embeddings,
        "dst_embeddings": dst_embeddings,
        "edge_index": edge_index,
        "W1": W1,
        "b1": b1,
        "W2": W2,
        "b2": b2,
    }


def reference(src_embeddings, dst_embeddings, edge_index, W1, b1, W2, b2):
    src_idx = edge_index[0]
    dst_idx = edge_index[1]
    # messages = ReLU(Linear(src_embeddings[src_idx])); Dropout(0.2) is identity in eval mode
    gathered = jnp.take(src_embeddings, src_idx, axis=0)
    messages = jax.nn.relu(gathered @ W1.T + b1)
    num_dst = dst_embeddings.shape[0]
    # scatter-add aggregation (mean via counts, clamped to >= 1)
    aggregated = jax.ops.segment_sum(messages, dst_idx, num_segments=num_dst)
    counts = jax.ops.segment_sum(jnp.ones((messages.shape[0],), dtype=jnp.float32), dst_idx, num_segments=num_dst)
    counts = jnp.clip(counts, 1.0, None)[:, None]
    aggregated = aggregated / counts
    updated = jax.nn.relu(jnp.concatenate([dst_embeddings, aggregated], axis=1) @ W2.T + b2)
    return updated

if __name__ == "__main__":
    import jax
    _d = setup_inputs()
    print(jax.jit(kernel)(*tuple(_d.values())))

</pallas_src>

<mosaic_0001>
#map = affine_map<(d0, d1) -> (0, 0)>
#map1 = affine_map<(d0, d1) -> (0, 0, 0)>
module attributes {stable_mosaic.version = 14 : i64} {
  func.func @_sc_body(%arg0: i32, %arg1: i32, %arg2: memref<10000x128xf32, #tpu.memory_space<hbm>>, %arg3: memref<2560x128xi32, #tpu.memory_space<hbm>>, %arg4: memref<2560x128xi32, #tpu.memory_space<hbm>>, %arg5: memref<2x10112x128xf32, #tpu.memory_space<hbm>>, %arg6: memref<2x10112x8xf32, #tpu.memory_space<hbm>>, %arg7: memref<16x128xi32, #tpu.memory_space<vmem>>, %arg8: memref<16x128xi32, #tpu.memory_space<vmem>>, %arg9: memref<256x128xf32, #tpu.memory_space<vmem>>, %arg10: memref<128x8xf32, #tpu.memory_space<vmem>>, %arg11: memref<632x8xf32, #tpu.memory_space<vmem>>, %arg12: memref<10112x128xf32, #tpu.memory_space<vmem_shared>>, %arg13: memref<10112x8xf32, #tpu.memory_space<vmem_shared>>, %arg14: memref<!tpu.dma_semaphore, #tpu.memory_space<semaphore_mem>>, %arg15: memref<!tpu.dma_semaphore, #tpu.memory_space<semaphore_mem>>, %arg16: memref<!tpu.dma_semaphore, #tpu.memory_space<semaphore_mem>>) attributes {dimension_semantics = [#tpu.dimension_semantics<core_parallel>, #tpu.dimension_semantics<subcore_parallel>], iteration_bounds = array<i64: 2, 16>, scalar_prefetch = 0 : i64, scratch_operands = 10 : i64, tpu.core_type = #tpu.core_type<sc_vector_subcore>, window_params = [{transform_indices = #map}, {transform_indices = #map}, {transform_indices = #map}, {transform_indices = #map1}, {transform_indices = #map1}]} {
    %mul3A = arith.constant 632 : i32
    %mul3A_0 = arith.muli %arg1, %mul3A : i32
    %mul3A_1 = arith.constant 16 : i32
    %mul3A_2 = arith.muli %arg0, %mul3A_1 : i32
    %add3A = arith.addi %mul3A_2, %arg1 : i32
    %mul3A_3 = arith.constant 80 : i32
    %mul3A_4 = arith.muli %add3A, %mul3A_3 : i32
    %scan3A = arith.constant 0 : i32
    %scan3A_5 = arith.constant 0 : i32
    %scan3A_6 = arith.constant 64 : i32
    %scan3A_7 = arith.addi %scan3A_5, %scan3A_6 : i32
    %scan3A_8 = arith.constant 1 : i32
    scf.for %scan3A_41 = %scan3A_5 to %scan3A_7 step %scan3A_8  : i32 {
      %broadcast_in_dim3A = arith.constant 1.000000e+00 : f32
      %broadcast_in_dim3A_42 = vector.broadcast %broadcast_in_dim3A : f32 to vector<2x8xf32>
      %mul3A_43 = arith.constant 2 : i32
      %mul3A_44 = arith.muli %scan3A_41, %mul3A_43 : i32
      %swap3A = arith.index_cast %mul3A_44 : i32 to index
      %swap3A_45 = arith.constant 0 : index
      %swap3A_46 = tpu.vector_load %arg10[%swap3A, %swap3A_45] {strides = array<i32>} : memref<128x8xf32, #tpu.memory_space<vmem>>, vector<2x8xf32>,
      %swap3A_47 = vector.shape_cast %swap3A_46 : vector<2x8xf32> to vector<2x8xf32>
      %swap3A_48 = vector.shape_cast %broadcast_in_dim3A_42 : vector<2x8xf32> to vector<2x8xf32>
      tpu.vector_store %arg10[%swap3A, %swap3A_45], %swap3A_48 {strides = array<i32>} : memref<128x8xf32, #tpu.memory_space<vmem>>, vector<2x8xf32>,
    }
    %scan3A_9 = arith.constant 64 : i32
    %scan3A_10 = arith.constant 0 : i32
    %scan3A_11 = arith.constant 0 : i32
    %scan3A_12 = arith.constant 316 : i32
    %scan3A_13 = arith.addi %scan3A_11, %scan3A_12 : i32
    %scan3A_14 = arith.constant 1 : i32
    scf.for %scan3A_41 = %scan3A_11 to %scan3A_13 step %scan3A_14  : i32 {
      %broadcast_in_dim3A = arith.constant 0.000000e+00 : f32
      %broadcast_in_dim3A_42 = vector.broadcast %broadcast_in_dim3A : f32 to vector<2x8xf32>
      %mul3A_43 = arith.constant 2 : i32
      %mul3A_44 = arith.muli %scan3A_41, %mul3A_43 : i32
      %swap3A = arith.index_cast %mul3A_44 : i32 to index
      %swap3A_45 = arith.constant 0 : index
      %swap3A_46 = tpu.vector_load %arg11[%swap3A, %swap3A_45] {strides = array<i32>} : memref<632x8xf32, #tpu.memory_space<vmem>>, vector<2x8xf32>,
      %swap3A_47 = vector.shape_cast %swap3A_46 : vector<2x8xf32> to vector<2x8xf32>
      %swap3A_48 = vector.shape_cast %broadcast_in_dim3A_42 : vector<2x8xf32> to vector<2x8xf32>
      tpu.vector_store %arg11[%swap3A, %swap3A_45], %swap3A_48 {strides = array<i32>} : memref<632x8xf32, #tpu.memory_space<vmem>>, vector<2x8xf32>,
    }
    %scan3A_15 = arith.constant 316 : i32
    %scan3A_16 = arith.constant 0 : i32
    %scan3A_17 = arith.constant 0 : i32
    %scan3A_18 = arith.constant 256 : i32
    %scan3A_19 = arith.addi %scan3A_17, %scan3A_18 : i32
    %scan3A_20 = arith.constant 1 : i32
    scf.for %scan3A_41 = %scan3A_17 to %scan3A_19 step %scan3A_20  : i32 {
      %broadcast_in_dim3A = arith.constant 0.000000e+00 : f32
      %broadcast_in_dim3A_42 = vector.broadcast %broadcast_in_dim3A : f32 to vector<16xf32>
      %swap3A = arith.index_cast %scan3A_41 : i32 to index
      %swap3A_43 = arith.constant 0 : index
      %swap3A_44 = tpu.vector_load %arg9[%swap3A, %swap3A_43] {strides = array<i32>} : memref<256x128xf32, #tpu.memory_space<vmem>>, vector<1x16xf32>,
      %swap3A_45 = vector.shape_cast %swap3A_44 : vector<1x16xf32> to vector<16xf32>
      %swap3A_46 = vector.shape_cast %broadcast_in_dim3A_42 : vector<16xf32> to vector<1x16xf32>
      tpu.vector_store %arg9[%swap3A, %swap3A_43], %swap3A_46 {strides = array<i32>} : memref<256x128xf32, #tpu.memory_space<vmem>>, vector<1x16xf32>,
      %broadcast_in_dim3A_47 = arith.constant 0.000000e+00 : f32
      %broadcast_in_dim3A_48 = vector.broadcast %broadcast_in_dim3A_47 : f32 to vector<16xf32>
      %swap3A_49 = arith.index_cast %scan3A_41 : i32 to index
      %swap3A_50 = arith.constant 16 : index
      %swap3A_51 = tpu.vector_load %arg9[%swap3A_49, %swap3A_50] {strides = array<i32>} : memref<256x128xf32, #tpu.memory_space<vmem>>, vector<1x16xf32>,
      %swap3A_52 = vector.shape_cast %swap3A_51 : vector<1x16xf32> to vector<16xf32>
      %swap3A_53 = vector.shape_cast %broadcast_in_dim3A_48 : vector<16xf32> to vector<1x16xf32>
      tpu.vector_store %arg9[%swap3A_49, %swap3A_50], %swap3A_53 {strides = array<i32>} : memref<256x128xf32, #tpu.memory_space<vmem>>, vector<1x16xf32>,
      %broadcast_in_dim3A_54 = arith.constant 0.000000e+00 : f32
      %broadcast_in_dim3A_55 = vector.broadcast %broadcast_in_dim3A_54 : f32 to vector<16xf32>
      %swap3A_56 = arith.index_cast %scan3A_41 : i32 to index
      %swap3A_57 = arith.constant 32 : index
      %swap3A_58 = tpu.vector_load %arg9[%swap3A_56, %swap3A_57] {strides = array<i32>} : memref<256x128xf32, #tpu.memory_space<vmem>>, vector<1x16xf32>,
      %swap3A_59 = vector.shape_cast %swap3A_58 : vector<1x16xf32> to vector<16xf32>
      %swap3A_60 = vector.shape_cast %broadcast_in_dim3A_55 : vector<16xf32> to vector<1x16xf32>
      tpu.vector_store %arg9[%swap3A_56, %swap3A_57], %swap3A_60 {strides = array<i32>} : memref<256x128xf32, #tpu.memory_space<vmem>>, vector<1x16xf32>,
      %broadcast_in_dim3A_61 = arith.constant 0.000000e+00 : f32
      %broadcast_in_dim3A_62 = vector.broadcast %broadcast_in_dim3A_61 : f32 to vector<16xf32>
      %swap3A_63 = arith.index_cast %scan3A_41 : i32 to index
      %swap3A_64 = arith.constant 48 : index
      %swap3A_65 = tpu.vector_load %arg9[%swap3A_63, %swap3A_64] {strides = array<i32>} : memref<256x128xf32, #tpu.memory_space<vmem>>, vector<1x16xf32>,
      %swap3A_66 = vector.shape_cast %swap3A_65 : vector<1x16xf32> to vector<16xf32>
      %swap3A_67 = vector.shape_cast %broadcast_in_dim3A_62 : vector<16xf32> to vector<1x16xf32>
      tpu.vector_store %arg9[%swap3A_63, %swap3A_64], %swap3A_67 {strides = array<i32>} : memref<256x128xf32, #tpu.memory_space<vmem>>, vector<1x16xf32>,
      %broadcast_in_dim3A_68 = arith.constant 0.000000e+00 : f32
      %broadcast_in_dim3A_69 = vector.broadcast %broadcast_in_dim3A_68 : f32 to vector<16xf32>
      %swap3A_70 = arith.index_cast %scan3A_41 : i32 to index
      %swap3A_71 = arith.constant 64 : index
      %swap3A_72 = tpu.vector_load %arg9[%swap3A_70, %swap3A_71] {strides = array<i32>} : memref<256x128xf32, #tpu.memory_space<vmem>>, vector<1x16xf32>,
      %swap3A_73 = vector.shape_cast %swap3A_72 : vector<1x16xf32> to vector<16xf32>
      %swap3A_74 = vector.shape_cast %broadcast_in_dim3A_69 : vector<16xf32> to vector<1x16xf32>
      tpu.vector_store %arg9[%swap3A_70, %swap3A_71], %swap3A_74 {strides = array<i32>} : memref<256x128xf32, #tpu.memory_space<vmem>>, vector<1x16xf32>,
      %broadcast_in_dim3A_75 = arith.constant 0.000000e+00 : f32
      %broadcast_in_dim3A_76 = vector.broadcast %broadcast_in_dim3A_75 : f32 to vector<16xf32>
      %swap3A_77 = arith.index_cast %scan3A_41 : i32 to index
      %swap3A_78 = arith.constant 80 : index
      %swap3A_79 = tpu.vector_load %arg9[%swap3A_77, %swap3A_78] {strides = array<i32>} : memref<256x128xf32, #tpu.memory_space<vmem>>, vector<1x16xf32>,
      %swap3A_80 = vector.shape_cast %swap3A_79 : vector<1x16xf32> to vector<16xf32>
      %swap3A_81 = vector.shape_cast %broadcast_in_dim3A_76 : vector<16xf32> to vector<1x16xf32>
      tpu.vector_store %arg9[%swap3A_77, %swap3A_78], %swap3A_81 {strides = array<i32>} : memref<256x128xf32, #tpu.memory_space<vmem>>, vector<1x16xf32>,
      %broadcast_in_dim3A_82 = arith.constant 0.000000e+00 : f32
      %broadcast_in_dim3A_83 = vector.broadcast %broadcast_in_dim3A_82 : f32 to vector<16xf32>
      %swap3A_84 = arith.index_cast %scan3A_41 : i32 to index
      %swap3A_85 = arith.constant 96 : index
      %swap3A_86 = tpu.vector_load %arg9[%swap3A_84, %swap3A_85] {strides = array<i32>} : memref<256x128xf32, #tpu.memory_space<vmem>>, vector<1x16xf32>,
      %swap3A_87 = vector.shape_cast %swap3A_86 : vector<1x16xf32> to vector<16xf32>
      %swap3A_88 = vector.shape_cast %broadcast_in_dim3A_83 : vector<16xf32> to vector<1x16xf32>
      tpu.vector_store %arg9[%swap3A_84, %swap3A_85], %swap3A_88 {strides = array<i32>} : memref<256x128xf32, #tpu.memory_space<vmem>>, vector<1x16xf32>,
      %broadcast_in_dim3A_89 = arith.constant 0.000000e+00 : f32
      %broadcast_in_dim3A_90 = vector.broadcast %broadcast_in_dim3A_89 : f32 to vector<16xf32>
      %swap3A_91 = arith.index_cast %scan3A_41 : i32 to index
      %swap3A_92 = arith.constant 112 : index
      %swap3A_93 = tpu.vector_load %arg9[%swap3A_91, %swap3A_92] {strides = array<i32>} : memref<256x128xf32, #tpu.memory_space<vmem>>, vector<1x16xf32>,
      %swap3A_94 = vector.shape_cast %swap3A_93 : vector<1x16xf32> to vector<16xf32>
      %swap3A_95 = vector.shape_cast %broadcast_in_dim3A_90 : vector<16xf32> to vector<1x16xf32>
      tpu.vector_store %arg9[%swap3A_91, %swap3A_92], %swap3A_95 {strides = array<i32>} : memref<256x128xf32, #tpu.memory_space<vmem>>, vector<1x16xf32>,
    }
    %scan3A_21 = arith.constant 256 : i32
    "tpu.region"() ({
      %run_scoped3A = tpu.sem_alloc : memref<!tpu.dma_semaphore, #tpu.memory_space<semaphore_mem>>
      %dma_start3A = arith.constant 0 : i32
      %dma_start3A_41 = tpu.memref_slice %arg12[%mul3A_0, %dma_start3A] : memref<10112x128xf32, #tpu.memory_space<vmem_shared>> -> memref<256x128xf32, #tpu.memory_space<vmem_shared>>
      %dma_start3A_42 = arith.constant 0 : i32
      %dma_start3A_43 = tpu.memref_slice %arg12[%mul3A_0, %dma_start3A_42] : memref<10112x128xf32, #tpu.memory_space<vmem_shared>> -> memref<256x128xf32, #tpu.memory_space<vmem_shared>>
      tpu.enqueue_dma source(%arg9 : memref<256x128xf32, #tpu.memory_space<vmem>>) target(%dma_start3A_43 : memref<256x128xf32, #tpu.memory_space<vmem_shared>>) target_semaphore(%run_scoped3A : memref<!tpu.dma_semaphore, #tpu.memory_space<semaphore_mem>>)
      %dma_wait3A = arith.constant 0 : i32
      %dma_wait3A_44 = tpu.memref_slice %arg12[%mul3A_0, %dma_wait3A] : memref<10112x128xf32, #tpu.memory_space<vmem_shared>> -> memref<256x128xf32, #tpu.memory_space<vmem_shared>>
      %dma_wait3A_45 = arith.constant 0 : i32
      %dma_wait3A_46 = tpu.memref_slice %arg12[%mul3A_0, %dma_wait3A_45] : memref<10112x128xf32, #tpu.memory_space<vmem_shared>> -> memref<256x128xf32, #tpu.memory_space<vmem_shared>>
      tpu.wait_dma2 semaphore(%run_scoped3A : memref<!tpu.dma_semaphore, #tpu.memory_space<semaphore_mem>>) src(%arg9 : memref<256x128xf32, #tpu.memory_space<vmem>>) dst(%dma_wait3A_46 : memref<256x128xf32, #tpu.memory_space<vmem_shared>>)
      tpu.yield
    }) : () -> ()
    %add3A_22 = arith.constant 256 : i32
    %add3A_23 = arith.addi %mul3A_0, %add3A_22 : i32
    "tpu.region"() ({
      %run_scoped3A = tpu.sem_alloc : memref<!tpu.dma_semaphore, #tpu.memory_space<semaphore_mem>>
      %dma_start3A = arith.constant 0 : i32
      %dma_start3A_41 = tpu.memref_slice %arg12[%add3A_23, %dma_start3A] : memref<10112x128xf32, #tpu.memory_space<vmem_shared>> -> memref<256x128xf32, #tpu.memory_space<vmem_shared>>
      %dma_start3A_42 = arith.constant 0 : i32
      %dma_start3A_43 = tpu.memref_slice %arg12[%add3A_23, %dma_start3A_42] : memref<10112x128xf32, #tpu.memory_space<vmem_shared>> -> memref<256x128xf32, #tpu.memory_space<vmem_shared>>
      tpu.enqueue_dma source(%arg9 : memref<256x128xf32, #tpu.memory_space<vmem>>) target(%dma_start3A_43 : memref<256x128xf32, #tpu.memory_space<vmem_shared>>) target_semaphore(%run_scoped3A : memref<!tpu.dma_semaphore, #tpu.memory_space<semaphore_mem>>)
      %dma_wait3A = arith.constant 0 : i32
      %dma_wait3A_44 = tpu.memref_slice %arg12[%add3A_23, %dma_wait3A] : memref<10112x128xf32, #tpu.memory_space<vmem_shared>> -> memref<256x128xf32, #tpu.memory_space<vmem_shared>>
      %dma_wait3A_45 = arith.constant 0 : i32
      %dma_wait3A_46 = tpu.memref_slice %arg12[%add3A_23, %dma_wait3A_45] : memref<10112x128xf32, #tpu.memory_space<vmem_shared>> -> memref<256x128xf32, #tpu.memory_space<vmem_shared>>
      tpu.wait_dma2 semaphore(%run_scoped3A : memref<!tpu.dma_semaphore, #tpu.memory_space<semaphore_mem>>) src(%arg9 : memref<256x128xf32, #tpu.memory_space<vmem>>) dst(%dma_wait3A_46 : memref<256x128xf32, #tpu.memory_space<vmem_shared>>)
      tpu.yield
    }) : () -> ()
    %add3A_24 = arith.constant 512 : i32
    %add3A_25 = arith.addi %mul3A_0, %add3A_24 : i32
    "tpu.region"() ({
      %run_scoped3A = tpu.sem_alloc : memref<!tpu.dma_semaphore, #tpu.memory_space<semaphore_mem>>
      %dma_start3A = arith.constant 0 : i32
      %dma_start3A_41 = arith.constant 0 : i32
      %dma_start3A_42 = tpu.memref_slice %arg9[%dma_start3A, %dma_start3A_41] : memref<256x128xf32, #tpu.memory_space<vmem>> -> memref<120x128xf32, #tpu.memory_space<vmem>>
      %dma_start3A_43 = arith.constant 0 : i32
      %dma_start3A_44 = tpu.memref_slice %arg12[%add3A_25, %dma_start3A_43] : memref<10112x128xf32, #tpu.memory_space<vmem_shared>> -> memref<120x128xf32, #tpu.memory_space<vmem_shared>>
      %dma_start3A_45 = arith.constant 0 : i32
      %dma_start3A_46 = tpu.memref_slice %arg12[%add3A_25, %dma_start3A_45] : memref<10112x128xf32, #tpu.memory_space<vmem_shared>> -> memref<120x128xf32, #tpu.memory_space<vmem_shared>>
      %dma_start3A_47 = arith.constant 0 : i32
      %dma_start3A_48 = arith.constant 0 : i32
      %dma_start3A_49 = tpu.memref_slice %arg9[%dma_start3A_47, %dma_start3A_48] : memref<256x128xf32, #tpu.memory_space<vmem>> -> memref<120x128xf32, #tpu.memory_space<vmem>>
      tpu.enqueue_dma source(%dma_start3A_49 : memref<120x128xf32, #tpu.memory_space<vmem>>) target(%dma_start3A_46 : memref<120x128xf32, #tpu.memory_space<vmem_shared>>) target_semaphore(%run_scoped3A : memref<!tpu.dma_semaphore, #tpu.memory_space<semaphore_mem>>)
      %dma_wait3A = arith.constant 0 : i32
      %dma_wait3A_50 = arith.constant 0 : i32
      %dma_wait3A_51 = tpu.memref_slice %arg9[%dma_wait3A, %dma_wait3A_50] : memref<256x128xf32, #tpu.memory_space<vmem>> -> memref<120x128xf32, #tpu.memory_space<vmem>>
      %dma_wait3A_52 = arith.constant 0 : i32
      %dma_wait3A_53 = tpu.memref_slice %arg12[%add3A_25, %dma_wait3A_52] : memref<10112x128xf32, #tpu.memory_space<vmem_shared>> -> memref<120x128xf32, #tpu.memory_space<vmem_shared>>
      %dma_wait3A_54 = arith.constant 0 : i32
      %dma_wait3A_55 = tpu.memref_slice %arg12[%add3A_25, %dma_wait3A_54] : memref<10112x128xf32, #tpu.memory_space<vmem_shared>> -> memref<120x128xf32, #tpu.memory_space<vmem_shared>>
      %dma_wait3A_56 = arith.constant 0 : i32
      %dma_wait3A_57 = arith.constant 0 : i32
      %dma_wait3A_58 = tpu.memref_slice %arg9[%dma_wait3A_56, %dma_wait3A_57] : memref<256x128xf32, #tpu.memory_space<vmem>> -> memref<120x128xf32, #tpu.memory_space<vmem>>
      tpu.wait_dma2 semaphore(%run_scoped3A : memref<!tpu.dma_semaphore, #tpu.memory_space<semaphore_mem>>) src(%dma_wait3A_58 : memref<120x128xf32, #tpu.memory_space<vmem>>) dst(%dma_wait3A_55 : memref<120x128xf32, #tpu.memory_space<vmem_shared>>)
      tpu.yield
    }) : () -> ()
    "tpu.region"() ({
      %run_scoped3A = tpu.sem_alloc : memref<!tpu.dma_semaphore, #tpu.memory_space<semaphore_mem>>
      %dma_start3A = arith.constant 0 : i32
      %dma_start3A_41 = tpu.memref_slice %arg13[%mul3A_0, %dma_start3A] : memref<10112x8xf32, #tpu.memory_space<vmem_shared>> -> memref<632x8xf32, #tpu.memory_space<vmem_shared>>
      %dma_start3A_42 = arith.constant 0 : i32
      %dma_start3A_43 = tpu.memref_slice %arg13[%mul3A_0, %dma_start3A_42] : memref<10112x8xf32, #tpu.memory_space<vmem_shared>> -> memref<632x8xf32, #tpu.memory_space<vmem_shared>>
      tpu.enqueue_dma source(%arg11 : memref<632x8xf32, #tpu.memory_space<vmem>>) target(%dma_start3A_43 : memref<632x8xf32, #tpu.memory_space<vmem_shared>>) target_semaphore(%run_scoped3A : memref<!tpu.dma_semaphore, #tpu.memory_space<semaphore_mem>>)
      %dma_wait3A = arith.constant 0 : i32
      %dma_wait3A_44 = tpu.memref_slice %arg13[%mul3A_0, %dma_wait3A] : memref<10112x8xf32, #tpu.memory_space<vmem_shared>> -> memref<632x8xf32, #tpu.memory_space<vmem_shared>>
      %dma_wait3A_45 = arith.constant 0 : i32
      %dma_wait3A_46 = tpu.memref_slice %arg13[%mul3A_0, %dma_wait3A_45] : memref<10112x8xf32, #tpu.memory_space<vmem_shared>> -> memref<632x8xf32, #tpu.memory_space<vmem_shared>>
      tpu.wait_dma2 semaphore(%run_scoped3A : memref<!tpu.dma_semaphore, #tpu.memory_space<semaphore_mem>>) src(%arg11 : memref<632x8xf32, #tpu.memory_space<vmem>>) dst(%dma_wait3A_46 : memref<632x8xf32, #tpu.memory_space<vmem_shared>>)
      tpu.yield
    }) : () -> ()
    %barrier3A = arith.constant 0 : index
    tpu.barrier barrier_id(%barrier3A)
    %scan3A_26 = arith.constant 0 : i32
    %scan3A_27 = arith.constant 0 : i32
    %scan3A_28 = arith.constant 5 : i32
    %scan3A_29 = arith.addi %scan3A_27, %scan3A_28 : i32
    %scan3A_30 = arith.constant 1 : i32
    scf.for %scan3A_41 = %scan3A_27 to %scan3A_29 step %scan3A_30  : i32 {
      %mul3A_42 = arith.constant 16 : i32
      %mul3A_43 = arith.muli %scan3A_41, %mul3A_42 : i32
      %add3A_44 = arith.addi %mul3A_4, %mul3A_43 : i32
      "tpu.region"() ({
        %run_scoped3A = tpu.sem_alloc : memref<!tpu.dma_semaphore, #tpu.memory_space<semaphore_mem>>
        %dma_start3A_907 = arith.constant 0 : i32
        %dma_start3A_908 = tpu.memref_slice %arg3[%add3A_44, %dma_start3A_907] : memref<2560x128xi32, #tpu.memory_space<hbm>> -> memref<16x128xi32, #tpu.memory_space<hbm>>
        %dma_start3A_909 = arith.constant 0 : i32
        %dma_start3A_910 = tpu.memref_slice %arg3[%add3A_44, %dma_start3A_909] : memref<2560x128xi32, #tpu.memory_space<hbm>> -> memref<16x128xi32, #tpu.memory_space<hbm>>
        tpu.enqueue_dma source(%dma_start3A_910 : memref<16x128xi32, #tpu.memory_space<hbm>>) target(%arg7 : memref<16x128xi32, #tpu.memory_space<vmem>>) target_semaphore(%run_scoped3A : memref<!tpu.dma_semaphore, #tpu.memory_space<semaphore_mem>>)
        %dma_wait3A_911 = arith.constant 0 : i32
        %dma_wait3A_912 = tpu.memref_slice %arg3[%add3A_44, %dma_wait3A_911] : memref<2560x128xi32, #tpu.memory_space<hbm>> -> memref<16x128xi32, #tpu.memory_space<hbm>>
        %dma_wait3A_913 = arith.constant 0 : i32
        %dma_wait3A_914 = tpu.memref_slice %arg3[%add3A_44, %dma_wait3A_913] : memref<2560x128xi32, #tpu.memory_space<hbm>> -> memref<16x128xi32, #tpu.memory_space<hbm>>
        tpu.wait_dma2 semaphore(%run_scoped3A : memref<!tpu.dma_semaphore, #tpu.memory_space<semaphore_mem>>) src(%dma_wait3A_914 : memref<16x128xi32, #tpu.memory_space<hbm>>) dst(%arg7 : memref<16x128xi32, #tpu.memory_space<vmem>>)
        tpu.yield
      }) : () -> ()
      "tpu.region"() ({
        %run_scoped3A = tpu.sem_alloc : memref<!tpu.dma_semaphore, #tpu.memory_space<semaphore_mem>>
        %dma_start3A_907 = arith.constant 0 : i32
        %dma_start3A_908 = tpu.memref_slice %arg4[%add3A_44, %dma_start3A_907] : memref<2560x128xi32, #tpu.memory_space<hbm>> -> memref<16x128xi32, #tpu.memory_space<hbm>>
        %dma_start3A_909 = arith.constant 0 : i32
        %dma_start3A_910 = tpu.memref_slice %arg4[%add3A_44, %dma_start3A_909] : memref<2560x128xi32, #tpu.memory_space<hbm>> -> memref<16x128xi32, #tpu.memory_space<hbm>>
        tpu.enqueue_dma source(%dma_start3A_910 : memref<16x128xi32, #tpu.memory_space<hbm>>) target(%arg8 : memref<16x128xi32, #tpu.memory_space<vmem>>) target_semaphore(%run_scoped3A : memref<!tpu.dma_semaphore, #tpu.memory_space<semaphore_mem>>)
        %dma_wait3A_911 = arith.constant 0 : i32
        %dma_wait3A_912 = tpu.memref_slice %arg4[%add3A_44, %dma_wait3A_911] : memref<2560x128xi32, #tpu.memory_space<hbm>> -> memref<16x128xi32, #tpu.memory_space<hbm>>
        %dma_wait3A_913 = arith.constant 0 : i32
        %dma_wait3A_914 = tpu.memref_slice %arg4[%add3A_44, %dma_wait3A_913] : memref<2560x128xi32, #tpu.memory_space<hbm>> -> memref<16x128xi32, #tpu.memory_space<hbm>>
        tpu.wait_dma2 semaphore(%run_scoped3A : memref<!tpu.dma_semaphore, #tpu.memory_space<semaphore_mem>>) src(%dma_wait3A_914 : memref<16x128xi32, #tpu.memory_space<hbm>>) dst(%arg8 : memref<16x128xi32, #tpu.memory_space<vmem>>)
        tpu.yield
      }) : () -> ()
      %dma_start3A = arith.constant 0 : i32
      %dma_start3A_45 = arith.constant 0 : i32
      %dma_start3A_46 = arith.constant 0 : i32
      %dma_start3A_47 = tpu.memref_slice %arg9[%dma_start3A_45, %dma_start3A_46] : memref<256x128xf32, #tpu.memory_space<vmem>> -> memref<128x128xf32, #tpu.memory_space<vmem>>
      %dma_start3A_48 = arith.constant 0 : i32
      %dma_start3A_49 = tpu.memref_slice %arg7[%dma_start3A, %dma_start3A_48] : memref<16x128xi32, #tpu.memory_space<vmem>> -> memref<1x128xi32, #tpu.memory_space<vmem>>
      %dma_start3A_50 = tpu.memref_squeeze %dma_start3A_49 : memref<1x128xi32, #tpu.memory_space<vmem>> -> memref<128xi32, #tpu.memory_space<vmem>>
      %dma_start3A_51 = arith.constant 0 : i32
      %dma_start3A_52 = arith.constant 0 : i32
      %dma_start3A_53 = tpu.memref_slice %arg2[%dma_start3A_51, %dma_start3A_52] : memref<10000x128xf32, #tpu.memory_space<hbm>> -> memref<10000x128xf32, #tpu.memory_space<hbm>>
      tpu.enqueue_indirect_dma source(%dma_start3A_53 : memref<10000x128xf32, #tpu.memory_space<hbm>>) target(%dma_start3A_47 : memref<128x128xf32, #tpu.memory_space<vmem>>) offsets(%dma_start3A_50 : memref<128xi32, #tpu.memory_space<vmem>>) semaphore(%arg14 : memref<!tpu.dma_semaphore, #tpu.memory_space<semaphore_mem>>)
      %dma_start3A_54 = arith.constant 1 : i32
      %dma_start3A_55 = arith.constant 128 : i32
      %dma_start3A_56 = arith.constant 0 : i32
      %dma_start3A_57 = tpu.memref_slice %arg9[%dma_start3A_55, %dma_start3A_56] : memref<256x128xf32, #tpu.memory_space<vmem>> -> memref<128x128xf32, #tpu.memory_space<vmem>>
      %dma_start3A_58 = arith.constant 0 : i32
      %dma_start3A_59 = tpu.memref_slice %arg7[%dma_start3A_54, %dma_start3A_58] : memref<16x128xi32, #tpu.memory_space<vmem>> -> memref<1x128xi32, #tpu.memory_space<vmem>>
      %dma_start3A_60 = tpu.memref_squeeze %dma_start3A_59 : memref<1x128xi32, #tpu.memory_space<vmem>> -> memref<128xi32, #tpu.memory_space<vmem>>
      %dma_start3A_61 = arith.constant 0 : i32
      %dma_start3A_62 = arith.constant 0 : i32
      %dma_start3A_63 = tpu.memref_slice %arg2[%dma_start3A_61, %dma_start3A_62] : memref<10000x128xf32, #tpu.memory_space<hbm>> -> memref<10000x128xf32, #tpu.memory_space<hbm>>
      tpu.enqueue_indirect_dma source(%dma_start3A_63 : memref<10000x128xf32, #tpu.memory_space<hbm>>) target(%dma_start3A_57 : memref<128x128xf32, #tpu.memory_space<vmem>>) offsets(%dma_start3A_60 : memref<128xi32, #tpu.memory_space<vmem>>) semaphore(%arg14 : memref<!tpu.dma_semaphore, #tpu.memory_space<semaphore_mem>>)
      %dma_wait3A = arith.constant 0 : i32
      %dma_wait3A_64 = arith.constant 0 : i32
      %dma_wait3A_65 = arith.constant 0 : i32
      %dma_wait3A_66 = tpu.memref_slice %arg9[%dma_wait3A_64, %dma_wait3A_65] : memref<256x128xf32, #tpu.memory_space<vmem>> -> memref<128x128xf32, #tpu.memory_space<vmem>>
      %dma_wait3A_67 = arith.constant 0 : i32
      %dma_wait3A_68 = tpu.memref_slice %arg7[%dma_wait3A, %dma_wait3A_67] : memref<16x128xi32, #tpu.memory_space<vmem>> -> memref<1x128xi32, #tpu.memory_space<vmem>>
      %dma_wait3A_69 = tpu.memref_squeeze %dma_wait3A_68 : memref<1x128xi32, #tpu.memory_space<vmem>> -> memref<128xi32, #tpu.memory_space<vmem>>
      %dma_wait3A_70 = arith.constant 0 : i32
      %dma_wait3A_71 = arith.constant 0 : i32
      %dma_wait3A_72 = tpu.memref_slice %arg2[%dma_wait3A_70, %dma_wait3A_71] : memref<10000x128xf32, #tpu.memory_space<hbm>> -> memref<10000x128xf32, #tpu.memory_space<hbm>>
      tpu.wait_indirect_dma semaphore(%arg14 : memref<!tpu.dma_semaphore, #tpu.memory_space<semaphore_mem>>) src(%dma_wait3A_72 : memref<10000x128xf32, #tpu.memory_space<hbm>>) dst(%dma_wait3A_66 : memref<128x128xf32, #tpu.memory_space<vmem>>)
      %dma_start3A_73 = arith.constant 0 : i32
      %dma_start3A_74 = arith.constant 0 : i32
      %dma_start3A_75 = arith.constant 0 : i32
      %dma_start3A_76 = tpu.memref_slice %arg9[%dma_start3A_74, %dma_start3A_75] : memref<256x128xf32, #tpu.memory_space<vmem>> -> memref<128x128xf32, #tpu.memory_space<vmem>>
      %dma_start3A_77 = arith.constant 0 : i32
      %dma_start3A_78 = tpu.memref_slice %arg8[%dma_start3A_73, %dma_start3A_77] : memref<16x128xi32, #tpu.memory_space<vmem>> -> memref<1x128xi32, #tpu.memory_space<vmem>>
      %dma_start3A_79 = tpu.memref_squeeze %dma_start3A_78 : memref<1x128xi32, #tpu.memory_space<vmem>> -> memref<128xi32, #tpu.memory_space<vmem>>
      %dma_start3A_80 = arith.constant 0 : i32
      %dma_start3A_81 = arith.constant 0 : i32
      %dma_start3A_82 = tpu.memref_slice %arg12[%dma_start3A_80, %dma_start3A_81] : memref<10112x128xf32, #tpu.memory_space<vmem_shared>> -> memref<10112x128xf32, #tpu.memory_space<vmem_shared>>
      tpu.enqueue_indirect_dma source(%dma_start3A_76 : memref<128x128xf32, #tpu.memory_space<vmem>>) target(%dma_start3A_82 : memref<10112x128xf32, #tpu.memory_space<vmem_shared>>) offsets(%dma_start3A_79 : memref<128xi32, #tpu.memory_space<vmem>>) semaphore(%arg15 : memref<!tpu.dma_semaphore, #tpu.memory_space<semaphore_mem>>) {add = true}
      %dma_start3A_83 = arith.constant 0 : i32
      %dma_start3A_84 = arith.constant 0 : i32
      %dma_start3A_85 = tpu.memref_slice %arg8[%dma_start3A_83, %dma_start3A_84] : memref<16x128xi32, #tpu.memory_space<vmem>> -> memref<1x128xi32, #tpu.memory_space<vmem>>
      %dma_start3A_86 = tpu.memref_squeeze %dma_start3A_85 : memref<1x128xi32, #tpu.memory_space<vmem>> -> memref<128xi32, #tpu.memory_space<vmem>>
      %dma_start3A_87 = arith.constant 0 : i32
      %dma_start3A_88 = arith.constant 0 : i32
      %dma_start3A_89 = tpu.memref_slice %arg13[%dma_start3A_87, %dma_start3A_88] : memref<10112x8xf32, #tpu.memory_space<vmem_shared>> -> memref<10112x8xf32, #tpu.memory_space<vmem_shared>>
      tpu.enqueue_indirect_dma source(%arg10 : memref<128x8xf32, #tpu.memory_space<vmem>>) target(%dma_start3A_89 : memref<10112x8xf32, #tpu.memory_space<vmem_shared>>) offsets(%dma_start3A_86 : memref<128xi32, #tpu.memory_space<vmem>>) semaphore(%arg16 : memref<!tpu.dma_semaphore, #tpu.memory_space<semaphore_mem>>) {add = true}
      %dma_wait3A_90 = arith.constant 0 : i32
      %dma_wait3A_91 = arith.constant 0 : i32
      %dma_wait3A_92 = arith.constant 0 : i32
      %dma_wait3A_93 = tpu.memref_slice %arg9[%dma_wait3A_91, %dma_wait3A_92] : memref<256x128xf32, #tpu.memory_space<vmem>> -> memref<128x128xf32, #tpu.memory_space<vmem>>
      %dma_wait3A_94 = arith.constant 0 : i32
      %dma_wait3A_95 = tpu.memref_slice %arg8[%dma_wait3A_90, %dma_wait3A_94] : memref<16x128xi32, #tpu.memory_space<vmem>> -> memref<1x128xi32, #tpu.memory_space<vmem>>
      %dma_wait3A_96 = tpu.memref_squeeze %dma_wait3A_95 : memref<1x128xi32, #tpu.memory_space<vmem>> -> memref<128xi32, #tpu.memory_space<vmem>>
      %dma_wait3A_97 = arith.constant 0 : i32
      %dma_wait3A_98 = arith.constant 0 : i32
      %dma_wait3A_99 = tpu.memref_slice %arg12[%dma_wait3A_97, %dma_wait3A_98] : memref<10112x128xf32, #tpu.memory_space<vmem_shared>> -> memref<10112x128xf32, #tpu.memory_space<vmem_shared>>
      tpu.wait_indirect_dma semaphore(%arg15 : memref<!tpu.dma_semaphore, #tpu.memory_space<semaphore_mem>>) src(%dma_wait3A_93 : memref<128x128xf32, #tpu.memory_space<vmem>>) dst(%dma_wait3A_99 : memref<10112x128xf32, #tpu.memory_space<vmem_shared>>)
      %dma_start3A_100 = arith.constant 2 : i32
      %dma_start3A_101 = arith.constant 0 : i32
      %dma_start3A_102 = arith.constant 0 : i32
      %dma_start3A_103 = tpu.memref_slice %arg9[%dma_start3A_101, %dma_start3A_102] : memref<256x128xf32, #tpu.memory_space<vmem>> -> memref<128x128xf32, #tpu.memory_space<vmem>>
      %dma_start3A_104 = arith.constant 0 : i32
      %dma_start3A_105 = tpu.memref_slice %arg7[%dma_start3A_100, %dma_start3A_104] : memref<16x128xi32, #tpu.memory_space<vmem>> -> memref<1x128xi32, #tpu.memory_space<vmem>>
      %dma_start3A_106 = tpu.memref_squeeze %dma_start3A_105 : memref<1x128xi32, #tpu.memory_space<vmem>> -> memref<128xi32, #tpu.memory_space<vmem>>
      %dma_start3A_107 = arith.constant 0 : i32
      %dma_start3A_108 = arith.constant 0 : i32
      %dma_start3A_109 = tpu.memref_slice %arg2[%dma_start3A_107, %dma_start3A_108] : memref<10000x128xf32, #tpu.memory_space<hbm>> -> memref<10000x128xf32, #tpu.memory_space<hbm>>
      tpu.enqueue_indirect_dma source(%dma_start3A_109 : memref<10000x128xf32, #tpu.memory_space<hbm>>) target(%dma_start3A_103 : memref<128x128xf32, #tpu.memory_space<vmem>>) offsets(%dma_start3A_106 : memref<128xi32, #tpu.memory_space<vmem>>) semaphore(%arg14 : memref<!tpu.dma_semaphore, #tpu.memory_space<semaphore_mem>>)
      %dma_wait3A_110 = arith.constant 1 : i32
      %dma_wait3A_111 = arith.constant 128 : i32
      %dma_wait3A_112 = arith.constant 0 : i32
      %dma_wait3A_113 = tpu.memref_slice %arg9[%dma_wait3A_111, %dma_wait3A_112] : memref<256x128xf32, #tpu.memory_space<vmem>> -> memref<128x128xf32, #tpu.memory_space<vmem>>
      %dma_wait3A_114 = arith.constant 0 : i32
      %dma_wait3A_115 = tpu.memref_slice %arg7[%dma_wait3A_110, %dma_wait3A_114] : memref<16x128xi32, #tpu.memory_space<vmem>> -> memref<1x128xi32, #tpu.memory_space<vmem>>
      %dma_wait3A_116 = tpu.memref_squeeze %dma_wait3A_115 : memref<1x128xi32, #tpu.memory_space<vmem>> -> memref<128xi32, #tpu.memory_space<vmem>>
      %dma_wait3A_117 = arith.constant 0 : i32
      %dma_wait3A_118 = arith.constant 0 : i32
      %dma_wait3A_119 = tpu.memref_slice %arg2[%dma_wait3A_117, %dma_wait3A_118] : memref<10000x128xf32, #tpu.memory_space<hbm>> -> memref<10000x128xf32, #tpu.memory_space<hbm>>
      tpu.wait_indirect_dma semaphore(%arg14 : memref<!tpu.dma_semaphore, #tpu.memory_space<semaphore_mem>>) src(%dma_wait3A_119 : memref<10000x128xf32, #tpu.memory_space<hbm>>) dst(%dma_wait3A_113 : memref<128x128xf32, #tpu.memory_space<vmem>>)
      %dma_start3A_120 = arith.constant 1 : i32
      %dma_start3A_121 = arith.constant 128 : i32
      %dma_start3A_122 = arith.constant 0 : i32
      %dma_start3A_123 = tpu.memref_slice %arg9[%dma_start3A_121, %dma_start3A_122] : memref<256x128xf32, #tpu.memory_space<vmem>> -> memref<128x128xf32, #tpu.memory_space<vmem>>
      %dma_start3A_124 = arith.constant 0 : i32
      %dma_start3A_125 = tpu.memref_slice %arg8[%dma_start3A_120, %dma_start3A_124] : memref<16x128xi32, #tpu.memory_space<vmem>> -> memref<1x128xi32, #tpu.memory_space<vmem>>
      %dma_start3A_126 = tpu.memref_squeeze %dma_start3A_125 : memref<1x128xi32, #tpu.memory_space<vmem>> -> memref<128xi32, #tpu.memory_space<vmem>>
      %dma_start3A_127 = arith.constant 0 : i32
      %dma_start3A_128 = arith.constant 0 : i32
      %dma_start3A_129 = tpu.memref_slice %arg12[%dma_start3A_127, %dma_start3A_128] : memref<10112x128xf32, #tpu.memory_space<vmem_shared>> -> memref<10112x128xf32, #tpu.memory_space<vmem_shared>>
      tpu.enqueue_indirect_dma source(%dma_start3A_123 : memref<128x128xf32, #tpu.memory_space<vmem>>) target(%dma_start3A_129 : memref<10112x128xf32, #tpu.memory_space<vmem_shared>>) offsets(%dma_start3A_126 : memref<128xi32, #tpu.memory_space<vmem>>) semaphore(%arg15 : memref<!tpu.dma_semaphore, #tpu.memory_space<semaphore_mem>>) {add = true}
      %dma_start3A_130 = arith.constant 1 : i32
      %dma_start3A_131 = arith.constant 0 : i32
      %dma_start3A_132 = tpu.memref_slice %arg8[%dma_start3A_130, %dma_start3A_131] : memref<16x128xi32, #tpu.memory_space<vmem>> -> memref<1x128xi32, #tpu.memory_space<vmem>>
      %dma_start3A_133 = tpu.memref_squeeze %dma_start3A_132 : memref<1x128xi32, #tpu.memory_space<vmem>> -> memref<128xi32, #tpu.memory_space<vmem>>
      %dma_start3A_134 = arith.constant 0 : i32
      %dma_start3A_135 = arith.constant 0 : i32
      %dma_start3A_136 = tpu.memref_slice %arg13[%dma_start3A_134, %dma_start3A_135] : memref<10112x8xf32, #tpu.memory_space<vmem_shared>> -> memref<10112x8xf32, #tpu.memory_space<vmem_shared>>
      tpu.enqueue_indirect_dma source(%arg10 : memref<128x8xf32, #tpu.memory_space<vmem>>) target(%dma_start3A_136 : memref<10112x8xf32, #tpu.memory_space<vmem_shared>>) offsets(%dma_start3A_133 : memref<128xi32, #tpu.memory_space<vmem>>) semaphore(%arg16 : memref<!tpu.dma_semaphore, #tpu.memory_space<semaphore_mem>>) {add = true}
      %dma_wait3A_137 = arith.constant 0 : i32
      %dma_wait3A_138 = arith.constant 0 : i32
      %dma_wait3A_139 = tpu.memref_slice %arg8[%dma_wait3A_137, %dma_wait3A_138] : memref<16x128xi32, #tpu.memory_space<vmem>> -> memref<1x128xi32, #tpu.memory_space<vmem>>
      %dma_wait3A_140 = tpu.memref_squeeze %dma_wait3A_139 : memref<1x128xi32, #tpu.memory_space<vmem>> -> memref<128xi32, #tpu.memory_space<vmem>>
      %dma_wait3A_141 = arith.constant 0 : i32
      %dma_wait3A_142 = arith.constant 0 : i32
      %dma_wait3A_143 = tpu.memref_slice %arg13[%dma_wait3A_141, %dma_wait3A_142] : memref<10112x8xf32, #tpu.memory_space<vmem_shared>> -> memref<10112x8xf32, #tpu.memory_space<vmem_shared>>
      tpu.wait_indirect_dma semaphore(%arg16 : memref<!tpu.dma_semaphore, #tpu.memory_space<semaphore_mem>>) src(%arg10 : memref<128x8xf32, #tpu.memory_space<vmem>>) dst(%dma_wait3A_143 : memref<10112x8xf32, #tpu.memory_space<vmem_shared>>)
      %dma_wait3A_144 = arith.constant 1 : i32
      %dma_wait3A_145 = arith.constant 128 : i32
      %dma_wait3A_146 = arith.constant 0 : i32
      %dma_wait3A_147 = tpu.memref_slice %arg9[%dma_wait3A_145, %dma_wait3A_146] : memref<256x128xf32, #tpu.memory_space<vmem>> -> memref<128x128xf32, #tpu.memory_space<vmem>>
      %dma_wait3A_148 = arith.constant 0 : i32
      %dma_wait3A_149 = tpu.memref_slice %arg8[%dma_wait3A_144, %dma_wait3A_148] : memref<16x128xi32, #tpu.memory_space<vmem>> -> memref<1x128xi32, #tpu.memory_space<vmem>>
      %dma_wait3A_150 = tpu.memref_squeeze %dma_wait3A_149 : memref<1x128xi32, #tpu.memory_space<vmem>> -> memref<128xi32, #tpu.memory_space<vmem>>
      %dma_wait3A_151 = arith.constant 0 : i32
      %dma_wait3A_152 = arith.constant 0 : i32
      %dma_wait3A_153 = tpu.memref_slice %arg12[%dma_wait3A_151, %dma_wait3A_152] : memref<10112x128xf32, #tpu.memory_space<vmem_shared>> -> memref<10112x128xf32, #tpu.memory_space<vmem_shared>>
      tpu.wait_indirect_dma semaphore(%arg15 : memref<!tpu.dma_semaphore, #tpu.memory_space<semaphore_mem>>) src(%dma_wait3A_147 : memref<128x128xf32, #tpu.memory_space<vmem>>) dst(%dma_wait3A_153 : memref<10112x128xf32, #tpu.memory_space<vmem_shared>>)
      %dma_start3A_154 = arith.constant 3 : i32
      %dma_start3A_155 = arith.constant 128 : i32
      %dma_start3A_156 = arith.constant 0 : i32
      %dma_start3A_157 = tpu.memref_slice %arg9[%dma_start3A_155, %dma_start3A_156] : memref<256x128xf32, #tpu.memory_space<vmem>> -> memref<128x128xf32, #tpu.memory_space<vmem>>
      %dma_start3A_158 = arith.constant 0 : i32
      %dma_start3A_159 = tpu.memref_slice %arg7[%dma_start3A_154, %dma_start3A_158] : memref<16x128xi32, #tpu.memory_space<vmem>> -> memref<1x128xi32, #tpu.memory_space<vmem>>
      %dma_start3A_160 = tpu.memref_squeeze %dma_start3A_159 : memref<1x128xi32, #tpu.memory_space<vmem>> -> memref<128xi32, #tpu.memory_space<vmem>>
      %dma_start3A_161 = arith.constant 0 : i32
      %dma_start3A_162 = arith.constant 0 : i32
      %dma_start3A_163 = tpu.memref_slice %arg2[%dma_start3A_161, %dma_start3A_162] : memref<10000x128xf32, #tpu.memory_space<hbm>> -> memref<10000x128xf32, #tpu.memory_space<hbm>>
      tpu.enqueue_indirect_dma source(%dma_start3A_163 : memref<10000x128xf32, #tpu.memory_space<hbm>>) target(%dma_start3A_157 : memref<128x128xf32, #tpu.memory_space<vmem>>) offsets(%dma_start3A_160 : memref<128xi32, #tpu.memory_space<vmem>>) semaphore(%arg14 : memref<!tpu.dma_semaphore, #tpu.memory_space<semaphore_mem>>)
      %dma_wait3A_164 = arith.constant 2 : i32
      %dma_wait3A_165 = arith.constant 0 : i32
      %dma_wait3A_166 = arith.constant 0 : i32
      %dma_wait3A_167 = tpu.memref_slice %arg9[%dma_wait3A_165, %dma_wait3A_166] : memref<256x128xf32, #tpu.memory_space<vmem>> -> memref<128x128xf32, #tpu.memory_space<vmem>>
      %dma_wait3A_168 = arith.constant 0 : i32
      %dma_wait3A_169 = tpu.memref_slice %arg7[%dma_wait3A_164, %dma_wait3A_168] : memref<16x128xi32, #tpu.memory_space<vmem>> -> memref<1x128xi32, #tpu.memory_space<vmem>>
      %dma_wait3A_170 = tpu.memref_squeeze %dma_wait3A_169 : memref<1x128xi32, #tpu.memory_space<vmem>> -> memref<128xi32, #tpu.memory_space<vmem>>
      %dma_wait3A_171 = arith.constant 0 : i32
      %dma_wait3A_172 = arith.constant 0 : i32
      %dma_wait3A_173 = tpu.memref_slice %arg2[%dma_wait3A_171, %dma_wait3A_172] : memref<10000x128xf32, #tpu.memory_space<hbm>> -> memref<10000x128xf32, #tpu.memory_space<hbm>>
      tpu.wait_indirect_dma semaphore(%arg14 : memref<!tpu.dma_semaphore, #tpu.memory_space<semaphore_mem>>) src(%dma_wait3A_173 : memref<10000x128xf32, #tpu.memory_space<hbm>>) dst(%dma_wait3A_167 : memref<128x128xf32, #tpu.memory_space<vmem>>)
      %dma_start3A_174 = arith.constant 2 : i32
      %dma_start3A_175 = arith.constant 0 : i32
      %dma_start3A_176 = arith.constant 0 : i32
      %dma_start3A_177 = tpu.memref_slice %arg9[%dma_start3A_175, %dma_start3A_176] : memref<256x128xf32, #tpu.memory_space<vmem>> -> memref<128x128xf32, #tpu.memory_space<vmem>>
      %dma_start3A_178 = arith.constant 0 : i32
      %dma_start3A_179 = tpu.memref_slice %arg8[%dma_start3A_174, %dma_start3A_178] : memref<16x128xi32, #tpu.memory_space<vmem>> -> memref<1x128xi32, #tpu.memory_space<vmem>>
      %dma_start3A_180 = tpu.memref_squeeze %dma_start3A_179 : memref<1x128xi32, #tpu.memory_space<vmem>> -> memref<128xi32, #tpu.memory_space<vmem>>
      %dma_start3A_181 = arith.constant 0 : i32
      %dma_start3A_182 = arith.constant 0 : i32
      %dma_start3A_183 = tpu.memref_slice %arg12[%dma_start3A_181, %dma_start3A_182] : memref<10112x128xf32, #tpu.memory_space<vmem_shared>> -> memref<10112x128xf32, #tpu.memory_space<vmem_shared>>
      tpu.enqueue_indirect_dma source(%dma_start3A_177 : memref<128x128xf32, #tpu.memory_space<vmem>>) target(%dma_start3A_183 : memref<10112x128xf32, #tpu.memory_space<vmem_shared>>) offsets(%dma_start3A_180 : memref<128xi32, #tpu.memory_space<vmem>>) semaphore(%arg15 : memref<!tpu.dma_semaphore, #tpu.memory_space<semaphore_mem>>) {add = true}
      %dma_start3A_184 = arith.constant 2 : i32
      %dma_start3A_185 = arith.constant 0 : i32
      %dma_start3A_186 = tpu.memref_slice %arg8[%dma_start3A_184, %dma_start3A_185] : memref<16x128xi32, #tpu.memory_space<vmem>> -> memref<1x128xi32, #tpu.memory_space<vmem>>
      %dma_start3A_187 = tpu.memref_squeeze %dma_start3A_186 : memref<1x128xi32, #tpu.memory_space<vmem>> -> memref<128xi32, #tpu.memory_space<vmem>>
      %dma_start3A_188 = arith.constant 0 : i32
      %dma_start3A_189 = arith.constant 0 : i32
      %dma_start3A_190 = tpu.memref_slice %arg13[%dma_start3A_188, %dma_start3A_189] : memref<10112x8xf32, #tpu.memory_space<vmem_shared>> -> memref<10112x8xf32, #tpu.memory_space<vmem_shared>>
      tpu.enqueue_indirect_dma source(%arg10 : memref<128x8xf32, #tpu.memory_space<vmem>>) target(%dma_start3A_190 : memref<10112x8xf32, #tpu.memory_space<vmem_shared>>) offsets(%dma_start3A_187 : memref<128xi32, #tpu.memory_space<vmem>>) semaphore(%arg16 : memref<!tpu.dma_semaphore, #tpu.memory_space<semaphore_mem>>) {add = true}
      %dma_wait3A_191 = arith.constant 1 : i32
      %dma_wait3A_192 = arith.constant 0 : i32
      %dma_wait3A_193 = tpu.memref_slice %arg8[%dma_wait3A_191, %dma_wait3A_192] : memref<16x128xi32, #tpu.memory_space<vmem>> -> memref<1x128xi32, #tpu.memory_space<vmem>>
      %dma_wait3A_194 = tpu.memref_squeeze %dma_wait3A_193 : memref<1x128xi32, #tpu.memory_space<vmem>> -> memref<128xi32, #tpu.memory_space<vmem>>
      %dma_wait3A_195 = arith.constant 0 : i32
      %dma_wait3A_196 = arith.constant 0 : i32
      %dma_wait3A_197 = tpu.memref_slice %arg13[%dma_wait3A_195, %dma_wait3A_196] : memref<10112x8xf32, #tpu.memory_space<vmem_shared>> -> memref<10112x8xf32, #tpu.memory_space<vmem_shared>>
      tpu.wait_indirect_dma semaphore(%arg16 : memref<!tpu.dma_semaphore, #tpu.memory_space<semaphore_mem>>) src(%arg10 : memref<128x8xf32, #tpu.memory_space<vmem>>) dst(%dma_wait3A_197 : memref<10112x8xf32, #tpu.memory_space<vmem_shared>>)
      %dma_wait3A_198 = arith.constant 2 : i32
      %dma_wait3A_199 = arith.constant 0 : i32
      %dma_wait3A_200 = arith.constant 0 : i32
      %dma_wait3A_201 = tpu.memref_slice %arg9[%dma_wait3A_199, %dma_wait3A_200] : memref<256x128xf32, #tpu.memory_space<vmem>> -> memref<128x128xf32, #tpu.memory_space<vmem>>
      %dma_wait3A_202 = arith.constant 0 : i32
      %dma_wait3A_203 = tpu.memref_slice %arg8[%dma_wait3A_198, %dma_wait3A_202] : memref<16x128xi32, #tpu.memory_space<vmem>> -> memref<1x128xi32, #tpu.memory_space<vmem>>
      %dma_wait3A_204 = tpu.memref_squeeze %dma_wait3A_203 : memref<1x128xi32, #tpu.memory_space<vmem>> -> memref<128xi32, #tpu.memory_space<vmem>>
      %dma_wait3A_205 = arith.constant 0 : i32
      %dma_wait3A_206 = arith.constant 0 : i32
      %dma_wait3A_207 = tpu.memref_slice %arg12[%dma_wait3A_205, %dma_wait3A_206] : memref<10112x128xf32, #tpu.memory_space<vmem_shared>> -> memref<10112x128xf32, #tpu.memory_space<vmem_shared>>
      tpu.wait_indirect_dma semaphore(%arg15 : memref<!tpu.dma_semaphore, #tpu.memory_space<semaphore_mem>>) src(%dma_wait3A_201 : memref<128x128xf32, #tpu.memory_space<vmem>>) dst(%dma_wait3A_207 : memref<10112x128xf32, #tpu.memory_space<vmem_shared>>)
      %dma_start3A_208 = arith.constant 4 : i32
      %dma_start3A_209 = arith.constant 0 : i32
      %dma_start3A_210 = arith.constant 0 : i32
      %dma_start3A_211 = tpu.memref_slice %arg9[%dma_start3A_209, %dma_start3A_210] : memref<256x128xf32, #tpu.memory_space<vmem>> -> memref<128x128xf32, #tpu.memory_space<vmem>>
      %dma_start3A_212 = arith.constant 0 : i32
      %dma_start3A_213 = tpu.memref_slice %arg7[%dma_start3A_208, %dma_start3A_212] : memref<16x128xi32, #tpu.memory_space<vmem>> -> memref<1x128xi32, #tpu.memory_space<vmem>>
      %dma_start3A_214 = tpu.memref_squeeze %dma_start3A_213 : memref<1x128xi32, #tpu.memory_space<vmem>> -> memref<128xi32, #tpu.memory_space<vmem>>
      %dma_start3A_215 = arith.constant 0 : i32
      %dma_start3A_216 = arith.constant 0 : i32
      %dma_start3A_217 = tpu.memref_slice %arg2[%dma_start3A_215, %dma_start3A_216] : memref<10000x128xf32, #tpu.memory_space<hbm>> -> memref<10000x128xf32, #tpu.memory_space<hbm>>
      tpu.enqueue_indirect_dma source(%dma_start3A_217 : memref<10000x128xf32, #tpu.memory_space<hbm>>) target(%dma_start3A_211 : memref<128x128xf32, #tpu.memory_space<vmem>>) offsets(%dma_start3A_214 : memref<128xi32, #tpu.memory_space<vmem>>) semaphore(%arg14 : memref<!tpu.dma_semaphore, #tpu.memory_space<semaphore_mem>>)
      %dma_wait3A_218 = arith.constant 3 : i32
      %dma_wait3A_219 = arith.constant 128 : i32
      %dma_wait3A_220 = arith.constant 0 : i32
      %dma_wait3A_221 = tpu.memref_slice %arg9[%dma_wait3A_219, %dma_wait3A_220] : memref<256x128xf32, #tpu.memory_space<vmem>> -> memref<128x128xf32, #tpu.memory_space<vmem>>
      %dma_wait3A_222 = arith.constant 0 : i32
      %dma_wait3A_223 = tpu.memref_slice %arg7[%dma_wait3A_218, %dma_wait3A_222] : memref<16x128xi32, #tpu.memory_space<vmem>> -> memref<1x128xi32, #tpu.memory_space<vmem>>
      %dma_wait3A_224 = tpu.memref_squeeze %dma_wait3A_223 : memref<1x128xi32, #tpu.memory_space<vmem>> -> memref<128xi32, #tpu.memory_space<vmem>>
      %dma_wait3A_225 = arith.constant 0 : i32
      %dma_wait3A_226 = arith.constant 0 : i32
      %dma_wait3A_227 = tpu.memref_slice %arg2[%dma_wait3A_225, %dma_wait3A_226] : memref<10000x128xf32, #tpu.memory_space<hbm>> -> memref<10000x128xf32, #tpu.memory_space<hbm>>
      tpu.wait_indirect_dma semaphore(%arg14 : memref<!tpu.dma_semaphore, #tpu.memory_space<semaphore_mem>>) src(%dma_wait3A_227 : memref<10000x128xf32, #tpu.memory_space<hbm>>) dst(%dma_wait3A_221 : memref<128x128xf32, #tpu.memory_space<vmem>>)
      %dma_start3A_228 = arith.constant 3 : i32
      %dma_start3A_229 = arith.constant 128 : i32
      %dma_start3A_230 = arith.constant 0 : i32
      %dma_start3A_231 = tpu.memref_slice %arg9[%dma_start3A_229, %dma_start3A_230] : memref<256x128xf32, #tpu.memory_space<vmem>> -> memref<128x128xf32, #tpu.memory_space<vmem>>
      %dma_start3A_232 = arith.constant 0 : i32
      %dma_start3A_233 = tpu.memref_slice %arg8[%dma_start3A_228, %dma_start3A_232] : memref<16x128xi32, #tpu.memory_space<vmem>> -> memref<1x128xi32, #tpu.memory_space<vmem>>
      %dma_start3A_234 = tpu.memref_squeeze %dma_start3A_233 : memref<1x128xi32, #tpu.memory_space<vmem>> -> memref<128xi32, #tpu.memory_space<vmem>>
      %dma_start3A_235 = arith.constant 0 : i32
      %dma_start3A_236 = arith.constant 0 : i32
      %dma_start3A_237 = tpu.memref_slice %arg12[%dma_start3A_235, %dma_start3A_236] : memref<10112x128xf32, #tpu.memory_space<vmem_shared>> -> memref<10112x128xf32, #tpu.memory_space<vmem_shared>>
      tpu.enqueue_indirect_dma source(%dma_start3A_231 : memref<128x128xf32, #tpu.memory_space<vmem>>) target(%dma_start3A_237 : memref<10112x128xf32, #tpu.memory_space<vmem_shared>>) offsets(%dma_start3A_234 : memref<128xi32, #tpu.memory_space<vmem>>) semaphore(%arg15 : memref<!tpu.dma_semaphore, #tpu.memory_space<semaphore_mem>>) {add = true}
      %dma_start3A_238 = arith.constant 3 : i32
      %dma_start3A_239 = arith.constant 0 : i32
      %dma_start3A_240 = tpu.memref_slice %arg8[%dma_start3A_238, %dma_start3A_239] : memref<16x128xi32, #tpu.memory_space<vmem>> -> memref<1x128xi32, #tpu.memory_space<vmem>>
      %dma_start3A_241 = tpu.memref_squeeze %dma_start3A_240 : memref<1x128xi32, #tpu.memory_space<vmem>> -> memref<128xi32, #tpu.memory_space<vmem>>
      %dma_start3A_242 = arith.constant 0 : i32
      %dma_start3A_243 = arith.constant 0 : i32
      %dma_start3A_244 = tpu.memref_slice %arg13[%dma_start3A_242, %dma_start3A_243] : memref<10112x8xf32, #tpu.memory_space<vmem_shared>> -> memref<10112x8xf32, #tpu.memory_space<vmem_shared>>
      tpu.enqueue_indirect_dma source(%arg10 : memref<128x8xf32, #tpu.memory_space<vmem>>) target(%dma_start3A_244 : memref<10112x8xf32, #tpu.memory_space<vmem_shared>>) offsets(%dma_start3A_241 : memref<128xi32, #tpu.memory_space<vmem>>) semaphore(%arg16 : memref<!tpu.dma_semaphore, #tpu.memory_space<semaphore_mem>>) {add = true}
      %dma_wait3A_245 = arith.constant 2 : i32
      %dma_wait3A_246 = arith.constant 0 : i32
      %dma_wait3A_247 = tpu.memref_slice %arg8[%dma_wait3A_245, %dma_wait3A_246] : memref<16x128xi32, #tpu.memory_space<vmem>> -> memref<1x128xi32, #tpu.memory_space<vmem>>
      %dma_wait3A_248 = tpu.memref_squeeze %dma_wait3A_247 : memref<1x128xi32, #tpu.memory_space<vmem>> -> memref<128xi32, #tpu.memory_space<vmem>>
      %dma_wait3A_249 = arith.constant 0 : i32
      %dma_wait3A_250 = arith.constant 0 : i32
      %dma_wait3A_251 = tpu.memref_slice %arg13[%dma_wait3A_249, %dma_wait3A_250] : memref<10112x8xf32, #tpu.memory_space<vmem_shared>> -> memref<10112x8xf32, #tpu.memory_space<vmem_shared>>
      tpu.wait_indirect_dma semaphore(%arg16 : memref<!tpu.dma_semaphore, #tpu.memory_space<semaphore_mem>>) src(%arg10 : memref<128x8xf32, #tpu.memory_space<vmem>>) dst(%dma_wait3A_251 : memref<10112x8xf32, #tpu.memory_space<vmem_shared>>)
      %dma_wait3A_252 = arith.constant 3 : i32
      %dma_wait3A_253 = arith.constant 128 : i32
      %dma_wait3A_254 = arith.constant 0 : i32
      %dma_wait3A_255 = tpu.memref_slice %arg9[%dma_wait3A_253, %dma_wait3A_254] : memref<256x128xf32, #tpu.memory_space<vmem>> -> memref<128x128xf32, #tpu.memory_space<vmem>>
      %dma_wait3A_256 = arith.constant 0 : i32
      %dma_wait3A_257 = tpu.memref_slice %arg8[%dma_wait3A_252, %dma_wait3A_256] : memref<16x128xi32, #tpu.memory_space<vmem>> -> memref<1x128xi32, #tpu.memory_space<vmem>>
      %dma_wait3A_258 = tpu.memref_squeeze %dma_wait3A_257 : memref<1x128xi32, #tpu.memory_space<vmem>> -> memref<128xi32, #tpu.memory_space<vmem>>
      %dma_wait3A_259 = arith.constant 0 : i32
      %dma_wait3A_260 = arith.constant 0 : i32
      %dma_wait3A_261 = tpu.memref_slice %arg12[%dma_wait3A_259, %dma_wait3A_260] : memref<10112x128xf32, #tpu.memory_space<vmem_shared>> -> memref<10112x128xf32, #tpu.memory_space<vmem_shared>>
      tpu.wait_indirect_dma semaphore(%arg15 : memref<!tpu.dma_semaphore, #tpu.memory_space<semaphore_mem>>) src(%dma_wait3A_255 : memref<128x128xf32, #tpu.memory_space<vmem>>) dst(%dma_wait3A_261 : memref<10112x128xf32, #tpu.memory_space<vmem_shared>>)
      %dma_start3A_262 = arith.constant 5 : i32
      %dma_start3A_263 = arith.constant 128 : i32
      %dma_start3A_264 = arith.constant 0 : i32
      %dma_start3A_265 = tpu.memref_slice %arg9[%dma_start3A_263, %dma_start3A_264] : memref<256x128xf32, #tpu.memory_space<vmem>> -> memref<128x128xf32, #tpu.memory_space<vmem>>
      %dma_start3A_266 = arith.constant 0 : i32
      %dma_start3A_267 = tpu.memref_slice %arg7[%dma_start3A_262, %dma_start3A_266] : memref<16x128xi32, #tpu.memory_space<vmem>> -> memref<1x128xi32, #tpu.memory_space<vmem>>
      %dma_start3A_268 = tpu.memref_squeeze %dma_start3A_267 : memref<1x128xi32, #tpu.memory_space<vmem>> -> memref<128xi32, #tpu.memory_space<vmem>>
      %dma_start3A_269 = arith.constant 0 : i32
      %dma_start3A_270 = arith.constant 0 : i32
      %dma_start3A_271 = tpu.memref_slice %arg2[%dma_start3A_269, %dma_start3A_270] : memref<10000x128xf32, #tpu.memory_space<hbm>> -> memref<10000x128xf32, #tpu.memory_space<hbm>>
      tpu.enqueue_indirect_dma source(%dma_start3A_271 : memref<10000x128xf32, #tpu.memory_space<hbm>>) target(%dma_start3A_265 : memref<128x128xf32, #tpu.memory_space<vmem>>) offsets(%dma_start3A_268 : memref<128xi32, #tpu.memory_space<vmem>>) semaphore(%arg14 : memref<!tpu.dma_semaphore, #tpu.memory_space<semaphore_mem>>)
      %dma_wait3A_272 = arith.constant 4 : i32
      %dma_wait3A_273 = arith.constant 0 : i32
      %dma_wait3A_274 = arith.constant 0 : i32
      %dma_wait3A_275 = tpu.memref_slice %arg9[%dma_wait3A_273, %dma_wait3A_274] : memref<256x128xf32, #tpu.memory_space<vmem>> -> memref<128x128xf32, #tpu.memory_space<vmem>>
      %dma_wait3A_276 = arith.constant 0 : i32
      %dma_wait3A_277 = tpu.memref_slice %arg7[%dma_wait3A_272, %dma_wait3A_276] : memref<16x128xi32, #tpu.memory_space<vmem>> -> memref<1x128xi32, #tpu.memory_space<vmem>>
      %dma_wait3A_278 = tpu.memref_squeeze %dma_wait3A_277 : memref<1x128xi32, #tpu.memory_space<vmem>> -> memref<128xi32, #tpu.memory_space<vmem>>
      %dma_wait3A_279 = arith.constant 0 : i32
      %dma_wait3A_280 = arith.constant 0 : i32
      %dma_wait3A_281 = tpu.memref_slice %arg2[%dma_wait3A_279, %dma_wait3A_280] : memref<10000x128xf32, #tpu.memory_space<hbm>> -> memref<10000x128xf32, #tpu.memory_space<hbm>>
      tpu.wait_indirect_dma semaphore(%arg14 : memref<!tpu.dma_semaphore, #tpu.memory_space<semaphore_mem>>) src(%dma_wait3A_281 : memref<10000x128xf32, #tpu.memory_space<hbm>>) dst(%dma_wait3A_275 : memref<128x128xf32, #tpu.memory_space<vmem>>)
      %dma_start3A_282 = arith.constant 4 : i32
      %dma_start3A_283 = arith.constant 0 : i32
      %dma_start3A_284 = arith.constant 0 : i32
      %dma_start3A_285 = tpu.memref_slice %arg9[%dma_start3A_283, %dma_start3A_284] : memref<256x128xf32, #tpu.memory_space<vmem>> -> memref<128x128xf32, #tpu.memory_space<vmem>>
      %dma_start3A_286 = arith.constant 0 : i32
      %dma_start3A_287 = tpu.memref_slice %arg8[%dma_start3A_282, %dma_start3A_286] : memref<16x128xi32, #tpu.memory_space<vmem>> -> memref<1x128xi32, #tpu.memory_space<vmem>>
      %dma_start3A_288 = tpu.memref_squeeze %dma_start3A_287 : memref<1x128xi32, #tpu.memory_space<vmem>> -> memref<128xi32, #tpu.memory_space<vmem>>
      %dma_start3A_289 = arith.constant 0 : i32
      %dma_start3A_290 = arith.constant 0 : i32
      %dma_start3A_291 = tpu.memref_slice %arg12[%dma_start3A_289, %dma_start3A_290] : memref<10112x128xf32, #tpu.memory_space<vmem_shared>> -> memref<10112x128xf32, #tpu.memory_space<vmem_shared>>
      tpu.enqueue_indirect_dma source(%dma_start3A_285 : memref<128x128xf32, #tpu.memory_space<vmem>>) target(%dma_start3A_291 : memref<10112x128xf32, #tpu.memory_space<vmem_shared>>) offsets(%dma_start3A_288 : memref<128xi32, #tpu.memory_space<vmem>>) semaphore(%arg15 : memref<!tpu.dma_semaphore, #tpu.memory_space<semaphore_mem>>) {add = true}
      %dma_start3A_292 = arith.constant 4 : i32
      %dma_start3A_293 = arith.constant 0 : i32
      %dma_start3A_294 = tpu.memref_slice %arg8[%dma_start3A_292, %dma_start3A_293] : memref<16x128xi32, #tpu.memory_space<vmem>> -> memref<1x128xi32, #tpu.memory_space<vmem>>
      %dma_start3A_295 = tpu.memref_squeeze %dma_start3A_294 : memref<1x128xi32, #tpu.memory_space<vmem>> -> memref<128xi32, #tpu.memory_space<vmem>>
      %dma_start3A_296 = arith.constant 0 : i32
      %dma_start3A_297 = arith.constant 0 : i32
      %dma_start3A_298 = tpu.memref_slice %arg13[%dma_start3A_296, %dma_start3A_297] : memref<10112x8xf32, #tpu.memory_space<vmem_shared>> -> memref<10112x8xf32, #tpu.memory_space<vmem_shared>>
      tpu.enqueue_indirect_dma source(%arg10 : memref<128x8xf32, #tpu.memory_space<vmem>>) target(%dma_start3A_298 : memref<10112x8xf32, #tpu.memory_space<vmem_shared>>) offsets(%dma_start3A_295 : memref<128xi32, #tpu.memory_space<vmem>>) semaphore(%arg16 : memref<!tpu.dma_semaphore, #tpu.memory_space<semaphore_mem>>) {add = true}
      %dma_wait3A_299 = arith.constant 3 : i32
      %dma_wait3A_300 = arith.constant 0 : i32
      %dma_wait3A_301 = tpu.memref_slice %arg8[%dma_wait3A_299, %dma_wait3A_300] : memref<16x128xi32, #tpu.memory_space<vmem>> -> memref<1x128xi32, #tpu.memory_space<vmem>>
      %dma_wait3A_302 = tpu.memref_squeeze %dma_wait3A_301 : memref<1x128xi32, #tpu.memory_space<vmem>> -> memref<128xi32, #tpu.memory_space<vmem>>
      %dma_wait3A_303 = arith.constant 0 : i32
      %dma_wait3A_304 = arith.constant 0 : i32
      %dma_wait3A_305 = tpu.memref_slice %arg13[%dma_wait3A_303, %dma_wait3A_304] : memref<10112x8xf32, #tpu.memory_space<vmem_shared>> -> memref<10112x8xf32, #tpu.memory_space<vmem_shared>>
      tpu.wait_indirect_dma semaphore(%arg16 : memref<!tpu.dma_semaphore, #tpu.memory_space<semaphore_mem>>) src(%arg10 : memref<128x8xf32, #tpu.memory_space<vmem>>) dst(%dma_wait3A_305 : memref<10112x8xf32, #tpu.memory_space<vmem_shared>>)
      %dma_wait3A_306 = arith.constant 4 : i32
      %dma_wait3A_307 = arith.constant 0 : i32
      %dma_wait3A_308 = arith.constant 0 : i32
      %dma_wait3A_309 = tpu.memref_slice %arg9[%dma_wait3A_307, %dma_wait3A_308] : memref<256x128xf32, #tpu.memory_space<vmem>> -> memref<128x128xf32, #tpu.memory_space<vmem>>
      %dma_wait3A_310 = arith.constant 0 : i32
      %dma_wait3A_311 = tpu.memref_slice %arg8[%dma_wait3A_306, %dma_wait3A_310] : memref<16x128xi32, #tpu.memory_space<vmem>> -> memref<1x128xi32, #tpu.memory_space<vmem>>
      %dma_wait3A_312 = tpu.memref_squeeze %dma_wait3A_311 : memref<1x128xi32, #tpu.memory_space<vmem>> -> memref<128xi32, #tpu.memory_space<vmem>>
      %dma_wait3A_313 = arith.constant 0 : i32
      %dma_wait3A_314 = arith.constant 0 : i32
      %dma_wait3A_315 = tpu.memref_slice %arg12[%dma_wait3A_313, %dma_wait3A_314] : memref<10112x128xf32, #tpu.memory_space<vmem_shared>> -> memref<10112x128xf32, #tpu.memory_space<vmem_shared>>
      tpu.wait_indirect_dma semaphore(%arg15 : memref<!tpu.dma_semaphore, #tpu.memory_space<semaphore_mem>>) src(%dma_wait3A_309 : memref<128x128xf32, #tpu.memory_space<vmem>>) dst(%dma_wait3A_315 : memref<10112x128xf32, #tpu.memory_space<vmem_shared>>)
      %dma_start3A_316 = arith.constant 6 : i32
      %dma_start3A_317 = arith.constant 0 : i32
      %dma_start3A_318 = arith.constant 0 : i32
      %dma_start3A_319 = tpu.memref_slice %arg9[%dma_start3A_317, %dma_start3A_318] : memref<256x128xf32, #tpu.memory_space<vmem>> -> memref<128x128xf32, #tpu.memory_space<vmem>>
      %dma_start3A_320 = arith.constant 0 : i32
      %dma_start3A_321 = tpu.memref_slice %arg7[%dma_start3A_316, %dma_start3A_320] : memref<16x128xi32, #tpu.memory_space<vmem>> -> memref<1x128xi32, #tpu.memory_space<vmem>>
      %dma_start3A_322 = tpu.memref_squeeze %dma_start3A_321 : memref<1x128xi32, #tpu.memory_space<vmem>> -> memref<128xi32, #tpu.memory_space<vmem>>
      %dma_start3A_323 = arith.constant 0 : i32
      %dma_start3A_324 = arith.constant 0 : i32
      %dma_start3A_325 = tpu.memref_slice %arg2[%dma_start3A_323, %dma_start3A_324] : memref<10000x128xf32, #tpu.memory_space<hbm>> -> memref<10000x128xf32, #tpu.memory_space<hbm>>
      tpu.enqueue_indirect_dma source(%dma_start3A_325 : memref<10000x128xf32, #tpu.memory_space<hbm>>) target(%dma_start3A_319 : memref<128x128xf32, #tpu.memory_space<vmem>>) offsets(%dma_start3A_322 : memref<128xi32, #tpu.memory_space<vmem>>) semaphore(%arg14 : memref<!tpu.dma_semaphore, #tpu.memory_space<semaphore_mem>>)
      %dma_wait3A_326 = arith.constant 5 : i32
      %dma_wait3A_327 = arith.constant 128 : i32
      %dma_wait3A_328 = arith.constant 0 : i32
      %dma_wait3A_329 = tpu.memref_slice %arg9[%dma_wait3A_327, %dma_wait3A_328] : memref<256x128xf32, #tpu.memory_space<vmem>> -> memref<128x128xf32, #tpu.memory_space<vmem>>
      %dma_wait3A_330 = arith.constant 0 : i32
      %dma_wait3A_331 = tpu.memref_slice %arg7[%dma_wait3A_326, %dma_wait3A_330] : memref<16x128xi32, #tpu.memory_space<vmem>> -> memref<1x128xi32, #tpu.memory_space<vmem>>
      %dma_wait3A_332 = tpu.memref_squeeze %dma_wait3A_331 : memref<1x128xi32, #tpu.memory_space<vmem>> -> memref<128xi32, #tpu.memory_space<vmem>>
      %dma_wait3A_333 = arith.constant 0 : i32
      %dma_wait3A_334 = arith.constant 0 : i32
      %dma_wait3A_335 = tpu.memref_slice %arg2[%dma_wait3A_333, %dma_wait3A_334] : memref<10000x128xf32, #tpu.memory_space<hbm>> -> memref<10000x128xf32, #tpu.memory_space<hbm>>
      tpu.wait_indirect_dma semaphore(%arg14 : memref<!tpu.dma_semaphore, #tpu.memory_space<semaphore_mem>>) src(%dma_wait3A_335 : memref<10000x128xf32, #tpu.memory_space<hbm>>) dst(%dma_wait3A_329 : memref<128x128xf32, #tpu.memory_space<vmem>>)
      %dma_start3A_336 = arith.constant 5 : i32
      %dma_start3A_337 = arith.constant 128 : i32
      %dma_start3A_338 = arith.constant 0 : i32
      %dma_start3A_339 = tpu.memref_slice %arg9[%dma_start3A_337, %dma_start3A_338] : memref<256x128xf32, #tpu.memory_space<vmem>> -> memref<128x128xf32, #tpu.memory_space<vmem>>
      %dma_start3A_340 = arith.constant 0 : i32
      %dma_start3A_341 = tpu.memref_slice %arg8[%dma_start3A_336, %dma_start3A_340] : memref<16x128xi32, #tpu.memory_space<vmem>> -> memref<1x128xi32, #tpu.memory_space<vmem>>
      %dma_start3A_342 = tpu.memref_squeeze %dma_start3A_341 : memref<1x128xi32, #tpu.memory_space<vmem>> -> memref<128xi32, #tpu.memory_space<vmem>>
      %dma_start3A_343 = arith.constant 0 : i32
      %dma_start3A_344 = arith.constant 0 : i32
      %dma_start3A_345 = tpu.memref_slice %arg12[%dma_start3A_343, %dma_start3A_344] : memref<10112x128xf32, #tpu.memory_space<vmem_shared>> -> memref<10112x128xf32, #tpu.memory_space<vmem_shared>>
      tpu.enqueue_indirect_dma source(%dma_start3A_339 : memref<128x128xf32, #tpu.memory_space<vmem>>) target(%dma_start3A_345 : memref<10112x128xf32, #tpu.memory_space<vmem_shared>>) offsets(%dma_start3A_342 : memref<128xi32, #tpu.memory_space<vmem>>) semaphore(%arg15 : memref<!tpu.dma_semaphore, #tpu.memory_space<semaphore_mem>>) {add = true}
      %dma_start3A_346 = arith.constant 5 : i32
      %dma_start3A_347 = arith.constant 0 : i32
      %dma_start3A_348 = tpu.memref_slice %arg8[%dma_start3A_346, %dma_start3A_347] : memref<16x128xi32, #tpu.memory_space<vmem>> -> memref<1x128xi32, #tpu.memory_space<vmem>>
      %dma_start3A_349 = tpu.memref_squeeze %dma_start3A_348 : memref<1x128xi32, #tpu.memory_space<vmem>> -> memref<128xi32, #tpu.memory_space<vmem>>
      %dma_start3A_350 = arith.constant 0 : i32
      %dma_start3A_351 = arith.constant 0 : i32
      %dma_start3A_352 = tpu.memref_slice %arg13[%dma_start3A_350, %dma_start3A_351] : memref<10112x8xf32, #tpu.memory_space<vmem_shared>> -> memref<10112x8xf32, #tpu.memory_space<vmem_shared>>
      tpu.enqueue_indirect_dma source(%arg10 : memref<128x8xf32, #tpu.memory_space<vmem>>) target(%dma_start3A_352 : memref<10112x8xf32, #tpu.memory_space<vmem_shared>>) offsets(%dma_start3A_349 : memref<128xi32, #tpu.memory_space<vmem>>) semaphore(%arg16 : memref<!tpu.dma_semaphore, #tpu.memory_space<semaphore_mem>>) {add = true}
      %dma_wait3A_353 = arith.constant 4 : i32
      %dma_wait3A_354 = arith.constant 0 : i32
      %dma_wait3A_355 = tpu.memref_slice %arg8[%dma_wait3A_353, %dma_wait3A_354] : memref<16x128xi32, #tpu.memory_space<vmem>> -> memref<1x128xi32, #tpu.memory_space<vmem>>
      %dma_wait3A_356 = tpu.memref_squeeze %dma_wait3A_355 : memref<1x128xi32, #tpu.memory_space<vmem>> -> memref<128xi32, #tpu.memory_space<vmem>>
      %dma_wait3A_357 = arith.constant 0 : i32
      %dma_wait3A_358 = arith.constant 0 : i32
      %dma_wait3A_359 = tpu.memref_slice %arg13[%dma_wait3A_357, %dma_wait3A_358] : memref<10112x8xf32, #tpu.memory_space<vmem_shared>> -> memref<10112x8xf32, #tpu.memory_space<vmem_shared>>
      tpu.wait_indirect_dma semaphore(%arg16 : memref<!tpu.dma_semaphore, #tpu.memory_space<semaphore_mem>>) src(%arg10 : memref<128x8xf32, #tpu.memory_space<vmem>>) dst(%dma_wait3A_359 : memref<10112x8xf32, #tpu.memory_space<vmem_shared>>)
      %dma_wait3A_360 = arith.constant 5 : i32
      %dma_wait3A_361 = arith.constant 128 : i32
      %dma_wait3A_362 = arith.constant 0 : i32
      %dma_wait3A_363 = tpu.memref_slice %arg9[%dma_wait3A_361, %dma_wait3A_362] : memref<256x128xf32, #tpu.memory_space<vmem>> -> memref<128x128xf32, #tpu.memory_space<vmem>>
      %dma_wait3A_364 = arith.constant 0 : i32
      %dma_wait3A_365 = tpu.memref_slice %arg8[%dma_wait3A_360, %dma_wait3A_364] : memref<16x128xi32, #tpu.memory_space<vmem>> -> memref<1x128xi32, #tpu.memory_space<vmem>>
      %dma_wait3A_366 = tpu.memref_squeeze %dma_wait3A_365 : memref<1x128xi32, #tpu.memory_space<vmem>> -> memref<128xi32, #tpu.memory_space<vmem>>
      %dma_wait3A_367 = arith.constant 0 : i32
      %dma_wait3A_368 = arith.constant 0 : i32
      %dma_wait3A_369 = tpu.memref_slice %arg12[%dma_wait3A_367, %dma_wait3A_368] : memref<10112x128xf32, #tpu.memory_space<vmem_shared>> -> memref<10112x128xf32, #tpu.memory_space<vmem_shared>>
      tpu.wait_indirect_dma semaphore(%arg15 : memref<!tpu.dma_semaphore, #tpu.memory_space<semaphore_mem>>) src(%dma_wait3A_363 : memref<128x128xf32, #tpu.memory_space<vmem>>) dst(%dma_wait3A_369 : memref<10112x128xf32, #tpu.memory_space<vmem_shared>>)
      %dma_start3A_370 = arith.constant 7 : i32
      %dma_start3A_371 = arith.constant 128 : i32
      %dma_start3A_372 = arith.constant 0 : i32
      %dma_start3A_373 = tpu.memref_slice %arg9[%dma_start3A_371, %dma_start3A_372] : memref<256x128xf32, #tpu.memory_space<vmem>> -> memref<128x128xf32, #tpu.memory_space<vmem>>
      %dma_start3A_374 = arith.constant 0 : i32
      %dma_start3A_375 = tpu.memref_slice %arg7[%dma_start3A_370, %dma_start3A_374] : memref<16x128xi32, #tpu.memory_space<vmem>> -> memref<1x128xi32, #tpu.memory_space<vmem>>
      %dma_start3A_376 = tpu.memref_squeeze %dma_start3A_375 : memref<1x128xi32, #tpu.memory_space<vmem>> -> memref<128xi32, #tpu.memory_space<vmem>>
      %dma_start3A_377 = arith.constant 0 : i32
      %dma_start3A_378 = arith.constant 0 : i32
      %dma_start3A_379 = tpu.memref_slice %arg2[%dma_start3A_377, %dma_start3A_378] : memref<10000x128xf32, #tpu.memory_space<hbm>> -> memref<10000x128xf32, #tpu.memory_space<hbm>>
      tpu.enqueue_indirect_dma source(%dma_start3A_379 : memref<10000x128xf32, #tpu.memory_space<hbm>>) target(%dma_start3A_373 : memref<128x128xf32, #tpu.memory_space<vmem>>) offsets(%dma_start3A_376 : memref<128xi32, #tpu.memory_space<vmem>>) semaphore(%arg14 : memref<!tpu.dma_semaphore, #tpu.memory_space<semaphore_mem>>)
      %dma_wait3A_380 = arith.constant 6 : i32
      %dma_wait3A_381 = arith.constant 0 : i32
      %dma_wait3A_382 = arith.constant 0 : i32
      %dma_wait3A_383 = tpu.memref_slice %arg9[%dma_wait3A_381, %dma_wait3A_382] : memref<256x128xf32, #tpu.memory_space<vmem>> -> memref<128x128xf32, #tpu.memory_space<vmem>>
      %dma_wait3A_384 = arith.constant 0 : i32
      %dma_wait3A_385 = tpu.memref_slice %arg7[%dma_wait3A_380, %dma_wait3A_384] : memref<16x128xi32, #tpu.memory_space<vmem>> -> memref<1x128xi32, #tpu.memory_space<vmem>>
      %dma_wait3A_386 = tpu.memref_squeeze %dma_wait3A_385 : memref<1x128xi32, #tpu.memory_space<vmem>> -> memref<128xi32, #tpu.memory_space<vmem>>
      %dma_wait3A_387 = arith.constant 0 : i32
      %dma_wait3A_388 = arith.constant 0 : i32
      %dma_wait3A_389 = tpu.memref_slice %arg2[%dma_wait3A_387, %dma_wait3A_388] : memref<10000x128xf32, #tpu.memory_space<hbm>> -> memref<10000x128xf32, #tpu.memory_space<hbm>>
      tpu.wait_indirect_dma semaphore(%arg14 : memref<!tpu.dma_semaphore, #tpu.memory_space<semaphore_mem>>) src(%dma_wait3A_389 : memref<10000x128xf32, #tpu.memory_space<hbm>>) dst(%dma_wait3A_383 : memref<128x128xf32, #tpu.memory_space<vmem>>)
      %dma_start3A_390 = arith.constant 6 : i32
      %dma_start3A_391 = arith.constant 0 : i32
      %dma_start3A_392 = arith.constant 0 : i32
      %dma_start3A_393 = tpu.memref_slice %arg9[%dma_start3A_391, %dma_start3A_392] : memref<256x128xf32, #tpu.memory_space<vmem>> -> memref<128x128xf32, #tpu.memory_space<vmem>>
      %dma_start3A_394 = arith.constant 0 : i32
      %dma_start3A_395 = tpu.memref_slice %arg8[%dma_start3A_390, %dma_start3A_394] : memref<16x128xi32, #tpu.memory_space<vmem>> -> memref<1x128xi32, #tpu.memory_space<vmem>>
      %dma_start3A_396 = tpu.memref_squeeze %dma_start3A_395 : memref<1x128xi32, #tpu.memory_space<vmem>> -> memref<128xi32, #tpu.memory_space<vmem>>
      %dma_start3A_397 = arith.constant 0 : i32
      %dma_start3A_398 = arith.constant 0 : i32
      %dma_start3A_399 = tpu.memref_slice %arg12[%dma_start3A_397, %dma_start3A_398] : memref<10112x128xf32, #tpu.memory_space<vmem_shared>> -> memref<10112x128xf32, #tpu.memory_space<vmem_shared>>
      tpu.enqueue_indirect_dma source(%dma_start3A_393 : memref<128x128xf32, #tpu.memory_space<vmem>>) target(%dma_start3A_399 : memref<10112x128xf32, #tpu.memory_space<vmem_shared>>) offsets(%dma_start3A_396 : memref<128xi32, #tpu.memory_space<vmem>>) semaphore(%arg15 : memref<!tpu.dma_semaphore, #tpu.memory_space<semaphore_mem>>) {add = true}
      %dma_start3A_400 = arith.constant 6 : i32
      %dma_start3A_401 = arith.constant 0 : i32
      %dma_start3A_402 = tpu.memref_slice %arg8[%dma_start3A_400, %dma_start3A_401] : memref<16x128xi32, #tpu.memory_space<vmem>> -> memref<1x128xi32, #tpu.memory_space<vmem>>
      %dma_start3A_403 = tpu.memref_squeeze %dma_start3A_402 : memref<1x128xi32, #tpu.memory_space<vmem>> -> memref<128xi32, #tpu.memory_space<vmem>>
      %dma_start3A_404 = arith.constant 0 : i32
      %dma_start3A_405 = arith.constant 0 : i32
      %dma_start3A_406 = tpu.memref_slice %arg13[%dma_start3A_404, %dma_start3A_405] : memref<10112x8xf32, #tpu.memory_space<vmem_shared>> -> memref<10112x8xf32, #tpu.memory_space<vmem_shared>>
      tpu.enqueue_indirect_dma source(%arg10 : memref<128x8xf32, #tpu.memory_space<vmem>>) target(%dma_start3A_406 : memref<10112x8xf32, #tpu.memory_space<vmem_shared>>) offsets(%dma_start3A_403 : memref<128xi32, #tpu.memory_space<vmem>>) semaphore(%arg16 : memref<!tpu.dma_semaphore, #tpu.memory_space<semaphore_mem>>) {add = true}
      %dma_wait3A_407 = arith.constant 5 : i32
      %dma_wait3A_408 = arith.constant 0 : i32
      %dma_wait3A_409 = tpu.memref_slice %arg8[%dma_wait3A_407, %dma_wait3A_408] : memref<16x128xi32, #tpu.memory_space<vmem>> -> memref<1x128xi32, #tpu.memory_space<vmem>>
      %dma_wait3A_410 = tpu.memref_squeeze %dma_wait3A_409 : memref<1x128xi32, #tpu.memory_space<vmem>> -> memref<128xi32, #tpu.memory_space<vmem>>
      %dma_wait3A_411 = arith.constant 0 : i32
      %dma_wait3A_412 = arith.constant 0 : i32
      %dma_wait3A_413 = tpu.memref_slice %arg13[%dma_wait3A_411, %dma_wait3A_412] : memref<10112x8xf32, #tpu.memory_space<vmem_shared>> -> memref<10112x8xf32, #tpu.memory_space<vmem_shared>>
      tpu.wait_indirect_dma semaphore(%arg16 : memref<!tpu.dma_semaphore, #tpu.memory_space<semaphore_mem>>) src(%arg10 : memref<128x8xf32, #tpu.memory_space<vmem>>) dst(%dma_wait3A_413 : memref<10112x8xf32, #tpu.memory_space<vmem_shared>>)
      %dma_wait3A_414 = arith.constant 6 : i32
      %dma_wait3A_415 = arith.constant 0 : i32
      %dma_wait3A_416 = arith.constant 0 : i32
      %dma_wait3A_417 = tpu.memref_slice %arg9[%dma_wait3A_415, %dma_wait3A_416] : memref<256x128xf32, #tpu.memory_space<vmem>> -> memref<128x128xf32, #tpu.memory_space<vmem>>
      %dma_wait3A_418 = arith.constant 0 : i32
      %dma_wait3A_419 = tpu.memref_slice %arg8[%dma_wait3A_414, %dma_wait3A_418] : memref<16x128xi32, #tpu.memory_space<vmem>> -> memref<1x128xi32, #tpu.memory_space<vmem>>
      %dma_wait3A_420 = tpu.memref_squeeze %dma_wait3A_419 : memref<1x128xi32, #tpu.memory_space<vmem>> -> memref<128xi32, #tpu.memory_space<vmem>>
      %dma_wait3A_421 = arith.constant 0 : i32
      %dma_wait3A_422 = arith.constant 0 : i32
      %dma_wait3A_423 = tpu.memref_slice %arg12[%dma_wait3A_421, %dma_wait3A_422] : memref<10112x128xf32, #tpu.memory_space<vmem_shared>> -> memref<10112x128xf32, #tpu.memory_space<vmem_shared>>
      tpu.wait_indirect_dma semaphore(%arg15 : memref<!tpu.dma_semaphore, #tpu.memory_space<semaphore_mem>>) src(%dma_wait3A_417 : memref<128x128xf32, #tpu.memory_space<vmem>>) dst(%dma_wait3A_423 : memref<10112x128xf32, #tpu.memory_space<vmem_shared>>)
      %dma_start3A_424 = arith.constant 8 : i32
      %dma_start3A_425 = arith.constant 0 : i32
      %dma_start3A_426 = arith.constant 0 : i32
      %dma_start3A_427 = tpu.memref_slice %arg9[%dma_start3A_425, %dma_start3A_426] : memref<256x128xf32, #tpu.memory_space<vmem>> -> memref<128x128xf32, #tpu.memory_space<vmem>>
      %dma_start3A_428 = arith.constant 0 : i32
      %dma_start3A_429 = tpu.memref_slice %arg7[%dma_start3A_424, %dma_start3A_428] : memref<16x128xi32, #tpu.memory_space<vmem>> -> memref<1x128xi32, #tpu.memory_space<vmem>>
      %dma_start3A_430 = tpu.memref_squeeze %dma_start3A_429 : memref<1x128xi32, #tpu.memory_space<vmem>> -> memref<128xi32, #tpu.memory_space<vmem>>
      %dma_start3A_431 = arith.constant 0 : i32
      %dma_start3A_432 = arith.constant 0 : i32
      %dma_start3A_433 = tpu.memref_slice %arg2[%dma_start3A_431, %dma_start3A_432] : memref<10000x128xf32, #tpu.memory_space<hbm>> -> memref<10000x128xf32, #tpu.memory_space<hbm>>
      tpu.enqueue_indirect_dma source(%dma_start3A_433 : memref<10000x128xf32, #tpu.memory_space<hbm>>) target(%dma_start3A_427 : memref<128x128xf32, #tpu.memory_space<vmem>>) offsets(%dma_start3A_430 : memref<128xi32, #tpu.memory_space<vmem>>) semaphore(%arg14 : memref<!tpu.dma_semaphore, #tpu.memory_space<semaphore_mem>>)
      %dma_wait3A_434 = arith.constant 7 : i32
      %dma_wait3A_435 = arith.constant 128 : i32
      %dma_wait3A_436 = arith.constant 0 : i32
      %dma_wait3A_437 = tpu.memref_slice %arg9[%dma_wait3A_435, %dma_wait3A_436] : memref<256x128xf32, #tpu.memory_space<vmem>> -> memref<128x128xf32, #tpu.memory_space<vmem>>
      %dma_wait3A_438 = arith.constant 0 : i32
      %dma_wait3A_439 = tpu.memref_slice %arg7[%dma_wait3A_434, %dma_wait3A_438] : memref<16x128xi32, #tpu.memory_space<vmem>> -> memref<1x128xi32, #tpu.memory_space<vmem>>
      %dma_wait3A_440 = tpu.memref_squeeze %dma_wait3A_439 : memref<1x128xi32, #tpu.memory_space<vmem>> -> memref<128xi32, #tpu.memory_space<vmem>>
      %dma_wait3A_441 = arith.constant 0 : i32
      %dma_wait3A_442 = arith.constant 0 : i32
      %dma_wait3A_443 = tpu.memref_slice %arg2[%dma_wait3A_441, %dma_wait3A_442] : memref<10000x128xf32, #tpu.memory_space<hbm>> -> memref<10000x128xf32, #tpu.memory_space<hbm>>
      tpu.wait_indirect_dma semaphore(%arg14 : memref<!tpu.dma_semaphore, #tpu.memory_space<semaphore_mem>>) src(%dma_wait3A_443 : memref<10000x128xf32, #tpu.memory_space<hbm>>) dst(%dma_wait3A_437 : memref<128x128xf32, #tpu.memory_space<vmem>>)
      %dma_start3A_444 = arith.constant 7 : i32
      %dma_start3A_445 = arith.constant 128 : i32
      %dma_start3A_446 = arith.constant 0 : i32
      %dma_start3A_447 = tpu.memref_slice %arg9[%dma_start3A_445, %dma_start3A_446] : memref<256x128xf32, #tpu.memory_space<vmem>> -> memref<128x128xf32, #tpu.memory_space<vmem>>
      %dma_start3A_448 = arith.constant 0 : i32
      %dma_start3A_449 = tpu.memref_slice %arg8[%dma_start3A_444, %dma_start3A_448] : memref<16x128xi32, #tpu.memory_space<vmem>> -> memref<1x128xi32, #tpu.memory_space<vmem>>
      %dma_start3A_450 = tpu.memref_squeeze %dma_start3A_449 : memref<1x128xi32, #tpu.memory_space<vmem>> -> memref<128xi32, #tpu.memory_space<vmem>>
      %dma_start3A_451 = arith.constant 0 : i32
      %dma_start3A_452 = arith.constant 0 : i32
      %dma_start3A_453 = tpu.memref_slice %arg12[%dma_start3A_451, %dma_start3A_452] : memref<10112x128xf32, #tpu.memory_space<vmem_shared>> -> memref<10112x128xf32, #tpu.memory_space<vmem_shared>>
      tpu.enqueue_indirect_dma source(%dma_start3A_447 : memref<128x128xf32, #tpu.memory_space<vmem>>) target(%dma_start3A_453 : memref<10112x128xf32, #tpu.memory_space<vmem_shared>>) offsets(%dma_start3A_450 : memref<128xi32, #tpu.memory_space<vmem>>) semaphore(%arg15 : memref<!tpu.dma_semaphore, #tpu.memory_space<semaphore_mem>>) {add = true}
      %dma_start3A_454 = arith.constant 7 : i32
      %dma_start3A_455 = arith.constant 0 : i32
      %dma_start3A_456 = tpu.memref_slice %arg8[%dma_start3A_454, %dma_start3A_455] : memref<16x128xi32, #tpu.memory_space<vmem>> -> memref<1x128xi32, #tpu.memory_space<vmem>>
      %dma_start3A_457 = tpu.memref_squeeze %dma_start3A_456 : memref<1x128xi32, #tpu.memory_space<vmem>> -> memref<128xi32, #tpu.memory_space<vmem>>
      %dma_start3A_458 = arith.constant 0 : i32
      %dma_start3A_459 = arith.constant 0 : i32
      %dma_start3A_460 = tpu.memref_slice %arg13[%dma_start3A_458, %dma_start3A_459] : memref<10112x8xf32, #tpu.memory_space<vmem_shared>> -> memref<10112x8xf32, #tpu.memory_space<vmem_shared>>
      tpu.enqueue_indirect_dma source(%arg10 : memref<128x8xf32, #tpu.memory_space<vmem>>) target(%dma_start3A_460 : memref<10112x8xf32, #tpu.memory_space<vmem_shared>>) offsets(%dma_start3A_457 : memref<128xi32, #tpu.memory_space<vmem>>) semaphore(%arg16 : memref<!tpu.dma_semaphore, #tpu.memory_space<semaphore_mem>>) {add = true}
      %dma_wait3A_461 = arith.constant 6 : i32
      %dma_wait3A_462 = arith.constant 0 : i32
      %dma_wait3A_463 = tpu.memref_slice %arg8[%dma_wait3A_461, %dma_wait3A_462] : memref<16x128xi32, #tpu.memory_space<vmem>> -> memref<1x128xi32, #tpu.memory_space<vmem>>
      %dma_wait3A_464 = tpu.memref_squeeze %dma_wait3A_463 : memref<1x128xi32, #tpu.memory_space<vmem>> -> memref<128xi32, #tpu.memory_space<vmem>>
      %dma_wait3A_465 = arith.constant 0 : i32
      %dma_wait3A_466 = arith.constant 0 : i32
      %dma_wait3A_467 = tpu.memref_slice %arg13[%dma_wait3A_465, %dma_wait3A_466] : memref<10112x8xf32, #tpu.memory_space<vmem_shared>> -> memref<10112x8xf32, #tpu.memory_space<vmem_shared>>
      tpu.wait_indirect_dma semaphore(%arg16 : memref<!tpu.dma_semaphore, #tpu.memory_space<semaphore_mem>>) src(%arg10 : memref<128x8xf32, #tpu.memory_space<vmem>>) dst(%dma_wait3A_467 : memref<10112x8xf32, #tpu.memory_space<vmem_shared>>)
      %dma_wait3A_468 = arith.constant 7 : i32
      %dma_wait3A_469 = arith.constant 128 : i32
      %dma_wait3A_470 = arith.constant 0 : i32
      %dma_wait3A_471 = tpu.memref_slice %arg9[%dma_wait3A_469, %dma_wait3A_470] : memref<256x128xf32, #tpu.memory_space<vmem>> -> memref<128x128xf32, #tpu.memory_space<vmem>>
      %dma_wait3A_472 = arith.constant 0 : i32
      %dma_wait3A_473 = tpu.memref_slice %arg8[%dma_wait3A_468, %dma_wait3A_472] : memref<16x128xi32, #tpu.memory_space<vmem>> -> memref<1x128xi32, #tpu.memory_space<vmem>>
      %dma_wait3A_474 = tpu.memref_squeeze %dma_wait3A_473 : memref<1x128xi32, #tpu.memory_space<vmem>> -> memref<128xi32, #tpu.memory_space<vmem>>
      %dma_wait3A_475 = arith.constant 0 : i32
      %dma_wait3A_476 = arith.constant 0 : i32
      %dma_wait3A_477 = tpu.memref_slice %arg12[%dma_wait3A_475, %dma_wait3A_476] : memref<10112x128xf32, #tpu.memory_space<vmem_shared>> -> memref<10112x128xf32, #tpu.memory_space<vmem_shared>>
      tpu.wait_indirect_dma semaphore(%arg15 : memref<!tpu.dma_semaphore, #tpu.memory_space<semaphore_mem>>) src(%dma_wait3A_471 : memref<128x128xf32, #tpu.memory_space<vmem>>) dst(%dma_wait3A_477 : memref<10112x128xf32, #tpu.memory_space<vmem_shared>>)
      %dma_start3A_478 = arith.constant 9 : i32
      %dma_start3A_479 = arith.constant 128 : i32
      %dma_start3A_480 = arith.constant 0 : i32
      %dma_start3A_481 = tpu.memref_slice %arg9[%dma_start3A_479, %dma_start3A_480] : memref<256x128xf32, #tpu.memory_space<vmem>> -> memref<128x128xf32, #tpu.memory_space<vmem>>
      %dma_start3A_482 = arith.constant 0 : i32
      %dma_start3A_483 = tpu.memref_slice %arg7[%dma_start3A_478, %dma_start3A_482] : memref<16x128xi32, #tpu.memory_space<vmem>> -> memref<1x128xi32, #tpu.memory_space<vmem>>
      %dma_start3A_484 = tpu.memref_squeeze %dma_start3A_483 : memref<1x128xi32, #tpu.memory_space<vmem>> -> memref<128xi32, #tpu.memory_space<vmem>>
      %dma_start3A_485 = arith.constant 0 : i32
      %dma_start3A_486 = arith.constant 0 : i32
      %dma_start3A_487 = tpu.memref_slice %arg2[%dma_start3A_485, %dma_start3A_486] : memref<10000x128xf32, #tpu.memory_space<hbm>> -> memref<10000x128xf32, #tpu.memory_space<hbm>>
      tpu.enqueue_indirect_dma source(%dma_start3A_487 : memref<10000x128xf32, #tpu.memory_space<hbm>>) target(%dma_start3A_481 : memref<128x128xf32, #tpu.memory_space<vmem>>) offsets(%dma_start3A_484 : memref<128xi32, #tpu.memory_space<vmem>>) semaphore(%arg14 : memref<!tpu.dma_semaphore, #tpu.memory_space<semaphore_mem>>)
      %dma_wait3A_488 = arith.constant 8 : i32
      %dma_wait3A_489 = arith.constant 0 : i32
      %dma_wait3A_490 = arith.constant 0 : i32
      %dma_wait3A_491 = tpu.memref_slice %arg9[%dma_wait3A_489, %dma_wait3A_490] : memref<256x128xf32, #tpu.memory_space<vmem>> -> memref<128x128xf32, #tpu.memory_space<vmem>>
      %dma_wait3A_492 = arith.constant 0 : i32
      %dma_wait3A_493 = tpu.memref_slice %arg7[%dma_wait3A_488, %dma_wait3A_492] : memref<16x128xi32, #tpu.memory_space<vmem>> -> memref<1x128xi32, #tpu.memory_space<vmem>>
      %dma_wait3A_494 = tpu.memref_squeeze %dma_wait3A_493 : memref<1x128xi32, #tpu.memory_space<vmem>> -> memref<128xi32, #tpu.memory_space<vmem>>
      %dma_wait3A_495 = arith.constant 0 : i32
      %dma_wait3A_496 = arith.constant 0 : i32
      %dma_wait3A_497 = tpu.memref_slice %arg2[%dma_wait3A_495, %dma_wait3A_496] : memref<10000x128xf32, #tpu.memory_space<hbm>> -> memref<10000x128xf32, #tpu.memory_space<hbm>>
      tpu.wait_indirect_dma semaphore(%arg14 : memref<!tpu.dma_semaphore, #tpu.memory_space<semaphore_mem>>) src(%dma_wait3A_497 : memref<10000x128xf32, #tpu.memory_space<hbm>>) dst(%dma_wait3A_491 : memref<128x128xf32, #tpu.memory_space<vmem>>)
      %dma_start3A_498 = arith.constant 8 : i32
      %dma_start3A_499 = arith.constant 0 : i32
      %dma_start3A_500 = arith.constant 0 : i32
      %dma_start3A_501 = tpu.memref_slice %arg9[%dma_start3A_499, %dma_start3A_500] : memref<256x128xf32, #tpu.memory_space<vmem>> -> memref<128x128xf32, #tpu.memory_space<vmem>>
      %dma_start3A_502 = arith.constant 0 : i32
      %dma_start3A_503 = tpu.memref_slice %arg8[%dma_start3A_498, %dma_start3A_502] : memref<16x128xi32, #tpu.memory_space<vmem>> -> memref<1x128xi32, #tpu.memory_space<vmem>>
      %dma_start3A_504 = tpu.memref_squeeze %dma_start3A_503 : memref<1x128xi32, #tpu.memory_space<vmem>> -> memref<128xi32, #tpu.memory_space<vmem>>
      %dma_start3A_505 = arith.constant 0 : i32
      %dma_start3A_506 = arith.constant 0 : i32
      %dma_start3A_507 = tpu.memref_slice %arg12[%dma_start3A_505, %dma_start3A_506] : memref<10112x128xf32, #tpu.memory_space<vmem_shared>> -> memref<10112x128xf32, #tpu.memory_space<vmem_shared>>
      tpu.enqueue_indirect_dma source(%dma_start3A_501 : memref<128x128xf32, #tpu.memory_space<vmem>>) target(%dma_start3A_507 : memref<10112x128xf32, #tpu.memory_space<vmem_shared>>) offsets(%dma_start3A_504 : memref<128xi32, #tpu.memory_space<vmem>>) semaphore(%arg15 : memref<!tpu.dma_semaphore, #tpu.memory_space<semaphore_mem>>) {add = true}
      %dma_start3A_508 = arith.constant 8 : i32
      %dma_start3A_509 = arith.constant 0 : i32
      %dma_start3A_510 = tpu.memref_slice %arg8[%dma_start3A_508, %dma_start3A_509] : memref<16x128xi32, #tpu.memory_space<vmem>> -> memref<1x128xi32, #tpu.memory_space<vmem>>
      %dma_start3A_511 = tpu.memref_squeeze %dma_start3A_510 : memref<1x128xi32, #tpu.memory_space<vmem>> -> memref<128xi32, #tpu.memory_space<vmem>>
      %dma_start3A_512 = arith.constant 0 : i32
      %dma_start3A_513 = arith.constant 0 : i32
      %dma_start3A_514 = tpu.memref_slice %arg13[%dma_start3A_512, %dma_start3A_513] : memref<10112x8xf32, #tpu.memory_space<vmem_shared>> -> memref<10112x8xf32, #tpu.memory_space<vmem_shared>>
      tpu.enqueue_indirect_dma source(%arg10 : memref<128x8xf32, #tpu.memory_space<vmem>>) target(%dma_start3A_514 : memref<10112x8xf32, #tpu.memory_space<vmem_shared>>) offsets(%dma_start3A_511 : memref<128xi32, #tpu.memory_space<vmem>>) semaphore(%arg16 : memref<!tpu.dma_semaphore, #tpu.memory_space<semaphore_mem>>) {add = true}
      %dma_wait3A_515 = arith.constant 7 : i32
      %dma_wait3A_516 = arith.constant 0 : i32
      %dma_wait3A_517 = tpu.memref_slice %arg8[%dma_wait3A_515, %dma_wait3A_516] : memref<16x128xi32, #tpu.memory_space<vmem>> -> memref<1x128xi32, #tpu.memory_space<vmem>>
      %dma_wait3A_518 = tpu.memref_squeeze %dma_wait3A_517 : memref<1x128xi32, #tpu.memory_space<vmem>> -> memref<128xi32, #tpu.memory_space<vmem>>
      %dma_wait3A_519 = arith.constant 0 : i32
      %dma_wait3A_520 = arith.constant 0 : i32
      %dma_wait3A_521 = tpu.memref_slice %arg13[%dma_wait3A_519, %dma_wait3A_520] : memref<10112x8xf32, #tpu.memory_space<vmem_shared>> -> memref<10112x8xf32, #tpu.memory_space<vmem_shared>>
      tpu.wait_indirect_dma semaphore(%arg16 : memref<!tpu.dma_semaphore, #tpu.memory_space<semaphore_mem>>) src(%arg10 : memref<128x8xf32, #tpu.memory_space<vmem>>) dst(%dma_wait3A_521 : memref<10112x8xf32, #tpu.memory_space<vmem_shared>>)
      %dma_wait3A_522 = arith.constant 8 : i32
      %dma_wait3A_523 = arith.constant 0 : i32
      %dma_wait3A_524 = arith.constant 0 : i32
      %dma_wait3A_525 = tpu.memref_slice %arg9[%dma_wait3A_523, %dma_wait3A_524] : memref<256x128xf32, #tpu.memory_space<vmem>> -> memref<128x128xf32, #tpu.memory_space<vmem>>
      %dma_wait3A_526 = arith.constant 0 : i32
      %dma_wait3A_527 = tpu.memref_slice %arg8[%dma_wait3A_522, %dma_wait3A_526] : memref<16x128xi32, #tpu.memory_space<vmem>> -> memref<1x128xi32, #tpu.memory_space<vmem>>
      %dma_wait3A_528 = tpu.memref_squeeze %dma_wait3A_527 : memref<1x128xi32, #tpu.memory_space<vmem>> -> memref<128xi32, #tpu.memory_space<vmem>>
      %dma_wait3A_529 = arith.constant 0 : i32
      %dma_wait3A_530 = arith.constant 0 : i32
      %dma_wait3A_531 = tpu.memref_slice %arg12[%dma_wait3A_529, %dma_wait3A_530] : memref<10112x128xf32, #tpu.memory_space<vmem_shared>> -> memref<10112x128xf32, #tpu.memory_space<vmem_shared>>
      tpu.wait_indirect_dma semaphore(%arg15 : memref<!tpu.dma_semaphore, #tpu.memory_space<semaphore_mem>>) src(%dma_wait3A_525 : memref<128x128xf32, #tpu.memory_space<vmem>>) dst(%dma_wait3A_531 : memref<10112x128xf32, #tpu.memory_space<vmem_shared>>)
      %dma_start3A_532 = arith.constant 10 : i32
      %dma_start3A_533 = arith.constant 0 : i32
      %dma_start3A_534 = arith.constant 0 : i32
      %dma_start3A_535 = tpu.memref_slice %arg9[%dma_start3A_533, %dma_start3A_534] : memref<256x128xf32, #tpu.memory_space<vmem>> -> memref<128x128xf32, #tpu.memory_space<vmem>>
      %dma_start3A_536 = arith.constant 0 : i32
      %dma_start3A_537 = tpu.memref_slice %arg7[%dma_start3A_532, %dma_start3A_536] : memref<16x128xi32, #tpu.memory_space<vmem>> -> memref<1x128xi32, #tpu.memory_space<vmem>>
      %dma_start3A_538 = tpu.memref_squeeze %dma_start3A_537 : memref<1x128xi32, #tpu.memory_space<vmem>> -> memref<128xi32, #tpu.memory_space<vmem>>
      %dma_start3A_539 = arith.constant 0 : i32
      %dma_start3A_540 = arith.constant 0 : i32
      %dma_start3A_541 = tpu.memref_slice %arg2[%dma_start3A_539, %dma_start3A_540] : memref<10000x128xf32, #tpu.memory_space<hbm>> -> memref<10000x128xf32, #tpu.memory_space<hbm>>
      tpu.enqueue_indirect_dma source(%dma_start3A_541 : memref<10000x128xf32, #tpu.memory_space<hbm>>) target(%dma_start3A_535 : memref<128x128xf32, #tpu.memory_space<vmem>>) offsets(%dma_start3A_538 : memref<128xi32, #tpu.memory_space<vmem>>) semaphore(%arg14 : memref<!tpu.dma_semaphore, #tpu.memory_space<semaphore_mem>>)
      %dma_wait3A_542 = arith.constant 9 : i32
      %dma_wait3A_543 = arith.constant 128 : i32
      %dma_wait3A_544 = arith.constant 0 : i32
      %dma_wait3A_545 = tpu.memref_slice %arg9[%dma_wait3A_543, %dma_wait3A_544] : memref<256x128xf32, #tpu.memory_space<vmem>> -> memref<128x128xf32, #tpu.memory_space<vmem>>
      %dma_wait3A_546 = arith.constant 0 : i32
      %dma_wait3A_547 = tpu.memref_slice %arg7[%dma_wait3A_542, %dma_wait3A_546] : memref<16x128xi32, #tpu.memory_space<vmem>> -> memref<1x128xi32, #tpu.memory_space<vmem>>
      %dma_wait3A_548 = tpu.memref_squeeze %dma_wait3A_547 : memref<1x128xi32, #tpu.memory_space<vmem>> -> memref<128xi32, #tpu.memory_space<vmem>>
      %dma_wait3A_549 = arith.constant 0 : i32
      %dma_wait3A_550 = arith.constant 0 : i32
      %dma_wait3A_551 = tpu.memref_slice %arg2[%dma_wait3A_549, %dma_wait3A_550] : memref<10000x128xf32, #tpu.memory_space<hbm>> -> memref<10000x128xf32, #tpu.memory_space<hbm>>
      tpu.wait_indirect_dma semaphore(%arg14 : memref<!tpu.dma_semaphore, #tpu.memory_space<semaphore_mem>>) src(%dma_wait3A_551 : memref<10000x128xf32, #tpu.memory_space<hbm>>) dst(%dma_wait3A_545 : memref<128x128xf32, #tpu.memory_space<vmem>>)
      %dma_start3A_552 = arith.constant 9 : i32
      %dma_start3A_553 = arith.constant 128 : i32
      %dma_start3A_554 = arith.constant 0 : i32
      %dma_start3A_555 = tpu.memref_slice %arg9[%dma_start3A_553, %dma_start3A_554] : memref<256x128xf32, #tpu.memory_space<vmem>> -> memref<128x128xf32, #tpu.memory_space<vmem>>
      %dma_start3A_556 = arith.constant 0 : i32
      %dma_start3A_557 = tpu.memref_slice %arg8[%dma_start3A_552, %dma_start3A_556] : memref<16x128xi32, #tpu.memory_space<vmem>> -> memref<1x128xi32, #tpu.memory_space<vmem>>
      %dma_start3A_558 = tpu.memref_squeeze %dma_start3A_557 : memref<1x128xi32, #tpu.memory_space<vmem>> -> memref<128xi32, #tpu.memory_space<vmem>>
      %dma_start3A_559 = arith.constant 0 : i32
      %dma_start3A_560 = arith.constant 0 : i32
      %dma_start3A_561 = tpu.memref_slice %arg12[%dma_start3A_559, %dma_start3A_560] : memref<10112x128xf32, #tpu.memory_space<vmem_shared>> -> memref<10112x128xf32, #tpu.memory_space<vmem_shared>>
      tpu.enqueue_indirect_dma source(%dma_start3A_555 : memref<128x128xf32, #tpu.memory_space<vmem>>) target(%dma_start3A_561 : memref<10112x128xf32, #tpu.memory_space<vmem_shared>>) offsets(%dma_start3A_558 : memref<128xi32, #tpu.memory_space<vmem>>) semaphore(%arg15 : memref<!tpu.dma_semaphore, #tpu.memory_space<semaphore_mem>>) {add = true}
      %dma_start3A_562 = arith.constant 9 : i32
      %dma_start3A_563 = arith.constant 0 : i32
      %dma_start3A_564 = tpu.memref_slice %arg8[%dma_start3A_562, %dma_start3A_563] : memref<16x128xi32, #tpu.memory_space<vmem>> -> memref<1x128xi32, #tpu.memory_space<vmem>>
      %dma_start3A_565 = tpu.memref_squeeze %dma_start3A_564 : memref<1x128xi32, #tpu.memory_space<vmem>> -> memref<128xi32, #tpu.memory_space<vmem>>
      %dma_start3A_566 = arith.constant 0 : i32
      %dma_start3A_567 = arith.constant 0 : i32
      %dma_start3A_568 = tpu.memref_slice %arg13[%dma_start3A_566, %dma_start3A_567] : memref<10112x8xf32, #tpu.memory_space<vmem_shared>> -> memref<10112x8xf32, #tpu.memory_space<vmem_shared>>
      tpu.enqueue_indirect_dma source(%arg10 : memref<128x8xf32, #tpu.memory_space<vmem>>) target(%dma_start3A_568 : memref<10112x8xf32, #tpu.memory_space<vmem_shared>>) offsets(%dma_start3A_565 : memref<128xi32, #tpu.memory_space<vmem>>) semaphore(%arg16 : memref<!tpu.dma_semaphore, #tpu.memory_space<semaphore_mem>>) {add = true}
      %dma_wait3A_569 = arith.constant 8 : i32
      %dma_wait3A_570 = arith.constant 0 : i32
      %dma_wait3A_571 = tpu.memref_slice %arg8[%dma_wait3A_569, %dma_wait3A_570] : memref<16x128xi32, #tpu.memory_space<vmem>> -> memref<1x128xi32, #tpu.memory_space<vmem>>
      %dma_wait3A_572 = tpu.memref_squeeze %dma_wait3A_571 : memref<1x128xi32, #tpu.memory_space<vmem>> -> memref<128xi32, #tpu.memory_space<vmem>>
      %dma_wait3A_573 = arith.constant 0 : i32
      %dma_wait3A_574 = arith.constant 0 : i32
      %dma_wait3A_575 = tpu.memref_slice %arg13[%dma_wait3A_573, %dma_wait3A_574] : memref<10112x8xf32, #tpu.memory_space<vmem_shared>> -> memref<10112x8xf32, #tpu.memory_space<vmem_shared>>
      tpu.wait_indirect_dma semaphore(%arg16 : memref<!tpu.dma_semaphore, #tpu.memory_space<semaphore_mem>>) src(%arg10 : memref<128x8xf32, #tpu.memory_space<vmem>>) dst(%dma_wait3A_575 : memref<10112x8xf32, #tpu.memory_space<vmem_shared>>)
      %dma_wait3A_576 = arith.constant 9 : i32
      %dma_wait3A_577 = arith.constant 128 : i32
      %dma_wait3A_578 = arith.constant 0 : i32
      %dma_wait3A_579 = tpu.memref_slice %arg9[%dma_wait3A_577, %dma_wait3A_578] : memref<256x128xf32, #tpu.memory_space<vmem>> -> memref<128x128xf32, #tpu.memory_space<vmem>>
      %dma_wait3A_580 = arith.constant 0 : i32
      %dma_wait3A_581 = tpu.memref_slice %arg8[%dma_wait3A_576, %dma_wait3A_580] : memref<16x128xi32, #tpu.memory_space<vmem>> -> memref<1x128xi32, #tpu.memory_space<vmem>>
      %dma_wait3A_582 = tpu.memref_squeeze %dma_wait3A_581 : memref<1x128xi32, #tpu.memory_space<vmem>> -> memref<128xi32, #tpu.memory_space<vmem>>
      %dma_wait3A_583 = arith.constant 0 : i32
      %dma_wait3A_584 = arith.constant 0 : i32
      %dma_wait3A_585 = tpu.memref_slice %arg12[%dma_wait3A_583, %dma_wait3A_584] : memref<10112x128xf32, #tpu.memory_space<vmem_shared>> -> memref<10112x128xf32, #tpu.memory_space<vmem_shared>>
      tpu.wait_indirect_dma semaphore(%arg15 : memref<!tpu.dma_semaphore, #tpu.memory_space<semaphore_mem>>) src(%dma_wait3A_579 : memref<128x128xf32, #tpu.memory_space<vmem>>) dst(%dma_wait3A_585 : memref<10112x128xf32, #tpu.memory_space<vmem_shared>>)
      %dma_start3A_586 = arith.constant 11 : i32
      %dma_start3A_587 = arith.constant 128 : i32
      %dma_start3A_588 = arith.constant 0 : i32
      %dma_start3A_589 = tpu.memref_slice %arg9[%dma_start3A_587, %dma_start3A_588] : memref<256x128xf32, #tpu.memory_space<vmem>> -> memref<128x128xf32, #tpu.memory_space<vmem>>
      %dma_start3A_590 = arith.constant 0 : i32
      %dma_start3A_591 = tpu.memref_slice %arg7[%dma_start3A_586, %dma_start3A_590] : memref<16x128xi32, #tpu.memory_space<vmem>> -> memref<1x128xi32, #tpu.memory_space<vmem>>
      %dma_start3A_592 = tpu.memref_squeeze %dma_start3A_591 : memref<1x128xi32, #tpu.memory_space<vmem>> -> memref<128xi32, #tpu.memory_space<vmem>>
      %dma_start3A_593 = arith.constant 0 : i32
      %dma_start3A_594 = arith.constant 0 : i32
      %dma_start3A_595 = tpu.memref_slice %arg2[%dma_start3A_593, %dma_start3A_594] : memref<10000x128xf32, #tpu.memory_space<hbm>> -> memref<10000x128xf32, #tpu.memory_space<hbm>>
      tpu.enqueue_indirect_dma source(%dma_start3A_595 : memref<10000x128xf32, #tpu.memory_space<hbm>>) target(%dma_start3A_589 : memref<128x128xf32, #tpu.memory_space<vmem>>) offsets(%dma_start3A_592 : memref<128xi32, #tpu.memory_space<vmem>>) semaphore(%arg14 : memref<!tpu.dma_semaphore, #tpu.memory_space<semaphore_mem>>)
      %dma_wait3A_596 = arith.constant 10 : i32
      %dma_wait3A_597 = arith.constant 0 : i32
      %dma_wait3A_598 = arith.constant 0 : i32
      %dma_wait3A_599 = tpu.memref_slice %arg9[%dma_wait3A_597, %dma_wait3A_598] : memref<256x128xf32, #tpu.memory_space<vmem>> -> memref<128x128xf32, #tpu.memory_space<vmem>>
      %dma_wait3A_600 = arith.constant 0 : i32
      %dma_wait3A_601 = tpu.memref_slice %arg7[%dma_wait3A_596, %dma_wait3A_600] : memref<16x128xi32, #tpu.memory_space<vmem>> -> memref<1x128xi32, #tpu.memory_space<vmem>>
      %dma_wait3A_602 = tpu.memref_squeeze %dma_wait3A_601 : memref<1x128xi32, #tpu.memory_space<vmem>> -> memref<128xi32, #tpu.memory_space<vmem>>
      %dma_wait3A_603 = arith.constant 0 : i32
      %dma_wait3A_604 = arith.constant 0 : i32
      %dma_wait3A_605 = tpu.memref_slice %arg2[%dma_wait3A_603, %dma_wait3A_604] : memref<10000x128xf32, #tpu.memory_space<hbm>> -> memref<10000x128xf32, #tpu.memory_space<hbm>>
      tpu.wait_indirect_dma semaphore(%arg14 : memref<!tpu.dma_semaphore, #tpu.memory_space<semaphore_mem>>) src(%dma_wait3A_605 : memref<10000x128xf32, #tpu.memory_space<hbm>>) dst(%dma_wait3A_599 : memref<128x128xf32, #tpu.memory_space<vmem>>)
      %dma_start3A_606 = arith.constant 10 : i32
      %dma_start3A_607 = arith.constant 0 : i32
      %dma_start3A_608 = arith.constant 0 : i32
      %dma_start3A_609 = tpu.memref_slice %arg9[%dma_start3A_607, %dma_start3A_608] : memref<256x128xf32, #tpu.memory_space<vmem>> -> memref<128x128xf32, #tpu.memory_space<vmem>>
      %dma_start3A_610 = arith.constant 0 : i32
      %dma_start3A_611 = tpu.memref_slice %arg8[%dma_start3A_606, %dma_start3A_610] : memref<16x128xi32, #tpu.memory_space<vmem>> -> memref<1x128xi32, #tpu.memory_space<vmem>>
      %dma_start3A_612 = tpu.memref_squeeze %dma_start3A_611 : memref<1x128xi32, #tpu.memory_space<vmem>> -> memref<128xi32, #tpu.memory_space<vmem>>
      %dma_start3A_613 = arith.constant 0 : i32
      %dma_start3A_614 = arith.constant 0 : i32
      %dma_start3A_615 = tpu.memref_slice %arg12[%dma_start3A_613, %dma_start3A_614] : memref<10112x128xf32, #tpu.memory_space<vmem_shared>> -> memref<10112x128xf32, #tpu.memory_space<vmem_shared>>
      tpu.enqueue_indirect_dma source(%dma_start3A_609 : memref<128x128xf32, #tpu.memory_space<vmem>>) target(%dma_start3A_615 : memref<10112x128xf32, #tpu.memory_space<vmem_shared>>) offsets(%dma_start3A_612 : memref<128xi32, #tpu.memory_space<vmem>>) semaphore(%arg15 : memref<!tpu.dma_semaphore, #tpu.memory_space<semaphore_mem>>) {add = true}
      %dma_start3A_616 = arith.constant 10 : i32
      %dma_start3A_617 = arith.constant 0 : i32
      %dma_start3A_618 = tpu.memref_slice %arg8[%dma_start3A_616, %dma_start3A_617] : memref<16x128xi32, #tpu.memory_space<vmem>> -> memref<1x128xi32, #tpu.memory_space<vmem>>
      %dma_start3A_619 = tpu.memref_squeeze %dma_start3A_618 : memref<1x128xi32, #tpu.memory_space<vmem>> -> memref<128xi32, #tpu.memory_space<vmem>>
      %dma_start3A_620 = arith.constant 0 : i32
      %dma_start3A_621 = arith.constant 0 : i32
      %dma_start3A_622 = tpu.memref_slice %arg13[%dma_start3A_620, %dma_start3A_621] : memref<10112x8xf32, #tpu.memory_space<vmem_shared>> -> memref<10112x8xf32, #tpu.memory_space<vmem_shared>>
      tpu.enqueue_indirect_dma source(%arg10 : memref<128x8xf32, #tpu.memory_space<vmem>>) target(%dma_start3A_622 : memref<10112x8xf32, #tpu.memory_space<vmem_shared>>) offsets(%dma_start3A_619 : memref<128xi32, #tpu.memory_space<vmem>>) semaphore(%arg16 : memref<!tpu.dma_semaphore, #tpu.memory_space<semaphore_mem>>) {add = true}
      %dma_wait3A_623 = arith.constant 9 : i32
      %dma_wait3A_624 = arith.constant 0 : i32
      %dma_wait3A_625 = tpu.memref_slice %arg8[%dma_wait3A_623, %dma_wait3A_624] : memref<16x128xi32, #tpu.memory_space<vmem>> -> memref<1x128xi32, #tpu.memory_space<vmem>>
      %dma_wait3A_626 = tpu.memref_squeeze %dma_wait3A_625 : memref<1x128xi32, #tpu.memory_space<vmem>> -> memref<128xi32, #tpu.memory_space<vmem>>
      %dma_wait3A_627 = arith.constant 0 : i32
      %dma_wait3A_628 = arith.constant 0 : i32
      %dma_wait3A_629 = tpu.memref_slice %arg13[%dma_wait3A_627, %dma_wait3A_628] : memref<10112x8xf32, #tpu.memory_space<vmem_shared>> -> memref<10112x8xf32, #tpu.memory_space<vmem_shared>>
      tpu.wait_indirect_dma semaphore(%arg16 : memref<!tpu.dma_semaphore, #tpu.memory_space<semaphore_mem>>) src(%arg10 : memref<128x8xf32, #tpu.memory_space<vmem>>) dst(%dma_wait3A_629 : memref<10112x8xf32, #tpu.memory_space<vmem_shared>>)
      %dma_wait3A_630 = arith.constant 10 : i32
      %dma_wait3A_631 = arith.constant 0 : i32
      %dma_wait3A_632 = arith.constant 0 : i32
      %dma_wait3A_633 = tpu.memref_slice %arg9[%dma_wait3A_631, %dma_wait3A_632] : memref<256x128xf32, #tpu.memory_space<vmem>> -> memref<128x128xf32, #tpu.memory_space<vmem>>
      %dma_wait3A_634 = arith.constant 0 : i32
      %dma_wait3A_635 = tpu.memref_slice %arg8[%dma_wait3A_630, %dma_wait3A_634] : memref<16x128xi32, #tpu.memory_space<vmem>> -> memref<1x128xi32, #tpu.memory_space<vmem>>
      %dma_wait3A_636 = tpu.memref_squeeze %dma_wait3A_635 : memref<1x128xi32, #tpu.memory_space<vmem>> -> memref<128xi32, #tpu.memory_space<vmem>>
      %dma_wait3A_637 = arith.constant 0 : i32
      %dma_wait3A_638 = arith.constant 0 : i32
      %dma_wait3A_639 = tpu.memref_slice %arg12[%dma_wait3A_637, %dma_wait3A_638] : memref<10112x128xf32, #tpu.memory_space<vmem_shared>> -> memref<10112x128xf32, #tpu.memory_space<vmem_shared>>
      tpu.wait_indirect_dma semaphore(%arg15 : memref<!tpu.dma_semaphore, #tpu.memory_space<semaphore_mem>>) src(%dma_wait3A_633 : memref<128x128xf32, #tpu.memory_space<vmem>>) dst(%dma_wait3A_639 : memref<10112x128xf32, #tpu.memory_space<vmem_shared>>)
      %dma_start3A_640 = arith.constant 12 : i32
      %dma_start3A_641 = arith.constant 0 : i32
      %dma_start3A_642 = arith.constant 0 : i32
      %dma_start3A_643 = tpu.memref_slice %arg9[%dma_start3A_641, %dma_start3A_642] : memref<256x128xf32, #tpu.memory_space<vmem>> -> memref<128x128xf32, #tpu.memory_space<vmem>>
      %dma_start3A_644 = arith.constant 0 : i32
      %dma_start3A_645 = tpu.memref_slice %arg7[%dma_start3A_640, %dma_start3A_644] : memref<16x128xi32, #tpu.memory_space<vmem>> -> memref<1x128xi32, #tpu.memory_space<vmem>>
      %dma_start3A_646 = tpu.memref_squeeze %dma_start3A_645 : memref<1x128xi32, #tpu.memory_space<vmem>> -> memref<128xi32, #tpu.memory_space<vmem>>
      %dma_start3A_647 = arith.constant 0 : i32
      %dma_start3A_648 = arith.constant 0 : i32
      %dma_start3A_649 = tpu.memref_slice %arg2[%dma_start3A_647, %dma_start3A_648] : memref<10000x128xf32, #tpu.memory_space<hbm>> -> memref<10000x128xf32, #tpu.memory_space<hbm>>
      tpu.enqueue_indirect_dma source(%dma_start3A_649 : memref<10000x128xf32, #tpu.memory_space<hbm>>) target(%dma_start3A_643 : memref<128x128xf32, #tpu.memory_space<vmem>>) offsets(%dma_start3A_646 : memref<128xi32, #tpu.memory_space<vmem>>) semaphore(%arg14 : memref<!tpu.dma_semaphore, #tpu.memory_space<semaphore_mem>>)
      %dma_wait3A_650 = arith.constant 11 : i32
      %dma_wait3A_651 = arith.constant 128 : i32
      %dma_wait3A_652 = arith.constant 0 : i32
      %dma_wait3A_653 = tpu.memref_slice %arg9[%dma_wait3A_651, %dma_wait3A_652] : memref<256x128xf32, #tpu.memory_space<vmem>> -> memref<128x128xf32, #tpu.memory_space<vmem>>
      %dma_wait3A_654 = arith.constant 0 : i32
      %dma_wait3A_655 = tpu.memref_slice %arg7[%dma_wait3A_650, %dma_wait3A_654] : memref<16x128xi32, #tpu.memory_space<vmem>> -> memref<1x128xi32, #tpu.memory_space<vmem>>
      %dma_wait3A_656 = tpu.memref_squeeze %dma_wait3A_655 : memref<1x128xi32, #tpu.memory_space<vmem>> -> memref<128xi32, #tpu.memory_space<vmem>>
      %dma_wait3A_657 = arith.constant 0 : i32
      %dma_wait3A_658 = arith.constant 0 : i32
      %dma_wait3A_659 = tpu.memref_slice %arg2[%dma_wait3A_657, %dma_wait3A_658] : memref<10000x128xf32, #tpu.memory_space<hbm>> -> memref<10000x128xf32, #tpu.memory_space<hbm>>
      tpu.wait_indirect_dma semaphore(%arg14 : memref<!tpu.dma_semaphore, #tpu.memory_space<semaphore_mem>>) src(%dma_wait3A_659 : memref<10000x128xf32, #tpu.memory_space<hbm>>) dst(%dma_wait3A_653 : memref<128x128xf32, #tpu.memory_space<vmem>>)
      %dma_start3A_660 = arith.constant 11 : i32
      %dma_start3A_661 = arith.constant 128 : i32
      %dma_start3A_662 = arith.constant 0 : i32
      %dma_start3A_663 = tpu.memref_slice %arg9[%dma_start3A_661, %dma_start3A_662] : memref<256x128xf32, #tpu.memory_space<vmem>> -> memref<128x128xf32, #tpu.memory_space<vmem>>
      %dma_start3A_664 = arith.constant 0 : i32
      %dma_start3A_665 = tpu.memref_slice %arg8[%dma_start3A_660, %dma_start3A_664] : memref<16x128xi32, #tpu.memory_space<vmem>> -> memref<1x128xi32, #tpu.memory_space<vmem>>
      %dma_start3A_666 = tpu.memref_squeeze %dma_start3A_665 : memref<1x128xi32, #tpu.memory_space<vmem>> -> memref<128xi32, #tpu.memory_space<vmem>>
      %dma_start3A_667 = arith.constant 0 : i32
      %dma_start3A_668 = arith.constant 0 : i32
      %dma_start3A_669 = tpu.memref_slice %arg12[%dma_start3A_667, %dma_start3A_668] : memref<10112x128xf32, #tpu.memory_space<vmem_shared>> -> memref<10112x128xf32, #tpu.memory_space<vmem_shared>>
      tpu.enqueue_indirect_dma source(%dma_start3A_663 : memref<128x128xf32, #tpu.memory_space<vmem>>) target(%dma_start3A_669 : memref<10112x128xf32, #tpu.memory_space<vmem_shared>>) offsets(%dma_start3A_666 : memref<128xi32, #tpu.memory_space<vmem>>) semaphore(%arg15 : memref<!tpu.dma_semaphore, #tpu.memory_space<semaphore_mem>>) {add = true}
      %dma_start3A_670 = arith.constant 11 : i32
      %dma_start3A_671 = arith.constant 0 : i32
      %dma_start3A_672 = tpu.memref_slice %arg8[%dma_start3A_670, %dma_start3A_671] : memref<16x128xi32, #tpu.memory_space<vmem>> -> memref<1x128xi32, #tpu.memory_space<vmem>>
      %dma_start3A_673 = tpu.memref_squeeze %dma_start3A_672 : memref<1x128xi32, #tpu.memory_space<vmem>> -> memref<128xi32, #tpu.memory_space<vmem>>
      %dma_start3A_674 = arith.constant 0 : i32
      %dma_start3A_675 = arith.constant 0 : i32
      %dma_start3A_676 = tpu.memref_slice %arg13[%dma_start3A_674, %dma_start3A_675] : memref<10112x8xf32, #tpu.memory_space<vmem_shared>> -> memref<10112x8xf32, #tpu.memory_space<vmem_shared>>
      tpu.enqueue_indirect_dma source(%arg10 : memref<128x8xf32, #tpu.memory_space<vmem>>) target(%dma_start3A_676 : memref<10112x8xf32, #tpu.memory_space<vmem_shared>>) offsets(%dma_start3A_673 : memref<128xi32, #tpu.memory_space<vmem>>) semaphore(%arg16 : memref<!tpu.dma_semaphore, #tpu.memory_space<semaphore_mem>>) {add = true}
      %dma_wait3A_677 = arith.constant 10 : i32
      %dma_wait3A_678 = arith.constant 0 : i32
      %dma_wait3A_679 = tpu.memref_slice %arg8[%dma_wait3A_677, %dma_wait3A_678] : memref<16x128xi32, #tpu.memory_space<vmem>> -> memref<1x128xi32, #tpu.memory_space<vmem>>
      %dma_wait3A_680 = tpu.memref_squeeze %dma_wait3A_679 : memref<1x128xi32, #tpu.memory_space<vmem>> -> memref<128xi32, #tpu.memory_space<vmem>>
      %dma_wait3A_681 = arith.constant 0 : i32
      %dma_wait3A_682 = arith.constant 0 : i32
      %dma_wait3A_683 = tpu.memref_slice %arg13[%dma_wait3A_681, %dma_wait3A_682] : memref<10112x8xf32, #tpu.memory_space<vmem_shared>> -> memref<10112x8xf32, #tpu.memory_space<vmem_shared>>
      tpu.wait_indirect_dma semaphore(%arg16 : memref<!tpu.dma_semaphore, #tpu.memory_space<semaphore_mem>>) src(%arg10 : memref<128x8xf32, #tpu.memory_space<vmem>>) dst(%dma_wait3A_683 : memref<10112x8xf32, #tpu.memory_space<vmem_shared>>)
      %dma_wait3A_684 = arith.constant 11 : i32
      %dma_wait3A_685 = arith.constant 128 : i32
      %dma_wait3A_686 = arith.constant 0 : i32
      %dma_wait3A_687 = tpu.memref_slice %arg9[%dma_wait3A_685, %dma_wait3A_686] : memref<256x128xf32, #tpu.memory_space<vmem>> -> memref<128x128xf32, #tpu.memory_space<vmem>>
      %dma_wait3A_688 = arith.constant 0 : i32
      %dma_wait3A_689 = tpu.memref_slice %arg8[%dma_wait3A_684, %dma_wait3A_688] : memref<16x128xi32, #tpu.memory_space<vmem>> -> memref<1x128xi32, #tpu.memory_space<vmem>>
      %dma_wait3A_690 = tpu.memref_squeeze %dma_wait3A_689 : memref<1x128xi32, #tpu.memory_space<vmem>> -> memref<128xi32, #tpu.memory_space<vmem>>
      %dma_wait3A_691 = arith.constant 0 : i32
      %dma_wait3A_692 = arith.constant 0 : i32
      %dma_wait3A_693 = tpu.memref_slice %arg12[%dma_wait3A_691, %dma_wait3A_692] : memref<10112x128xf32, #tpu.memory_space<vmem_shared>> -> memref<10112x128xf32, #tpu.memory_space<vmem_shared>>
      tpu.wait_indirect_dma semaphore(%arg15 : memref<!tpu.dma_semaphore, #tpu.memory_space<semaphore_mem>>) src(%dma_wait3A_687 : memref<128x128xf32, #tpu.memory_space<vmem>>) dst(%dma_wait3A_693 : memref<10112x128xf32, #tpu.memory_space<vmem_shared>>)
      %dma_start3A_694 = arith.constant 13 : i32
      %dma_start3A_695 = arith.constant 128 : i32
      %dma_start3A_696 = arith.constant 0 : i32
      %dma_start3A_697 = tpu.memref_slice %arg9[%dma_start3A_695, %dma_start3A_696] : memref<256x128xf32, #tpu.memory_space<vmem>> -> memref<128x128xf32, #tpu.memory_space<vmem>>
      %dma_start3A_698 = arith.constant 0 : i32
      %dma_start3A_699 = tpu.memref_slice %arg7[%dma_start3A_694, %dma_start3A_698] : memref<16x128xi32, #tpu.memory_space<vmem>> -> memref<1x128xi32, #tpu.memory_space<vmem>>
      %dma_start3A_700 = tpu.memref_squeeze %dma_start3A_699 : memref<1x128xi32, #tpu.memory_space<vmem>> -> memref<128xi32, #tpu.memory_space<vmem>>
      %dma_start3A_701 = arith.constant 0 : i32
      %dma_start3A_702 = arith.constant 0 : i32
      %dma_start3A_703 = tpu.memref_slice %arg2[%dma_start3A_701, %dma_start3A_702] : memref<10000x128xf32, #tpu.memory_space<hbm>> -> memref<10000x128xf32, #tpu.memory_space<hbm>>
      tpu.enqueue_indirect_dma source(%dma_start3A_703 : memref<10000x128xf32, #tpu.memory_space<hbm>>) target(%dma_start3A_697 : memref<128x128xf32, #tpu.memory_space<vmem>>) offsets(%dma_start3A_700 : memref<128xi32, #tpu.memory_space<vmem>>) semaphore(%arg14 : memref<!tpu.dma_semaphore, #tpu.memory_space<semaphore_mem>>)
      %dma_wait3A_704 = arith.constant 12 : i32
      %dma_wait3A_705 = arith.constant 0 : i32
      %dma_wait3A_706 = arith.constant 0 : i32
      %dma_wait3A_707 = tpu.memref_slice %arg9[%dma_wait3A_705, %dma_wait3A_706] : memref<256x128xf32, #tpu.memory_space<vmem>> -> memref<128x128xf32, #tpu.memory_space<vmem>>
      %dma_wait3A_708 = arith.constant 0 : i32
      %dma_wait3A_709 = tpu.memref_slice %arg7[%dma_wait3A_704, %dma_wait3A_708] : memref<16x128xi32, #tpu.memory_space<vmem>> -> memref<1x128xi32, #tpu.memory_space<vmem>>
      %dma_wait3A_710 = tpu.memref_squeeze %dma_wait3A_709 : memref<1x128xi32, #tpu.memory_space<vmem>> -> memref<128xi32, #tpu.memory_space<vmem>>
      %dma_wait3A_711 = arith.constant 0 : i32
      %dma_wait3A_712 = arith.constant 0 : i32
      %dma_wait3A_713 = tpu.memref_slice %arg2[%dma_wait3A_711, %dma_wait3A_712] : memref<10000x128xf32, #tpu.memory_space<hbm>> -> memref<10000x128xf32, #tpu.memory_space<hbm>>
      tpu.wait_indirect_dma semaphore(%arg14 : memref<!tpu.dma_semaphore, #tpu.memory_space<semaphore_mem>>) src(%dma_wait3A_713 : memref<10000x128xf32, #tpu.memory_space<hbm>>) dst(%dma_wait3A_707 : memref<128x128xf32, #tpu.memory_space<vmem>>)
      %dma_start3A_714 = arith.constant 12 : i32
      %dma_start3A_715 = arith.constant 0 : i32
      %dma_start3A_716 = arith.constant 0 : i32
      %dma_start3A_717 = tpu.memref_slice %arg9[%dma_start3A_715, %dma_start3A_716] : memref<256x128xf32, #tpu.memory_space<vmem>> -> memref<128x128xf32, #tpu.memory_space<vmem>>
      %dma_start3A_718 = arith.constant 0 : i32
      %dma_start3A_719 = tpu.memref_slice %arg8[%dma_start3A_714, %dma_start3A_718] : memref<16x128xi32, #tpu.memory_space<vmem>> -> memref<1x128xi32, #tpu.memory_space<vmem>>
      %dma_start3A_720 = tpu.memref_squeeze %dma_start3A_719 : memref<1x128xi32, #tpu.memory_space<vmem>> -> memref<128xi32, #tpu.memory_space<vmem>>
      %dma_start3A_721 = arith.constant 0 : i32
      %dma_start3A_722 = arith.constant 0 : i32
      %dma_start3A_723 = tpu.memref_slice %arg12[%dma_start3A_721, %dma_start3A_722] : memref<10112x128xf32, #tpu.memory_space<vmem_shared>> -> memref<10112x128xf32, #tpu.memory_space<vmem_shared>>
      tpu.enqueue_indirect_dma source(%dma_start3A_717 : memref<128x128xf32, #tpu.memory_space<vmem>>) target(%dma_start3A_723 : memref<10112x128xf32, #tpu.memory_space<vmem_shared>>) offsets(%dma_start3A_720 : memref<128xi32, #tpu.memory_space<vmem>>) semaphore(%arg15 : memref<!tpu.dma_semaphore, #tpu.memory_space<semaphore_mem>>) {add = true}
      %dma_start3A_724 = arith.constant 12 : i32
      %dma_start3A_725 = arith.constant 0 : i32
      %dma_start3A_726 = tpu.memref_slice %arg8[%dma_start3A_724, %dma_start3A_725] : memref<16x128xi32, #tpu.memory_space<vmem>> -> memref<1x128xi32, #tpu.memory_space<vmem>>
      %dma_start3A_727 = tpu.memref_squeeze %dma_start3A_726 : memref<1x128xi32, #tpu.memory_space<vmem>> -> memref<128xi32, #tpu.memory_space<vmem>>
      %dma_start3A_728 = arith.constant 0 : i32
      %dma_start3A_729 = arith.constant 0 : i32
      %dma_start3A_730 = tpu.memref_slice %arg13[%dma_start3A_728, %dma_start3A_729] : memref<10112x8xf32, #tpu.memory_space<vmem_shared>> -> memref<10112x8xf32, #tpu.memory_space<vmem_shared>>
      tpu.enqueue_indirect_dma source(%arg10 : memref<128x8xf32, #tpu.memory_space<vmem>>) target(%dma_start3A_730 : memref<10112x8xf32, #tpu.memory_space<vmem_shared>>) offsets(%dma_start3A_727 : memref<128xi32, #tpu.memory_space<vmem>>) semaphore(%arg16 : memref<!tpu.dma_semaphore, #tpu.memory_space<semaphore_mem>>) {add = true}
      %dma_wait3A_731 = arith.constant 11 : i32
      %dma_wait3A_732 = arith.constant 0 : i32
      %dma_wait3A_733 = tpu.memref_slice %arg8[%dma_wait3A_731, %dma_wait3A_732] : memref<16x128xi32, #tpu.memory_space<vmem>> -> memref<1x128xi32, #tpu.memory_space<vmem>>
      %dma_wait3A_734 = tpu.memref_squeeze %dma_wait3A_733 : memref<1x128xi32, #tpu.memory_space<vmem>> -> memref<128xi32, #tpu.memory_space<vmem>>
      %dma_wait3A_735 = arith.constant 0 : i32
      %dma_wait3A_736 = arith.constant 0 : i32
      %dma_wait3A_737 = tpu.memref_slice %arg13[%dma_wait3A_735, %dma_wait3A_736] : memref<10112x8xf32, #tpu.memory_space<vmem_shared>> -> memref<10112x8xf32, #tpu.memory_space<vmem_shared>>
      tpu.wait_indirect_dma semaphore(%arg16 : memref<!tpu.dma_semaphore, #tpu.memory_space<semaphore_mem>>) src(%arg10 : memref<128x8xf32, #tpu.memory_space<vmem>>) dst(%dma_wait3A_737 : memref<10112x8xf32, #tpu.memory_space<vmem_shared>>)
      %dma_wait3A_738 = arith.constant 12 : i32
      %dma_wait3A_739 = arith.constant 0 : i32
      %dma_wait3A_740 = arith.constant 0 : i32
      %dma_wait3A_741 = tpu.memref_slice %arg9[%dma_wait3A_739, %dma_wait3A_740] : memref<256x128xf32, #tpu.memory_space<vmem>> -> memref<128x128xf32, #tpu.memory_space<vmem>>
      %dma_wait3A_742 = arith.constant 0 : i32
      %dma_wait3A_743 = tpu.memref_slice %arg8[%dma_wait3A_738, %dma_wait3A_742] : memref<16x128xi32, #tpu.memory_space<vmem>> -> memref<1x128xi32, #tpu.memory_space<vmem>>
      %dma_wait3A_744 = tpu.memref_squeeze %dma_wait3A_743 : memref<1x128xi32, #tpu.memory_space<vmem>> -> memref<128xi32, #tpu.memory_space<vmem>>
      %dma_wait3A_745 = arith.constant 0 : i32
      %dma_wait3A_746 = arith.constant 0 : i32
      %dma_wait3A_747 = tpu.memref_slice %arg12[%dma_wait3A_745, %dma_wait3A_746] : memref<10112x128xf32, #tpu.memory_space<vmem_shared>> -> memref<10112x128xf32, #tpu.memory_space<vmem_shared>>
      tpu.wait_indirect_dma semaphore(%arg15 : memref<!tpu.dma_semaphore, #tpu.memory_space<semaphore_mem>>) src(%dma_wait3A_741 : memref<128x128xf32, #tpu.memory_space<vmem>>) dst(%dma_wait3A_747 : memref<10112x128xf32, #tpu.memory_space<vmem_shared>>)
      %dma_start3A_748 = arith.constant 14 : i32
      %dma_start3A_749 = arith.constant 0 : i32
      %dma_start3A_750 = arith.constant 0 : i32
      %dma_start3A_751 = tpu.memref_slice %arg9[%dma_start3A_749, %dma_start3A_750] : memref<256x128xf32, #tpu.memory_space<vmem>> -> memref<128x128xf32, #tpu.memory_space<vmem>>
      %dma_start3A_752 = arith.constant 0 : i32
      %dma_start3A_753 = tpu.memref_slice %arg7[%dma_start3A_748, %dma_start3A_752] : memref<16x128xi32, #tpu.memory_space<vmem>> -> memref<1x128xi32, #tpu.memory_space<vmem>>
      %dma_start3A_754 = tpu.memref_squeeze %dma_start3A_753 : memref<1x128xi32, #tpu.memory_space<vmem>> -> memref<128xi32, #tpu.memory_space<vmem>>
      %dma_start3A_755 = arith.constant 0 : i32
      %dma_start3A_756 = arith.constant 0 : i32
      %dma_start3A_757 = tpu.memref_slice %arg2[%dma_start3A_755, %dma_start3A_756] : memref<10000x128xf32, #tpu.memory_space<hbm>> -> memref<10000x128xf32, #tpu.memory_space<hbm>>
      tpu.enqueue_indirect_dma source(%dma_start3A_757 : memref<10000x128xf32, #tpu.memory_space<hbm>>) target(%dma_start3A_751 : memref<128x128xf32, #tpu.memory_space<vmem>>) offsets(%dma_start3A_754 : memref<128xi32, #tpu.memory_space<vmem>>) semaphore(%arg14 : memref<!tpu.dma_semaphore, #tpu.memory_space<semaphore_mem>>)
      %dma_wait3A_758 = arith.constant 13 : i32
      %dma_wait3A_759 = arith.constant 128 : i32
      %dma_wait3A_760 = arith.constant 0 : i32
      %dma_wait3A_761 = tpu.memref_slice %arg9[%dma_wait3A_759, %dma_wait3A_760] : memref<256x128xf32, #tpu.memory_space<vmem>> -> memref<128x128xf32, #tpu.memory_space<vmem>>
      %dma_wait3A_762 = arith.constant 0 : i32
      %dma_wait3A_763 = tpu.memref_slice %arg7[%dma_wait3A_758, %dma_wait3A_762] : memref<16x128xi32, #tpu.memory_space<vmem>> -> memref<1x128xi32, #tpu.memory_space<vmem>>
      %dma_wait3A_764 = tpu.memref_squeeze %dma_wait3A_763 : memref<1x128xi32, #tpu.memory_space<vmem>> -> memref<128xi32, #tpu.memory_space<vmem>>
      %dma_wait3A_765 = arith.constant 0 : i32
      %dma_wait3A_766 = arith.constant 0 : i32
      %dma_wait3A_767 = tpu.memref_slice %arg2[%dma_wait3A_765, %dma_wait3A_766] : memref<10000x128xf32, #tpu.memory_space<hbm>> -> memref<10000x128xf32, #tpu.memory_space<hbm>>
      tpu.wait_indirect_dma semaphore(%arg14 : memref<!tpu.dma_semaphore, #tpu.memory_space<semaphore_mem>>) src(%dma_wait3A_767 : memref<10000x128xf32, #tpu.memory_space<hbm>>) dst(%dma_wait3A_761 : memref<128x128xf32, #tpu.memory_space<vmem>>)
      %dma_start3A_768 = arith.constant 13 : i32
      %dma_start3A_769 = arith.constant 128 : i32
      %dma_start3A_770 = arith.constant 0 : i32
      %dma_start3A_771 = tpu.memref_slice %arg9[%dma_start3A_769, %dma_start3A_770] : memref<256x128xf32, #tpu.memory_space<vmem>> -> memref<128x128xf32, #tpu.memory_space<vmem>>
      %dma_start3A_772 = arith.constant 0 : i32
      %dma_start3A_773 = tpu.memref_slice %arg8[%dma_start3A_768, %dma_start3A_772] : memref<16x128xi32, #tpu.memory_space<vmem>> -> memref<1x128xi32, #tpu.memory_space<vmem>>
      %dma_start3A_774 = tpu.memref_squeeze %dma_start3A_773 : memref<1x128xi32, #tpu.memory_space<vmem>> -> memref<128xi32, #tpu.memory_space<vmem>>
      %dma_start3A_775 = arith.constant 0 : i32
      %dma_start3A_776 = arith.constant 0 : i32
      %dma_start3A_777 = tpu.memref_slice %arg12[%dma_start3A_775, %dma_start3A_776] : memref<10112x128xf32, #tpu.memory_space<vmem_shared>> -> memref<10112x128xf32, #tpu.memory_space<vmem_shared>>
      tpu.enqueue_indirect_dma source(%dma_start3A_771 : memref<128x128xf32, #tpu.memory_space<vmem>>) target(%dma_start3A_777 : memref<10112x128xf32, #tpu.memory_space<vmem_shared>>) offsets(%dma_start3A_774 : memref<128xi32, #tpu.memory_space<vmem>>) semaphore(%arg15 : memref<!tpu.dma_semaphore, #tpu.memory_space<semaphore_mem>>) {add = true}
      %dma_start3A_778 = arith.constant 13 : i32
      %dma_start3A_779 = arith.constant 0 : i32
      %dma_start3A_780 = tpu.memref_slice %arg8[%dma_start3A_778, %dma_start3A_779] : memref<16x128xi32, #tpu.memory_space<vmem>> -> memref<1x128xi32, #tpu.memory_space<vmem>>
      %dma_start3A_781 = tpu.memref_squeeze %dma_start3A_780 : memref<1x128xi32, #tpu.memory_space<vmem>> -> memref<128xi32, #tpu.memory_space<vmem>>
      %dma_start3A_782 = arith.constant 0 : i32
      %dma_start3A_783 = arith.constant 0 : i32
      %dma_start3A_784 = tpu.memref_slice %arg13[%dma_start3A_782, %dma_start3A_783] : memref<10112x8xf32, #tpu.memory_space<vmem_shared>> -> memref<10112x8xf32, #tpu.memory_space<vmem_shared>>
      tpu.enqueue_indirect_dma source(%arg10 : memref<128x8xf32, #tpu.memory_space<vmem>>) target(%dma_start3A_784 : memref<10112x8xf32, #tpu.memory_space<vmem_shared>>) offsets(%dma_start3A_781 : memref<128xi32, #tpu.memory_space<vmem>>) semaphore(%arg16 : memref<!tpu.dma_semaphore, #tpu.memory_space<semaphore_mem>>) {add = true}
      %dma_wait3A_785 = arith.constant 12 : i32
      %dma_wait3A_786 = arith.constant 0 : i32
      %dma_wait3A_787 = tpu.memref_slice %arg8[%dma_wait3A_785, %dma_wait3A_786] : memref<16x128xi32, #tpu.memory_space<vmem>> -> memref<1x128xi32, #tpu.memory_space<vmem>>
      %dma_wait3A_788 = tpu.memref_squeeze %dma_wait3A_787 : memref<1x128xi32, #tpu.memory_space<vmem>> -> memref<128xi32, #tpu.memory_space<vmem>>
      %dma_wait3A_789 = arith.constant 0 : i32
      %dma_wait3A_790 = arith.constant 0 : i32
      %dma_wait3A_791 = tpu.memref_slice %arg13[%dma_wait3A_789, %dma_wait3A_790] : memref<10112x8xf32, #tpu.memory_space<vmem_shared>> -> memref<10112x8xf32, #tpu.memory_space<vmem_shared>>
      tpu.wait_indirect_dma semaphore(%arg16 : memref<!tpu.dma_semaphore, #tpu.memory_space<semaphore_mem>>) src(%arg10 : memref<128x8xf32, #tpu.memory_space<vmem>>) dst(%dma_wait3A_791 : memref<10112x8xf32, #tpu.memory_space<vmem_shared>>)
      %dma_wait3A_792 = arith.constant 13 : i32
      %dma_wait3A_793 = arith.constant 128 : i32
      %dma_wait3A_794 = arith.constant 0 : i32
      %dma_wait3A_795 = tpu.memref_slice %arg9[%dma_wait3A_793, %dma_wait3A_794] : memref<256x128xf32, #tpu.memory_space<vmem>> -> memref<128x128xf32, #tpu.memory_space<vmem>>
      %dma_wait3A_796 = arith.constant 0 : i32
      %dma_wait3A_797 = tpu.memref_slice %arg8[%dma_wait3A_792, %dma_wait3A_796] : memref<16x128xi32, #tpu.memory_space<vmem>> -> memref<1x128xi32, #tpu.memory_space<vmem>>
      %dma_wait3A_798 = tpu.memref_squeeze %dma_wait3A_797 : memref<1x128xi32, #tpu.memory_space<vmem>> -> memref<128xi32, #tpu.memory_space<vmem>>
      %dma_wait3A_799 = arith.constant 0 : i32
      %dma_wait3A_800 = arith.constant 0 : i32
      %dma_wait3A_801 = tpu.memref_slice %arg12[%dma_wait3A_799, %dma_wait3A_800] : memref<10112x128xf32, #tpu.memory_space<vmem_shared>> -> memref<10112x128xf32, #tpu.memory_space<vmem_shared>>
      tpu.wait_indirect_dma semaphore(%arg15 : memref<!tpu.dma_semaphore, #tpu.memory_space<semaphore_mem>>) src(%dma_wait3A_795 : memref<128x128xf32, #tpu.memory_space<vmem>>) dst(%dma_wait3A_801 : memref<10112x128xf32, #tpu.memory_space<vmem_shared>>)
      %dma_start3A_802 = arith.constant 15 : i32
      %dma_start3A_803 = arith.constant 128 : i32
      %dma_start3A_804 = arith.constant 0 : i32
      %dma_start3A_805 = tpu.memref_slice %arg9[%dma_start3A_803, %dma_start3A_804] : memref<256x128xf32, #tpu.memory_space<vmem>> -> memref<128x128xf32, #tpu.memory_space<vmem>>
      %dma_start3A_806 = arith.constant 0 : i32
      %dma_start3A_807 = tpu.memref_slice %arg7[%dma_start3A_802, %dma_start3A_806] : memref<16x128xi32, #tpu.memory_space<vmem>> -> memref<1x128xi32, #tpu.memory_space<vmem>>
      %dma_start3A_808 = tpu.memref_squeeze %dma_start3A_807 : memref<1x128xi32, #tpu.memory_space<vmem>> -> memref<128xi32, #tpu.memory_space<vmem>>
      %dma_start3A_809 = arith.constant 0 : i32
      %dma_start3A_810 = arith.constant 0 : i32
      %dma_start3A_811 = tpu.memref_slice %arg2[%dma_start3A_809, %dma_start3A_810] : memref<10000x128xf32, #tpu.memory_space<hbm>> -> memref<10000x128xf32, #tpu.memory_space<hbm>>
      tpu.enqueue_indirect_dma source(%dma_start3A_811 : memref<10000x128xf32, #tpu.memory_space<hbm>>) target(%dma_start3A_805 : memref<128x128xf32, #tpu.memory_space<vmem>>) offsets(%dma_start3A_808 : memref<128xi32, #tpu.memory_space<vmem>>) semaphore(%arg14 : memref<!tpu.dma_semaphore, #tpu.memory_space<semaphore_mem>>)
      %dma_wait3A_812 = arith.constant 14 : i32
      %dma_wait3A_813 = arith.constant 0 : i32
      %dma_wait3A_814 = arith.constant 0 : i32
      %dma_wait3A_815 = tpu.memref_slice %arg9[%dma_wait3A_813, %dma_wait3A_814] : memref<256x128xf32, #tpu.memory_space<vmem>> -> memref<128x128xf32, #tpu.memory_space<vmem>>
      %dma_wait3A_816 = arith.constant 0 : i32
      %dma_wait3A_817 = tpu.memref_slice %arg7[%dma_wait3A_812, %dma_wait3A_816] : memref<16x128xi32, #tpu.memory_space<vmem>> -> memref<1x128xi32, #tpu.memory_space<vmem>>
      %dma_wait3A_818 = tpu.memref_squeeze %dma_wait3A_817 : memref<1x128xi32, #tpu.memory_space<vmem>> -> memref<128xi32, #tpu.memory_space<vmem>>
      %dma_wait3A_819 = arith.constant 0 : i32
      %dma_wait3A_820 = arith.constant 0 : i32
      %dma_wait3A_821 = tpu.memref_slice %arg2[%dma_wait3A_819, %dma_wait3A_820] : memref<10000x128xf32, #tpu.memory_space<hbm>> -> memref<10000x128xf32, #tpu.memory_space<hbm>>
      tpu.wait_indirect_dma semaphore(%arg14 : memref<!tpu.dma_semaphore, #tpu.memory_space<semaphore_mem>>) src(%dma_wait3A_821 : memref<10000x128xf32, #tpu.memory_space<hbm>>) dst(%dma_wait3A_815 : memref<128x128xf32, #tpu.memory_space<vmem>>)
      %dma_start3A_822 = arith.constant 14 : i32
      %dma_start3A_823 = arith.constant 0 : i32
      %dma_start3A_824 = arith.constant 0 : i32
      %dma_start3A_825 = tpu.memref_slice %arg9[%dma_start3A_823, %dma_start3A_824] : memref<256x128xf32, #tpu.memory_space<vmem>> -> memref<128x128xf32, #tpu.memory_space<vmem>>
      %dma_start3A_826 = arith.constant 0 : i32
      %dma_start3A_827 = tpu.memref_slice %arg8[%dma_start3A_822, %dma_start3A_826] : memref<16x128xi32, #tpu.memory_space<vmem>> -> memref<1x128xi32, #tpu.memory_space<vmem>>
      %dma_start3A_828 = tpu.memref_squeeze %dma_start3A_827 : memref<1x128xi32, #tpu.memory_space<vmem>> -> memref<128xi32, #tpu.memory_space<vmem>>
      %dma_start3A_829 = arith.constant 0 : i32
      %dma_start3A_830 = arith.constant 0 : i32
      %dma_start3A_831 = tpu.memref_slice %arg12[%dma_start3A_829, %dma_start3A_830] : memref<10112x128xf32, #tpu.memory_space<vmem_shared>> -> memref<10112x128xf32, #tpu.memory_space<vmem_shared>>
      tpu.enqueue_indirect_dma source(%dma_start3A_825 : memref<128x128xf32, #tpu.memory_space<vmem>>) target(%dma_start3A_831 : memref<10112x128xf32, #tpu.memory_space<vmem_shared>>) offsets(%dma_start3A_828 : memref<128xi32, #tpu.memory_space<vmem>>) semaphore(%arg15 : memref<!tpu.dma_semaphore, #tpu.memory_space<semaphore_mem>>) {add = true}
      %dma_start3A_832 = arith.constant 14 : i32
      %dma_start3A_833 = arith.constant 0 : i32
      %dma_start3A_834 = tpu.memref_slice %arg8[%dma_start3A_832, %dma_start3A_833] : memref<16x128xi32, #tpu.memory_space<vmem>> -> memref<1x128xi32, #tpu.memory_space<vmem>>
      %dma_start3A_835 = tpu.memref_squeeze %dma_start3A_834 : memref<1x128xi32, #tpu.memory_space<vmem>> -> memref<128xi32, #tpu.memory_space<vmem>>
      %dma_start3A_836 = arith.constant 0 : i32
      %dma_start3A_837 = arith.constant 0 : i32
      %dma_start3A_838 = tpu.memref_slice %arg13[%dma_start3A_836, %dma_start3A_837] : memref<10112x8xf32, #tpu.memory_space<vmem_shared>> -> memref<10112x8xf32, #tpu.memory_space<vmem_shared>>
      tpu.enqueue_indirect_dma source(%arg10 : memref<128x8xf32, #tpu.memory_space<vmem>>) target(%dma_start3A_838 : memref<10112x8xf32, #tpu.memory_space<vmem_shared>>) offsets(%dma_start3A_835 : memref<128xi32, #tpu.memory_space<vmem>>) semaphore(%arg16 : memref<!tpu.dma_semaphore, #tpu.memory_space<semaphore_mem>>) {add = true}
      %dma_wait3A_839 = arith.constant 13 : i32
      %dma_wait3A_840 = arith.constant 0 : i32
      %dma_wait3A_841 = tpu.memref_slice %arg8[%dma_wait3A_839, %dma_wait3A_840] : memref<16x128xi32, #tpu.memory_space<vmem>> -> memref<1x128xi32, #tpu.memory_space<vmem>>
      %dma_wait3A_842 = tpu.memref_squeeze %dma_wait3A_841 : memref<1x128xi32, #tpu.memory_space<vmem>> -> memref<128xi32, #tpu.memory_space<vmem>>
      %dma_wait3A_843 = arith.constant 0 : i32
      %dma_wait3A_844 = arith.constant 0 : i32
      %dma_wait3A_845 = tpu.memref_slice %arg13[%dma_wait3A_843, %dma_wait3A_844] : memref<10112x8xf32, #tpu.memory_space<vmem_shared>> -> memref<10112x8xf32, #tpu.memory_space<vmem_shared>>
      tpu.wait_indirect_dma semaphore(%arg16 : memref<!tpu.dma_semaphore, #tpu.memory_space<semaphore_mem>>) src(%arg10 : memref<128x8xf32, #tpu.memory_space<vmem>>) dst(%dma_wait3A_845 : memref<10112x8xf32, #tpu.memory_space<vmem_shared>>)
      %dma_wait3A_846 = arith.constant 14 : i32
      %dma_wait3A_847 = arith.constant 0 : i32
      %dma_wait3A_848 = arith.constant 0 : i32
      %dma_wait3A_849 = tpu.memref_slice %arg9[%dma_wait3A_847, %dma_wait3A_848] : memref<256x128xf32, #tpu.memory_space<vmem>> -> memref<128x128xf32, #tpu.memory_space<vmem>>
      %dma_wait3A_850 = arith.constant 0 : i32
      %dma_wait3A_851 = tpu.memref_slice %arg8[%dma_wait3A_846, %dma_wait3A_850] : memref<16x128xi32, #tpu.memory_space<vmem>> -> memref<1x128xi32, #tpu.memory_space<vmem>>
      %dma_wait3A_852 = tpu.memref_squeeze %dma_wait3A_851 : memref<1x128xi32, #tpu.memory_space<vmem>> -> memref<128xi32, #tpu.memory_space<vmem>>
      %dma_wait3A_853 = arith.constant 0 : i32
      %dma_wait3A_854 = arith.constant 0 : i32
      %dma_wait3A_855 = tpu.memref_slice %arg12[%dma_wait3A_853, %dma_wait3A_854] : memref<10112x128xf32, #tpu.memory_space<vmem_shared>> -> memref<10112x128xf32, #tpu.memory_space<vmem_shared>>
      tpu.wait_indirect_dma semaphore(%arg15 : memref<!tpu.dma_semaphore, #tpu.memory_space<semaphore_mem>>) src(%dma_wait3A_849 : memref<128x128xf32, #tpu.memory_space<vmem>>) dst(%dma_wait3A_855 : memref<10112x128xf32, #tpu.memory_space<vmem_shared>>)
      %dma_wait3A_856 = arith.constant 15 : i32
      %dma_wait3A_857 = arith.constant 128 : i32
      %dma_wait3A_858 = arith.constant 0 : i32
      %dma_wait3A_859 = tpu.memref_slice %arg9[%dma_wait3A_857, %dma_wait3A_858] : memref<256x128xf32, #tpu.memory_space<vmem>> -> memref<128x128xf32, #tpu.memory_space<vmem>>
      %dma_wait3A_860 = arith.constant 0 : i32
      %dma_wait3A_861 = tpu.memref_slice %arg7[%dma_wait3A_856, %dma_wait3A_860] : memref<16x128xi32, #tpu.memory_space<vmem>> -> memref<1x128xi32, #tpu.memory_space<vmem>>
      %dma_wait3A_862 = tpu.memref_squeeze %dma_wait3A_861 : memref<1x128xi32, #tpu.memory_space<vmem>> -> memref<128xi32, #tpu.memory_space<vmem>>
      %dma_wait3A_863 = arith.constant 0 : i32
      %dma_wait3A_864 = arith.constant 0 : i32
      %dma_wait3A_865 = tpu.memref_slice %arg2[%dma_wait3A_863, %dma_wait3A_864] : memref<10000x128xf32, #tpu.memory_space<hbm>> -> memref<10000x128xf32, #tpu.memory_space<hbm>>
      tpu.wait_indirect_dma semaphore(%arg14 : memref<!tpu.dma_semaphore, #tpu.memory_space<semaphore_mem>>) src(%dma_wait3A_865 : memref<10000x128xf32, #tpu.memory_space<hbm>>) dst(%dma_wait3A_859 : memref<128x128xf32, #tpu.memory_space<vmem>>)
      %dma_start3A_866 = arith.constant 15 : i32
      %dma_start3A_867 = arith.constant 128 : i32
      %dma_start3A_868 = arith.constant 0 : i32
      %dma_start3A_869 = tpu.memref_slice %arg9[%dma_start3A_867, %dma_start3A_868] : memref<256x128xf32, #tpu.memory_space<vmem>> -> memref<128x128xf32, #tpu.memory_space<vmem>>
      %dma_start3A_870 = arith.constant 0 : i32
      %dma_start3A_871 = tpu.memref_slice %arg8[%dma_start3A_866, %dma_start3A_870] : memref<16x128xi32, #tpu.memory_space<vmem>> -> memref<1x128xi32, #tpu.memory_space<vmem>>
      %dma_start3A_872 = tpu.memref_squeeze %dma_start3A_871 : memref<1x128xi32, #tpu.memory_space<vmem>> -> memref<128xi32, #tpu.memory_space<vmem>>
      %dma_start3A_873 = arith.constant 0 : i32
      %dma_start3A_874 = arith.constant 0 : i32
      %dma_start3A_875 = tpu.memref_slice %arg12[%dma_start3A_873, %dma_start3A_874] : memref<10112x128xf32, #tpu.memory_space<vmem_shared>> -> memref<10112x128xf32, #tpu.memory_space<vmem_shared>>
      tpu.enqueue_indirect_dma source(%dma_start3A_869 : memref<128x128xf32, #tpu.memory_space<vmem>>) target(%dma_start3A_875 : memref<10112x128xf32, #tpu.memory_space<vmem_shared>>) offsets(%dma_start3A_872 : memref<128xi32, #tpu.memory_space<vmem>>) semaphore(%arg15 : memref<!tpu.dma_semaphore, #tpu.memory_space<semaphore_mem>>) {add = true}
      %dma_start3A_876 = arith.constant 15 : i32
      %dma_start3A_877 = arith.constant 0 : i32
      %dma_start3A_878 = tpu.memref_slice %arg8[%dma_start3A_876, %dma_start3A_877] : memref<16x128xi32, #tpu.memory_space<vmem>> -> memref<1x128xi32, #tpu.memory_space<vmem>>
      %dma_start3A_879 = tpu.memref_squeeze %dma_start3A_878 : memref<1x128xi32, #tpu.memory_space<vmem>> -> memref<128xi32, #tpu.memory_space<vmem>>
      %dma_start3A_880 = arith.constant 0 : i32
      %dma_start3A_881 = arith.constant 0 : i32
      %dma_start3A_882 = tpu.memref_slice %arg13[%dma_start3A_880, %dma_start3A_881] : memref<10112x8xf32, #tpu.memory_space<vmem_shared>> -> memref<10112x8xf32, #tpu.memory_space<vmem_shared>>
      tpu.enqueue_indirect_dma source(%arg10 : memref<128x8xf32, #tpu.memory_space<vmem>>) target(%dma_start3A_882 : memref<10112x8xf32, #tpu.memory_space<vmem_shared>>) offsets(%dma_start3A_879 : memref<128xi32, #tpu.memory_space<vmem>>) semaphore(%arg16 : memref<!tpu.dma_semaphore, #tpu.memory_space<semaphore_mem>>) {add = true}
      %dma_wait3A_883 = arith.constant 14 : i32
      %dma_wait3A_884 = arith.constant 0 : i32
      %dma_wait3A_885 = tpu.memref_slice %arg8[%dma_wait3A_883, %dma_wait3A_884] : memref<16x128xi32, #tpu.memory_space<vmem>> -> memref<1x128xi32, #tpu.memory_space<vmem>>
      %dma_wait3A_886 = tpu.memref_squeeze %dma_wait3A_885 : memref<1x128xi32, #tpu.memory_space<vmem>> -> memref<128xi32, #tpu.memory_space<vmem>>
      %dma_wait3A_887 = arith.constant 0 : i32
      %dma_wait3A_888 = arith.constant 0 : i32
      %dma_wait3A_889 = tpu.memref_slice %arg13[%dma_wait3A_887, %dma_wait3A_888] : memref<10112x8xf32, #tpu.memory_space<vmem_shared>> -> memref<10112x8xf32, #tpu.memory_space<vmem_shared>>
      tpu.wait_indirect_dma semaphore(%arg16 : memref<!tpu.dma_semaphore, #tpu.memory_space<semaphore_mem>>) src(%arg10 : memref<128x8xf32, #tpu.memory_space<vmem>>) dst(%dma_wait3A_889 : memref<10112x8xf32, #tpu.memory_space<vmem_shared>>)
      %dma_wait3A_890 = arith.constant 15 : i32
      %dma_wait3A_891 = arith.constant 128 : i32
      %dma_wait3A_892 = arith.constant 0 : i32
      %dma_wait3A_893 = tpu.memref_slice %arg9[%dma_wait3A_891, %dma_wait3A_892] : memref<256x128xf32, #tpu.memory_space<vmem>> -> memref<128x128xf32, #tpu.memory_space<vmem>>
      %dma_wait3A_894 = arith.constant 0 : i32
      %dma_wait3A_895 = tpu.memref_slice %arg8[%dma_wait3A_890, %dma_wait3A_894] : memref<16x128xi32, #tpu.memory_space<vmem>> -> memref<1x128xi32, #tpu.memory_space<vmem>>
      %dma_wait3A_896 = tpu.memref_squeeze %dma_wait3A_895 : memref<1x128xi32, #tpu.memory_space<vmem>> -> memref<128xi32, #tpu.memory_space<vmem>>
      %dma_wait3A_897 = arith.constant 0 : i32
      %dma_wait3A_898 = arith.constant 0 : i32
      %dma_wait3A_899 = tpu.memref_slice %arg12[%dma_wait3A_897, %dma_wait3A_898] : memref<10112x128xf32, #tpu.memory_space<vmem_shared>> -> memref<10112x128xf32, #tpu.memory_space<vmem_shared>>
      tpu.wait_indirect_dma semaphore(%arg15 : memref<!tpu.dma_semaphore, #tpu.memory_space<semaphore_mem>>) src(%dma_wait3A_893 : memref<128x128xf32, #tpu.memory_space<vmem>>) dst(%dma_wait3A_899 : memref<10112x128xf32, #tpu.memory_space<vmem_shared>>)
      %dma_wait3A_900 = arith.constant 15 : i32
      %dma_wait3A_901 = arith.constant 0 : i32
      %dma_wait3A_902 = tpu.memref_slice %arg8[%dma_wait3A_900, %dma_wait3A_901] : memref<16x128xi32, #tpu.memory_space<vmem>> -> memref<1x128xi32, #tpu.memory_space<vmem>>
      %dma_wait3A_903 = tpu.memref_squeeze %dma_wait3A_902 : memref<1x128xi32, #tpu.memory_space<vmem>> -> memref<128xi32, #tpu.memory_space<vmem>>
      %dma_wait3A_904 = arith.constant 0 : i32
      %dma_wait3A_905 = arith.constant 0 : i32
      %dma_wait3A_906 = tpu.memref_slice %arg13[%dma_wait3A_904, %dma_wait3A_905] : memref<10112x8xf32, #tpu.memory_space<vmem_shared>> -> memref<10112x8xf32, #tpu.memory_space<vmem_shared>>
      tpu.wait_indirect_dma semaphore(%arg16 : memref<!tpu.dma_semaphore, #tpu.memory_space<semaphore_mem>>) src(%arg10 : memref<128x8xf32, #tpu.memory_space<vmem>>) dst(%dma_wait3A_906 : memref<10112x8xf32, #tpu.memory_space<vmem_shared>>)
    }
    %scan3A_31 = arith.constant 5 : i32
    %barrier3A_32 = arith.constant 0 : index
    tpu.barrier barrier_id(%barrier3A_32)
    "tpu.region"() ({
      %run_scoped3A = tpu.sem_alloc : memref<!tpu.dma_semaphore, #tpu.memory_space<semaphore_mem>>
      %dma_start3A = arith.constant 0 : i32
      %dma_start3A_41 = tpu.memref_slice %arg12[%mul3A_0, %dma_start3A] : memref<10112x128xf32, #tpu.memory_space<vmem_shared>> -> memref<256x128xf32, #tpu.memory_space<vmem_shared>>
      %dma_start3A_42 = arith.constant 0 : i32
      %dma_start3A_43 = tpu.memref_slice %arg12[%mul3A_0, %dma_start3A_42] : memref<10112x128xf32, #tpu.memory_space<vmem_shared>> -> memref<256x128xf32, #tpu.memory_space<vmem_shared>>
      tpu.enqueue_dma source(%dma_start3A_43 : memref<256x128xf32, #tpu.memory_space<vmem_shared>>) target(%arg9 : memref<256x128xf32, #tpu.memory_space<vmem>>) target_semaphore(%run_scoped3A : memref<!tpu.dma_semaphore, #tpu.memory_space<semaphore_mem>>)
      %dma_wait3A = arith.constant 0 : i32
      %dma_wait3A_44 = tpu.memref_slice %arg12[%mul3A_0, %dma_wait3A] : memref<10112x128xf32, #tpu.memory_space<vmem_shared>> -> memref<256x128xf32, #tpu.memory_space<vmem_shared>>
      %dma_wait3A_45 = arith.constant 0 : i32
      %dma_wait3A_46 = tpu.memref_slice %arg12[%mul3A_0, %dma_wait3A_45] : memref<10112x128xf32, #tpu.memory_space<vmem_shared>> -> memref<256x128xf32, #tpu.memory_space<vmem_shared>>
      tpu.wait_dma2 semaphore(%run_scoped3A : memref<!tpu.dma_semaphore, #tpu.memory_space<semaphore_mem>>) src(%dma_wait3A_46 : memref<256x128xf32, #tpu.memory_space<vmem_shared>>) dst(%arg9 : memref<256x128xf32, #tpu.memory_space<vmem>>)
      tpu.yield
    }) : () -> ()
    "tpu.region"() ({
      %run_scoped3A = tpu.sem_alloc : memref<!tpu.dma_semaphore, #tpu.memory_space<semaphore_mem>>
      %dma_start3A = arith.constant 0 : i32
      %dma_start3A_41 = tpu.memref_slice %arg5[%arg0, %mul3A_0, %dma_start3A] : memref<2x10112x128xf32, #tpu.memory_space<hbm>> -> memref<1x256x128xf32, #tpu.memory_space<hbm>>
      %dma_start3A_42 = tpu.memref_squeeze %dma_start3A_41 : memref<1x256x128xf32, #tpu.memory_space<hbm>> -> memref<256x128xf32, #tpu.memory_space<hbm>>
      %dma_start3A_43 = arith.constant 0 : i32
      %dma_start3A_44 = tpu.memref_slice %arg5[%arg0, %mul3A_0, %dma_start3A_43] : memref<2x10112x128xf32, #tpu.memory_space<hbm>> -> memref<1x256x128xf32, #tpu.memory_space<hbm>>
      %dma_start3A_45 = tpu.memref_squeeze %dma_start3A_44 : memref<1x256x128xf32, #tpu.memory_space<hbm>> -> memref<256x128xf32, #tpu.memory_space<hbm>>
      tpu.enqueue_dma source(%arg9 : memref<256x128xf32, #tpu.memory_space<vmem>>) target(%dma_start3A_45 : memref<256x128xf32, #tpu.memory_space<hbm>>) target_semaphore(%run_scoped3A : memref<!tpu.dma_semaphore, #tpu.memory_space<semaphore_mem>>)
      %dma_wait3A = arith.constant 0 : i32
      %dma_wait3A_46 = tpu.memref_slice %arg5[%arg0, %mul3A_0, %dma_wait3A] : memref<2x10112x128xf32, #tpu.memory_space<hbm>> -> memref<1x256x128xf32, #tpu.memory_space<hbm>>
      %dma_wait3A_47 = tpu.memref_squeeze %dma_wait3A_46 : memref<1x256x128xf32, #tpu.memory_space<hbm>> -> memref<256x128xf32, #tpu.memory_space<hbm>>
      %dma_wait3A_48 = arith.constant 0 : i32
      %dma_wait3A_49 = tpu.memref_slice %arg5[%arg0, %mul3A_0, %dma_wait3A_48] : memref<2x10112x128xf32, #tpu.memory_space<hbm>> -> memref<1x256x128xf32, #tpu.memory_space<hbm>>
      %dma_wait3A_50 = tpu.memref_squeeze %dma_wait3A_49 : memref<1x256x128xf32, #tpu.memory_space<hbm>> -> memref<256x128xf32, #tpu.memory_space<hbm>>
      tpu.wait_dma2 semaphore(%run_scoped3A : memref<!tpu.dma_semaphore, #tpu.memory_space<semaphore_mem>>) src(%arg9 : memref<256x128xf32, #tpu.memory_space<vmem>>) dst(%dma_wait3A_50 : memref<256x128xf32, #tpu.memory_space<hbm>>)
      tpu.yield
    }) : () -> ()
    %add3A_33 = arith.constant 256 : i32
    %add3A_34 = arith.addi %mul3A_0, %add3A_33 : i32
    "tpu.region"() ({
      %run_scoped3A = tpu.sem_alloc : memref<!tpu.dma_semaphore, #tpu.memory_space<semaphore_mem>>
      %dma_start3A = arith.constant 0 : i32
      %dma_start3A_41 = tpu.memref_slice %arg12[%add3A_34, %dma_start3A] : memref<10112x128xf32, #tpu.memory_space<vmem_shared>> -> memref<256x128xf32, #tpu.memory_space<vmem_shared>>
      %dma_start3A_42 = arith.constant 0 : i32
      %dma_start3A_43 = tpu.memref_slice %arg12[%add3A_34, %dma_start3A_42] : memref<10112x128xf32, #tpu.memory_space<vmem_shared>> -> memref<256x128xf32, #tpu.memory_space<vmem_shared>>
      tpu.enqueue_dma source(%dma_start3A_43 : memref<256x128xf32, #tpu.memory_space<vmem_shared>>) target(%arg9 : memref<256x128xf32, #tpu.memory_space<vmem>>) target_semaphore(%run_scoped3A : memref<!tpu.dma_semaphore, #tpu.memory_space<semaphore_mem>>)
      %dma_wait3A = arith.constant 0 : i32
      %dma_wait3A_44 = tpu.memref_slice %arg12[%add3A_34, %dma_wait3A] : memref<10112x128xf32, #tpu.memory_space<vmem_shared>> -> memref<256x128xf32, #tpu.memory_space<vmem_shared>>
      %dma_wait3A_45 = arith.constant 0 : i32
      %dma_wait3A_46 = tpu.memref_slice %arg12[%add3A_34, %dma_wait3A_45] : memref<10112x128xf32, #tpu.memory_space<vmem_shared>> -> memref<256x128xf32, #tpu.memory_space<vmem_shared>>
      tpu.wait_dma2 semaphore(%run_scoped3A : memref<!tpu.dma_semaphore, #tpu.memory_space<semaphore_mem>>) src(%dma_wait3A_46 : memref<256x128xf32, #tpu.memory_space<vmem_shared>>) dst(%arg9 : memref<256x128xf32, #tpu.memory_space<vmem>>)
      tpu.yield
    }) : () -> ()
    %add3A_35 = arith.constant 256 : i32
    %add3A_36 = arith.addi %mul3A_0, %add3A_35 : i32
    "tpu.region"() ({
      %run_scoped3A = tpu.sem_alloc : memref<!tpu.dma_semaphore, #tpu.memory_space<semaphore_mem>>
      %dma_start3A = arith.constant 0 : i32
      %dma_start3A_41 = tpu.memref_slice %arg5[%arg0, %add3A_36, %dma_start3A] : memref<2x10112x128xf32, #tpu.memory_space<hbm>> -> memref<1x256x128xf32, #tpu.memory_space<hbm>>
      %dma_start3A_42 = tpu.memref_squeeze %dma_start3A_41 : memref<1x256x128xf32, #tpu.memory_space<hbm>> -> memref<256x128xf32, #tpu.memory_space<hbm>>
      %dma_start3A_43 = arith.constant 0 : i32
      %dma_start3A_44 = tpu.memref_slice %arg5[%arg0, %add3A_36, %dma_start3A_43] : memref<2x10112x128xf32, #tpu.memory_space<hbm>> -> memref<1x256x128xf32, #tpu.memory_space<hbm>>
      %dma_start3A_45 = tpu.memref_squeeze %dma_start3A_44 : memref<1x256x128xf32, #tpu.memory_space<hbm>> -> memref<256x128xf32, #tpu.memory_space<hbm>>
      tpu.enqueue_dma source(%arg9 : memref<256x128xf32, #tpu.memory_space<vmem>>) target(%dma_start3A_45 : memref<256x128xf32, #tpu.memory_space<hbm>>) target_semaphore(%run_scoped3A : memref<!tpu.dma_semaphore, #tpu.memory_space<semaphore_mem>>)
      %dma_wait3A = arith.constant 0 : i32
      %dma_wait3A_46 = tpu.memref_slice %arg5[%arg0, %add3A_36, %dma_wait3A] : memref<2x10112x128xf32, #tpu.memory_space<hbm>> -> memref<1x256x128xf32, #tpu.memory_space<hbm>>
      %dma_wait3A_47 = tpu.memref_squeeze %dma_wait3A_46 : memref<1x256x128xf32, #tpu.memory_space<hbm>> -> memref<256x128xf32, #tpu.memory_space<hbm>>
      %dma_wait3A_48 = arith.constant 0 : i32
      %dma_wait3A_49 = tpu.memref_slice %arg5[%arg0, %add3A_36, %dma_wait3A_48] : memref<2x10112x128xf32, #tpu.memory_space<hbm>> -> memref<1x256x128xf32, #tpu.memory_space<hbm>>
      %dma_wait3A_50 = tpu.memref_squeeze %dma_wait3A_49 : memref<1x256x128xf32, #tpu.memory_space<hbm>> -> memref<256x128xf32, #tpu.memory_space<hbm>>
      tpu.wait_dma2 semaphore(%run_scoped3A : memref<!tpu.dma_semaphore, #tpu.memory_space<semaphore_mem>>) src(%arg9 : memref<256x128xf32, #tpu.memory_space<vmem>>) dst(%dma_wait3A_50 : memref<256x128xf32, #tpu.memory_space<hbm>>)
      tpu.yield
    }) : () -> ()
    %add3A_37 = arith.constant 512 : i32
    %add3A_38 = arith.addi %mul3A_0, %add3A_37 : i32
    "tpu.region"() ({
      %run_scoped3A = tpu.sem_alloc : memref<!tpu.dma_semaphore, #tpu.memory_space<semaphore_mem>>
      %dma_start3A = arith.constant 0 : i32
      %dma_start3A_41 = arith.constant 0 : i32
      %dma_start3A_42 = tpu.memref_slice %arg9[%dma_start3A, %dma_start3A_41] : memref<256x128xf32, #tpu.memory_space<vmem>> -> memref<120x128xf32, #tpu.memory_space<vmem>>
      %dma_start3A_43 = arith.constant 0 : i32
      %dma_start3A_44 = tpu.memref_slice %arg12[%add3A_38, %dma_start3A_43] : memref<10112x128xf32, #tpu.memory_space<vmem_shared>> -> memref<120x128xf32, #tpu.memory_space<vmem_shared>>
      %dma_start3A_45 = arith.constant 0 : i32
      %dma_start3A_46 = arith.constant 0 : i32
      %dma_start3A_47 = tpu.memref_slice %arg9[%dma_start3A_45, %dma_start3A_46] : memref<256x128xf32, #tpu.memory_space<vmem>> -> memref<120x128xf32, #tpu.memory_space<vmem>>
      %dma_start3A_48 = arith.constant 0 : i32
      %dma_start3A_49 = tpu.memref_slice %arg12[%add3A_38, %dma_start3A_48] : memref<10112x128xf32, #tpu.memory_space<vmem_shared>> -> memref<120x128xf32, #tpu.memory_space<vmem_shared>>
      tpu.enqueue_dma source(%dma_start3A_49 : memref<120x128xf32, #tpu.memory_space<vmem_shared>>) target(%dma_start3A_47 : memref<120x128xf32, #tpu.memory_space<vmem>>) target_semaphore(%run_scoped3A : memref<!tpu.dma_semaphore, #tpu.memory_space<semaphore_mem>>)
      %dma_wait3A = arith.constant 0 : i32
      %dma_wait3A_50 = arith.constant 0 : i32
      %dma_wait3A_51 = tpu.memref_slice %arg9[%dma_wait3A, %dma_wait3A_50] : memref<256x128xf32, #tpu.memory_space<vmem>> -> memref<120x128xf32, #tpu.memory_space<vmem>>
      %dma_wait3A_52 = arith.constant 0 : i32
      %dma_wait3A_53 = tpu.memref_slice %arg12[%add3A_38, %dma_wait3A_52] : memref<10112x128xf32, #tpu.memory_space<vmem_shared>> -> memref<120x128xf32, #tpu.memory_space<vmem_shared>>
      %dma_wait3A_54 = arith.constant 0 : i32
      %dma_wait3A_55 = arith.constant 0 : i32
      %dma_wait3A_56 = tpu.memref_slice %arg9[%dma_wait3A_54, %dma_wait3A_55] : memref<256x128xf32, #tpu.memory_space<vmem>> -> memref<120x128xf32, #tpu.memory_space<vmem>>
      %dma_wait3A_57 = arith.constant 0 : i32
      %dma_wait3A_58 = tpu.memref_slice %arg12[%add3A_38, %dma_wait3A_57] : memref<10112x128xf32, #tpu.memory_space<vmem_shared>> -> memref<120x128xf32, #tpu.memory_space<vmem_shared>>
      tpu.wait_dma2 semaphore(%run_scoped3A : memref<!tpu.dma_semaphore, #tpu.memory_space<semaphore_mem>>) src(%dma_wait3A_58 : memref<120x128xf32, #tpu.memory_space<vmem_shared>>) dst(%dma_wait3A_56 : memref<120x128xf32, #tpu.memory_space<vmem>>)
      tpu.yield
    }) : () -> ()
    %add3A_39 = arith.constant 512 : i32
    %add3A_40 = arith.addi %mul3A_0, %add3A_39 : i32
    "tpu.region"() ({
      %run_scoped3A = tpu.sem_alloc : memref<!tpu.dma_semaphore, #tpu.memory_space<semaphore_mem>>
      %dma_start3A = arith.constant 0 : i32
      %dma_start3A_41 = arith.constant 0 : i32
      %dma_start3A_42 = tpu.memref_slice %arg9[%dma_start3A, %dma_start3A_41] : memref<256x128xf32, #tpu.memory_space<vmem>> -> memref<120x128xf32, #tpu.memory_space<vmem>>
      %dma_start3A_43 = arith.constant 0 : i32
      %dma_start3A_44 = tpu.memref_slice %arg5[%arg0, %add3A_40, %dma_start3A_43] : memref<2x10112x128xf32, #tpu.memory_space<hbm>> -> memref<1x120x128xf32, #tpu.memory_space<hbm>>
      %dma_start3A_45 = tpu.memref_squeeze %dma_start3A_44 : memref<1x120x128xf32, #tpu.memory_space<hbm>> -> memref<120x128xf32, #tpu.memory_space<hbm>>
      %dma_start3A_46 = arith.constant 0 : i32
      %dma_start3A_47 = tpu.memref_slice %arg5[%arg0, %add3A_40, %dma_start3A_46] : memref<2x10112x128xf32, #tpu.memory_space<hbm>> -> memref<1x120x128xf32, #tpu.memory_space<hbm>>
      %dma_start3A_48 = tpu.memref_squeeze %dma_start3A_47 : memref<1x120x128xf32, #tpu.memory_space<hbm>> -> memref<120x128xf32, #tpu.memory_space<hbm>>
      %dma_start3A_49 = arith.constant 0 : i32
      %dma_start3A_50 = arith.constant 0 : i32
      %dma_start3A_51 = tpu.memref_slice %arg9[%dma_start3A_49, %dma_start3A_50] : memref<256x128xf32, #tpu.memory_space<vmem>> -> memref<120x128xf32, #tpu.memory_space<vmem>>
      tpu.enqueue_dma source(%dma_start3A_51 : memref<120x128xf32, #tpu.memory_space<vmem>>) target(%dma_start3A_48 : memref<120x128xf32, #tpu.memory_space<hbm>>) target_semaphore(%run_scoped3A : memref<!tpu.dma_semaphore, #tpu.memory_space<semaphore_mem>>)
      %dma_wait3A = arith.constant 0 : i32
      %dma_wait3A_52 = arith.constant 0 : i32
      %dma_wait3A_53 = tpu.memref_slice %arg9[%dma_wait3A, %dma_wait3A_52] : memref<256x128xf32, #tpu.memory_space<vmem>> -> memref<120x128xf32, #tpu.memory_space<vmem>>
      %dma_wait3A_54 = arith.constant 0 : i32
      %dma_wait3A_55 = tpu.memref_slice %arg5[%arg0, %add3A_40, %dma_wait3A_54] : memref<2x10112x128xf32, #tpu.memory_space<hbm>> -> memref<1x120x128xf32, #tpu.memory_space<hbm>>
      %dma_wait3A_56 = tpu.memref_squeeze %dma_wait3A_55 : memref<1x120x128xf32, #tpu.memory_space<hbm>> -> memref<120x128xf32, #tpu.memory_space<hbm>>
      %dma_wait3A_57 = arith.constant 0 : i32
      %dma_wait3A_58 = tpu.memref_slice %arg5[%arg0, %add3A_40, %dma_wait3A_57] : memref<2x10112x128xf32, #tpu.memory_space<hbm>> -> memref<1x120x128xf32, #tpu.memory_space<hbm>>
      %dma_wait3A_59 = tpu.memref_squeeze %dma_wait3A_58 : memref<1x120x128xf32, #tpu.memory_space<hbm>> -> memref<120x128xf32, #tpu.memory_space<hbm>>
      %dma_wait3A_60 = arith.constant 0 : i32
      %dma_wait3A_61 = arith.constant 0 : i32
      %dma_wait3A_62 = tpu.memref_slice %arg9[%dma_wait3A_60, %dma_wait3A_61] : memref<256x128xf32, #tpu.memory_space<vmem>> -> memref<120x128xf32, #tpu.memory_space<vmem>>
      tpu.wait_dma2 semaphore(%run_scoped3A : memref<!tpu.dma_semaphore, #tpu.memory_space<semaphore_mem>>) src(%dma_wait3A_62 : memref<120x128xf32, #tpu.memory_space<vmem>>) dst(%dma_wait3A_59 : memref<120x128xf32, #tpu.memory_space<hbm>>)
      tpu.yield
    }) : () -> ()
    "tpu.region"() ({
      %run_scoped3A = tpu.sem_alloc : memref<!tpu.dma_semaphore, #tpu.memory_space<semaphore_mem>>
      %dma_start3A = arith.constant 0 : i32
      %dma_start3A_41 = tpu.memref_slice %arg13[%mul3A_0, %dma_start3A] : memref<10112x8xf32, #tpu.memory_space<vmem_shared>> -> memref<632x8xf32, #tpu.memory_space<vmem_shared>>
      %dma_start3A_42 = arith.constant 0 : i32
      %dma_start3A_43 = tpu.memref_slice %arg13[%mul3A_0, %dma_start3A_42] : memref<10112x8xf32, #tpu.memory_space<vmem_shared>> -> memref<632x8xf32, #tpu.memory_space<vmem_shared>>
      tpu.enqueue_dma source(%dma_start3A_43 : memref<632x8xf32, #tpu.memory_space<vmem_shared>>) target(%arg11 : memref<632x8xf32, #tpu.memory_space<vmem>>) target_semaphore(%run_scoped3A : memref<!tpu.dma_semaphore, #tpu.memory_space<semaphore_mem>>)
      %dma_wait3A = arith.constant 0 : i32
      %dma_wait3A_44 = tpu.memref_slice %arg13[%mul3A_0, %dma_wait3A] : memref<10112x8xf32, #tpu.memory_space<vmem_shared>> -> memref<632x8xf32, #tpu.memory_space<vmem_shared>>
      %dma_wait3A_45 = arith.constant 0 : i32
      %dma_wait3A_46 = tpu.memref_slice %arg13[%mul3A_0, %dma_wait3A_45] : memref<10112x8xf32, #tpu.memory_space<vmem_shared>> -> memref<632x8xf32, #tpu.memory_space<vmem_shared>>
      tpu.wait_dma2 semaphore(%run_scoped3A : memref<!tpu.dma_semaphore, #tpu.memory_space<semaphore_mem>>) src(%dma_wait3A_46 : memref<632x8xf32, #tpu.memory_space<vmem_shared>>) dst(%arg11 : memref<632x8xf32, #tpu.memory_space<vmem>>)
      tpu.yield
    }) : () -> ()
    "tpu.region"() ({
      %run_scoped3A = tpu.sem_alloc : memref<!tpu.dma_semaphore, #tpu.memory_space<semaphore_mem>>
      %dma_start3A = arith.constant 0 : i32
      %dma_start3A_41 = tpu.memref_slice %arg6[%arg0, %mul3A_0, %dma_start3A] : memref<2x10112x8xf32, #tpu.memory_space<hbm>> -> memref<1x632x8xf32, #tpu.memory_space<hbm>>
      %dma_start3A_42 = tpu.memref_squeeze %dma_start3A_41 : memref<1x632x8xf32, #tpu.memory_space<hbm>> -> memref<632x8xf32, #tpu.memory_space<hbm>>
      %dma_start3A_43 = arith.constant 0 : i32
      %dma_start3A_44 = tpu.memref_slice %arg6[%arg0, %mul3A_0, %dma_start3A_43] : memref<2x10112x8xf32, #tpu.memory_space<hbm>> -> memref<1x632x8xf32, #tpu.memory_space<hbm>>
      %dma_start3A_45 = tpu.memref_squeeze %dma_start3A_44 : memref<1x632x8xf32, #tpu.memory_space<hbm>> -> memref<632x8xf32, #tpu.memory_space<hbm>>
      tpu.enqueue_dma source(%arg11 : memref<632x8xf32, #tpu.memory_space<vmem>>) target(%dma_start3A_45 : memref<632x8xf32, #tpu.memory_space<hbm>>) target_semaphore(%run_scoped3A : memref<!tpu.dma_semaphore, #tpu.memory_space<semaphore_mem>>)
      %dma_wait3A = arith.constant 0 : i32
      %dma_wait3A_46 = tpu.memref_slice %arg6[%arg0, %mul3A_0, %dma_wait3A] : memref<2x10112x8xf32, #tpu.memory_space<hbm>> -> memref<1x632x8xf32, #tpu.memory_space<hbm>>
      %dma_wait3A_47 = tpu.memref_squeeze %dma_wait3A_46 : memref<1x632x8xf32, #tpu.memory_space<hbm>> -> memref<632x8xf32, #tpu.memory_space<hbm>>
      %dma_wait3A_48 = arith.constant 0 : i32
      %dma_wait3A_49 = tpu.memref_slice %arg6[%arg0, %mul3A_0, %dma_wait3A_48] : memref<2x10112x8xf32, #tpu.memory_space<hbm>> -> memref<1x632x8xf32, #tpu.memory_space<hbm>>
      %dma_wait3A_50 = tpu.memref_squeeze %dma_wait3A_49 : memref<1x632x8xf32, #tpu.memory_space<hbm>> -> memref<632x8xf32, #tpu.memory_space<hbm>>
      tpu.wait_dma2 semaphore(%run_scoped3A : memref<!tpu.dma_semaphore, #tpu.memory_space<semaphore_mem>>) src(%arg11 : memref<632x8xf32, #tpu.memory_space<vmem>>) dst(%dma_wait3A_50 : memref<632x8xf32, #tpu.memory_space<hbm>>)
      tpu.yield
    }) : () -> ()
    return
  }
}

module attributes {stable_mosaic.version = 14 : i64} {
  func.func @_mlp_block(%arg0: i32, %arg1: memref<1000x128xf32, #tpu.memory_space<vmem>>, %arg2: memref<128x128xf32, #tpu.memory_space<vmem>>, %arg3: memref<1x128xf32, #tpu.memory_space<vmem>>, %arg4: memref<1000x128xf32, #tpu.memory_space<vmem>>) attributes {dimension_semantics = [#tpu.dimension_semantics<arbitrary>], iteration_bounds = array<i64: 10>, scalar_prefetch = 0 : i64, scratch_operands = 0 : i64, tpu.core_type = #tpu.core_type<tc>, window_params = [{transform_indices = @transform_0, window_bounds = array<i64: 1000, 128>}, {pipeline_mode = #tpu.pipeline_mode<synchronous>, transform_indices = @transform_1, window_bounds = array<i64: 128, 128>}, {pipeline_mode = #tpu.pipeline_mode<synchronous>, transform_indices = @transform_2, window_bounds = array<i64: 1, 128>}, {transform_indices = @transform_3, window_bounds = array<i64: 1000, 128>}]} {
    %get3A = arith.constant 0 : index
    %get3A_0 = arith.constant 0 : index
    %get3A_1 = vector.load %arg1[%get3A, %get3A_0] : memref<1000x128xf32, #tpu.memory_space<vmem>>, vector<1000x128xf32>
    %get3A_2 = arith.constant 0 : index
    %get3A_3 = arith.constant 0 : index
    %get3A_4 = vector.load %arg2[%get3A_2, %get3A_3] : memref<128x128xf32, #tpu.memory_space<vmem>>, vector<128x128xf32>
    %dot_general3A = arith.constant dense<0.000000e+00> : vector<1000x128xf32>
    %dot_general3A_5 = tpu.matmul %get3A_1, %get3A_4, %dot_general3A {dimension_numbers = #tpu.dot_dimension_numbers<[1], [0], [0], [1], [0, 0, 1, 1], [], []>, transpose_lhs_hint = false} : vector<1000x128xf32>, vector<128x128xf32>, vector<1000x128xf32> -> vector<1000x128xf32>
    %get3A_6 = arith.constant 0 : index
    %get3A_7 = arith.constant 0 : index
    %get3A_8 = vector.load %arg3[%get3A_6, %get3A_7] : memref<1x128xf32, #tpu.memory_space<vmem>>, vector<1x128xf32>
    %add3A = vector.broadcast %get3A_8 : vector<1x128xf32> to vector<1000x128xf32>
    %add3A_9 = arith.addf %dot_general3A_5, %add3A : vector<1000x128xf32>
    %max3A = arith.constant 0.000000e+00 : f32
    %max3A_10 = vector.broadcast %max3A : f32 to vector<1000x128xf32>
    %max3A_11 = arith.maximumf %add3A_9, %max3A_10 : vector<1000x128xf32>
    %swap3A = arith.constant 0 : index
    %swap3A_12 = arith.constant 0 : index
    %swap3A_13 = vector.load %arg4[%swap3A, %swap3A_12] : memref<1000x128xf32, #tpu.memory_space<vmem>>, vector<1000x128xf32>
    tpu.vector_store %arg4[%swap3A, %swap3A_12], %max3A_11 {strides = array<i32>} : memref<1000x128xf32, #tpu.memory_space<vmem>>, vector<1000x128xf32>,
    return
  }
  func.func @transform_0(%arg0: i32) -> (i32, i32) {
    %c0_i32 = arith.constant 0 : i32
    %c0_i32_0 = arith.constant 0 : i32
    return %arg0, %c0_i32 : i32, i32
  }
  func.func @transform_1(%arg0: i32) -> (i32, i32) {
    %c0_i32 = arith.constant 0 : i32
    %c0_i32_0 = arith.constant 0 : i32
    %c0_i32_1 = arith.constant 0 : i32
    return %c0_i32, %c0_i32_0 : i32, i32
  }
  func.func @transform_2(%arg0: i32) -> (i32, i32) {
    %c0_i32 = arith.constant 0 : i32
    %c0_i32_0 = arith.constant 0 : i32
    %c0_i32_1 = arith.constant 0 : i32
    return %c0_i32, %c0_i32_0 : i32, i32
  }
  func.func @transform_3(%arg0: i32) -> (i32, i32) {
    %c0_i32 = arith.constant 0 : i32
    %c0_i32_0 = arith.constant 0 : i32
    return %arg0, %c0_i32 : i32, i32
  }
}

module attributes {stable_mosaic.version = 14 : i64} {
  func.func @_update_block(%arg0: i32, %arg1: memref<1000x128xf32, #tpu.memory_space<vmem>>, %arg2: memref<2x1000x128xf32, #tpu.memory_space<vmem>>, %arg3: memref<2x1000x8xf32, #tpu.memory_space<vmem>>, %arg4: memref<128x128xf32, #tpu.memory_space<vmem>>, %arg5: memref<128x128xf32, #tpu.memory_space<vmem>>, %arg6: memref<1x128xf32, #tpu.memory_space<vmem>>, %arg7: memref<1000x128xf32, #tpu.memory_space<vmem>>) attributes {dimension_semantics = [#tpu.dimension_semantics<arbitrary>], iteration_bounds = array<i64: 10>, scalar_prefetch = 0 : i64, scratch_operands = 0 : i64, tpu.core_type = #tpu.core_type<tc>, window_params = [{transform_indices = @transform_0, window_bounds = array<i64: 1000, 128>}, {transform_indices = @transform_1, window_bounds = array<i64: 2, 1000, 128>}, {transform_indices = @transform_2, window_bounds = array<i64: 2, 1000, 8>}, {pipeline_mode = #tpu.pipeline_mode<synchronous>, transform_indices = @transform_3, window_bounds = array<i64: 128, 128>}, {pipeline_mode = #tpu.pipeline_mode<synchronous>, transform_indices = @transform_4, window_bounds = array<i64: 128, 128>}, {pipeline_mode = #tpu.pipeline_mode<synchronous>, transform_indices = @transform_5, window_bounds = array<i64: 1, 128>}, {transform_indices = @transform_6, window_bounds = array<i64: 1000, 128>}]} {
    %get3A = arith.constant 0 : index
    %get3A_0 = arith.constant 0 : index
    %get3A_1 = arith.constant 0 : index
    %get3A_2 = vector.load %arg3[%get3A, %get3A_0, %get3A_1] : memref<2x1000x8xf32, #tpu.memory_space<vmem>>, vector<1x1000x1xf32>
    %get3A_3 = vector.shape_cast %get3A_2 : vector<1x1000x1xf32> to vector<1000x1xf32>
    %get3A_4 = arith.constant 1 : index
    %get3A_5 = arith.constant 0 : index
    %get3A_6 = arith.constant 0 : index
    %get3A_7 = vector.load %arg3[%get3A_4, %get3A_5, %get3A_6] : memref<2x1000x8xf32, #tpu.memory_space<vmem>>, vector<1x1000x1xf32>
    %get3A_8 = vector.shape_cast %get3A_7 : vector<1x1000x1xf32> to vector<1000x1xf32>
    %add3A = arith.addf %get3A_3, %get3A_8 : vector<1000x1xf32>
    %get3A_9 = arith.constant 0 : index
    %get3A_10 = arith.constant 0 : index
    %get3A_11 = arith.constant 0 : index
    %get3A_12 = vector.load %arg2[%get3A_9, %get3A_10, %get3A_11] : memref<2x1000x128xf32, #tpu.memory_space<vmem>>, vector<1x1000x128xf32>
    %get3A_13 = vector.shape_cast %get3A_12 : vector<1x1000x128xf32> to vector<1000x128xf32>
    %get3A_14 = arith.constant 1 : index
    %get3A_15 = arith.constant 0 : index
    %get3A_16 = arith.constant 0 : index
    %get3A_17 = vector.load %arg2[%get3A_14, %get3A_15, %get3A_16] : memref<2x1000x128xf32, #tpu.memory_space<vmem>>, vector<1x1000x128xf32>
    %get3A_18 = vector.shape_cast %get3A_17 : vector<1x1000x128xf32> to vector<1000x128xf32>
    %add3A_19 = arith.addf %get3A_13, %get3A_18 : vector<1000x128xf32>
    %max3A = arith.constant 1.000000e+00 : f32
    %max3A_20 = vector.broadcast %max3A : f32 to vector<1000x1xf32>
    %max3A_21 = arith.maximumf %add3A, %max3A_20 : vector<1000x1xf32>
    %div3A = vector.broadcast %max3A_21 : vector<1000x1xf32> to vector<1000x128xf32>
    %div3A_22 = arith.divf %add3A_19, %div3A : vector<1000x128xf32>
    %get3A_23 = arith.constant 0 : index
    %get3A_24 = arith.constant 0 : index
    %get3A_25 = vector.load %arg1[%get3A_23, %get3A_24] : memref<1000x128xf32, #tpu.memory_space<vmem>>, vector<1000x128xf32>
    %get3A_26 = arith.constant 0 : index
    %get3A_27 = arith.constant 0 : index
    %get3A_28 = vector.load %arg4[%get3A_26, %get3A_27] : memref<128x128xf32, #tpu.memory_space<vmem>>, vector<128x128xf32>
    %dot_general3A = arith.constant dense<0.000000e+00> : vector<1000x128xf32>
    %dot_general3A_29 = tpu.matmul %get3A_25, %get3A_28, %dot_general3A {dimension_numbers = #tpu.dot_dimension_numbers<[1], [0], [0], [1], [0, 0, 1, 1], [], []>, transpose_lhs_hint = false} : vector<1000x128xf32>, vector<128x128xf32>, vector<1000x128xf32> -> vector<1000x128xf32>
    %get3A_30 = arith.constant 0 : index
    %get3A_31 = arith.constant 0 : index
    %get3A_32 = vector.load %arg5[%get3A_30, %get3A_31] : memref<128x128xf32, #tpu.memory_space<vmem>>, vector<128x128xf32>
    %dot_general3A_33 = arith.constant dense<0.000000e+00> : vector<1000x128xf32>
    %dot_general3A_34 = tpu.matmul %div3A_22, %get3A_32, %dot_general3A_33 {dimension_numbers = #tpu.dot_dimension_numbers<[1], [0], [0], [1], [0, 0, 1, 1], [], []>, transpose_lhs_hint = false} : vector<1000x128xf32>, vector<128x128xf32>, vector<1000x128xf32> -> vector<1000x128xf32>
    %add3A_35 = arith.addf %dot_general3A_29, %dot_general3A_34 : vector<1000x128xf32>
    %get3A_36 = arith.constant 0 : index
    %get3A_37 = arith.constant 0 : index
    %get3A_38 = vector.load %arg6[%get3A_36, %get3A_37] : memref<1x128xf32, #tpu.memory_space<vmem>>, vector<1x128xf32>
    %add3A_39 = vector.broadcast %get3A_38 : vector<1x128xf32> to vector<1000x128xf32>
    %add3A_40 = arith.addf %add3A_35, %add3A_39 : vector<1000x128xf32>
    %max3A_41 = arith.constant 0.000000e+00 : f32
    %max3A_42 = vector.broadcast %max3A_41 : f32 to vector<1000x128xf32>
    %max3A_43 = arith.maximumf %add3A_40, %max3A_42 : vector<1000x128xf32>
    %swap3A = arith.constant 0 : index
    %swap3A_44 = arith.constant 0 : index
    %swap3A_45 = vector.load %arg7[%swap3A, %swap3A_44] : memref<1000x128xf32, #tpu.memory_space<vmem>>, vector<1000x128xf32>
    tpu.vector_store %arg7[%swap3A, %swap3A_44], %max3A_43 {strides = array<i32>} : memref<1000x128xf32, #tpu.memory_space<vmem>>, vector<1000x128xf32>,
    return
  }
  func.func @transform_0(%arg0: i32) -> (i32, i32) {
    %c0_i32 = arith.constant 0 : i32
    %c0_i32_0 = arith.constant 0 : i32
    return %arg0, %c0_i32 : i32, i32
  }
  func.func @transform_1(%arg0: i32) -> (i32, i32, i32) {
    %c0_i32 = arith.constant 0 : i32
    %c0_i32_0 = arith.constant 0 : i32
    %c0_i32_1 = arith.constant 0 : i32
    return %c0_i32, %arg0, %c0_i32_0 : i32, i32, i32
  }
  func.func @transform_2(%arg0: i32) -> (i32, i32, i32) {
    %c0_i32 = arith.constant 0 : i32
    %c0_i32_0 = arith.constant 0 : i32
    %c0_i32_1 = arith.constant 0 : i32
    return %c0_i32, %arg0, %c0_i32_0 : i32, i32, i32
  }
  func.func @transform_3(%arg0: i32) -> (i32, i32) {
    %c0_i32 = arith.constant 0 : i32
    %c0_i32_0 = arith.constant 0 : i32
    %c0_i32_1 = arith.constant 0 : i32
    return %c0_i32, %c0_i32_0 : i32, i32
  }
  func.func @transform_4(%arg0: i32) -> (i32, i32) {
    %c0_i32 = arith.constant 0 : i32
    %c0_i32_0 = arith.constant 0 : i32
    %c0_i32_1 = arith.constant 0 : i32
    return %c0_i32, %c0_i32_0 : i32, i32
  }
  func.func @transform_5(%arg0: i32) -> (i32, i32) {
    %c0_i32 = arith.constant 0 : i32
    %c0_i32_0 = arith.constant 0 : i32
    %c0_i32_1 = arith.constant 0 : i32
    return %c0_i32, %c0_i32_0 : i32, i32
  }
  func.func @transform_6(%arg0: i32) -> (i32, i32) {
    %c0_i32 = arith.constant 0 : i32
    %c0_i32_0 = arith.constant 0 : i32
    return %arg0, %c0_i32 : i32, i32
  }
}

</mosaic_0001>

<sc_bundles>
// kernel: kernel.5.cloned.1.call-start
scs
__scs_entry_jumppad:
0x0: {  	(pc) =	sbr.rel $0x88, $3  }
0x1: {  	(tag) =	ssettag $0x0;
	lr =	simm.s32 $0x1  }
0x2: {  	[smem:$0x3F9A] =	sst lr;
	_ =	strace $0xD0000000  }
0x3: {  	_ = 	snop  }
0x4: {  	_ = 	snop  }
0x5: {  	_ = 	snop  }
0x6: {  	_ = 	snop  }
0x7: {  	_ = 	snop  }
__scs_overlays_trampoline_lowered:
0x8: {  	[smem:$0x3FA9] =	sst s0  }
0x9: {  	[smem:$0x3FAA] =	sst s1  }
0xa: {  	[smem:$0x3FAB] =	sst s2  }
0xb: {  	[smem:$0x3FAC] =	sst s3  }
0xc: {  	[smem:$0x3FAD] =	sst s4  }
0xd: {  	[smem:$0x3FAE] =	sst s5  }
0xe: {  	[smem:$0x3FAF] =	sst s6  }
0xf: {  	[smem:$0x3FB0] =	sst s7  }
0x10: {  	[smem:$0x3FB1] =	sst s8  }
0x11: {  	[smem:$0x3FB2] =	sst s9;
	s0 =	simm.s32 @!p0 $0x0  }
0x12: {  	s1 =	sld [smem:$0x3F98];
	s0 =	simm.s32 @p0 $0x1  }
0x13: {  	[smem:$0x3FB3] =	sst s0;
	s0 =	simm.s32 @!p1 $0x0  }
0x14: {  	s2 =	sld [smem:$0x3F97];
	s0 =	simm.s32 @p1 $0x1  }
0x15: {  	[smem:$0x3FB4] =	sst s0;
	s0 =	simm.s32 @!p2 $0x0  }
0x16: {  	s3 =	sld [smem:$0x3FDB];
	s0 =	simm.s32 @p2 $0x1  }
0x17: {  	s4 =	simm.s32 $0x1BF5;
	[smem:$0x3FB6] =	sst s0  }
0x18: {  	s0 =	sld [smem:$0x3F99];
	_ =	swait.ge [sflag:s4], $0x0  }
0x19: {  	s7 =	sld [smem:$0x3F9A]  }
0x1a: {  	s8 =	sadd.s32 $0xFFFFE003, lr  }
0x1b: {  	s9 =	sadd.s32 $0xFFFFFEF7, lr;
	s5 =	simm.s32 $0xFFFFFFFF;
	p2 =	slt.u32 s8, $0xFFFFF086  }
0x1c: {  	p1 =	slt.u32 s9, $0xF7A;
	s5 =	simm.s32 @!p2 $0x0  }
0x1d: {  	s5 =	simm.s32 @p1 $0x1;
	p0 =	seq.s32 s7, s2  }
0x1e: {  	s7 =	smul.u32 @!p0 $0xF7A, s2;
	p2 =	seq.s32 @!p0 s5, $0x0  }
0x1f: {  	s9 =	smul.u32 $0xF7A, s1;
	s8 =	simm.s32 @!p0 $0x1BF5;
	p2 =	por !p2, p0  }
0x20: {  	[sflag:s8] =	ssyncset.s32 @!p0 $0xFFFFF086;
	s6 =	sadd.s32 @!p0 s3, s7;
	s7 =	simm.s32 @!p0 $0x108  }
0x21: {  	s3 =	sadd.s32 s3, s9;
	s6 =	sadd.s32 @!p0 $0x88, s6;
	s7 =	simm.s32 @p2 $0x1082  }
0x22: {  	[simem:s7], [sflag:s8] =	dma.local @!p0 [hbm:s6], $0xF7A  }
0x23: {  	s9 =	sor.u32 $0xD0000000, s2;
	s6 =	simm.s32 $0x108;
	_ =	swait.ge @!p0 [sflag:s8], $0x0  }
0x24: {  	s3 =	sadd.s32 $0x88, s3;
	s6 =	simm.s32 @!p1 $0x1082;
	[sflag:s4] =	ssyncset.s32 $0xFFFFF086  }
0x25: {  	[simem:s6], [sflag:s4] =	dma.local [hbm:s3], $0xF7A  }
0x26: {  	[smem:$0x3F9A] =	sst s1;
	(tag) =	ssettag s2;
	_ =	strace s9  }
0x27: {  	s1 =	sld [smem:$0x3FAA]  }
0x28: {  	s2 =	sld [smem:$0x3FAB]  }
0x29: {  	s4 =	sld [smem:$0x3FAD]  }
0x2a: {  	p0 =	seq.s32 s5, $0x0;
	s5 =	sld [smem:$0x3FAE]  }
0x2b: {  	s6 =	sld [smem:$0x3FAF]  }
0x2c: {  	s7 =	sld [smem:$0x3FB0]  }
0x2d: {  	s3 =	simm.s32 $0x108;
	s8 =	sld [smem:$0x3FB1]  }
0x2e: {  	s3 =	simm.s32 @!p0 $0x1082;
	s9 =	sld [smem:$0x3FB2]  }
0x2f: {  	lr =	sadd.s32 s0, s3;
	s0 =	sld [smem:$0x3FA9]  }
0x30: {  	s3 =	sld [smem:$0x3FAC]  }
0x31: {  	[smem:$0x3FB5] =	sst s10  }
0x32: {  	s10 =	sld [smem:$0x3FB3];
	_ =	sdelay $0x3  }
0x33: {  	p0 =	seq.s32 s10, $0x1;
	s10 =	sld [smem:$0x3FB5];
	_ =	sdelay $0x3  }
0x34: {  	[smem:$0x3FB5] =	sst s10  }
0x35: {  	s10 =	sld [smem:$0x3FB4];
	_ =	sdelay $0x3  }
0x36: {  	p1 =	seq.s32 s10, $0x1;
	s10 =	sld [smem:$0x3FB5];
	_ =	sdelay $0x3  }
0x37: {  	[smem:$0x3FB5] =	sst s10  }
0x38: {  	s10 =	sld [smem:$0x3FB6]  }
0x39: {  	_ = 	snop;
	(pc) =	sbr.ind lr, $3  }
0x3a: {  	_ = 	snop  }
0x3b: {  	_ = 	snop  }
0x3c: {  	p2 =	seq.s32 s10, $0x1;
	s10 =	sld [smem:$0x3FB5]  }
0x3d: {  	_ =	shalt  }
0x3e: {  	_ =	shalt  }
0x3f: {  	_ =	shalt  }
0x40: {  	_ =	shalt  }
0x41: {  	_ =	shalt  }
0x42: {  	_ =	shalt  }
0x43: {  	_ =	shalt  }
0x44: {  	_ =	shalt  }
0x45: {  	_ =	shalt  }
0x46: {  	_ =	shalt  }
0x47: {  	_ =	shalt  }
0x48: {  	_ =	shalt  }
0x49: {  	_ =	shalt  }
0x4a: {  	_ =	shalt  }
0x4b: {  	_ =	shalt  }
0x4c: {  	_ =	shalt  }
0x4d: {  	_ =	shalt  }
0x4e: {  	_ =	shalt  }
0x4f: {  	_ =	shalt  }
0x50: {  	_ =	shalt  }
0x51: {  	_ =	shalt  }
0x52: {  	_ =	shalt  }
0x53: {  	_ =	shalt  }
0x54: {  	_ =	shalt  }
0x55: {  	_ =	shalt  }
0x56: {  	_ =	shalt  }
0x57: {  	_ =	shalt  }
0x58: {  	_ =	shalt  }
0x59: {  	_ =	shalt  }
0x5a: {  	_ =	shalt  }
0x5b: {  	_ =	shalt  }
0x5c: {  	_ =	shalt  }
0x5d: {  	_ =	shalt  }
0x5e: {  	_ =	shalt  }
0x5f: {  	_ =	shalt  }
0x60: {  	_ =	shalt  }
0x61: {  	_ =	shalt  }
0x62: {  	_ =	shalt  }
0x63: {  	_ =	shalt  }
0x64: {  	_ =	shalt  }
0x65: {  	_ =	shalt  }
0x66: {  	_ =	shalt  }
0x67: {  	_ =	shalt  }
0x68: {  	_ =	shalt  }
0x69: {  	_ =	shalt  }
0x6a: {  	_ =	shalt  }
0x6b: {  	_ =	shalt  }
0x6c: {  	_ =	shalt  }
0x6d: {  	_ =	shalt  }
0x6e: {  	_ =	shalt  }
0x6f: {  	_ =	shalt  }
0x70: {  	_ =	shalt  }
0x71: {  	_ =	shalt  }
0x72: {  	_ =	shalt  }
0x73: {  	_ =	shalt  }
0x74: {  	_ =	shalt  }
0x75: {  	_ =	shalt  }
0x76: {  	_ =	shalt  }
0x77: {  	_ =	shalt  }
0x78: {  	_ =	shalt  }
0x79: {  	_ =	shalt  }
0x7a: {  	_ =	shalt  }
0x7b: {  	_ =	shalt  }
0x7c: {  	_ =	shalt  }
0x7d: {  	_ =	shalt  }
0x7e: {  	_ =	shalt  }
0x7f: {  	_ =	shalt  }
0x80: {  	_ =	shalt  }
0x81: {  	_ =	shalt  }
0x82: {  	_ =	shalt  }
0x83: {  	_ =	shalt  }
0x84: {  	_ =	shalt  }
0x85: {  	_ =	shalt  }
0x86: {  	_ =	shalt  }
0x87: {  	_ =	shalt  }
.Lfunc_end0:
.L_simem_size_0:
called_computation_lowered:
.L_overlay_start_0:
0x88: {  	s2 =	sld [smem:$0x3FD9]  }
0x89: {  	s3 =	sld [smem:$0x3FFE];
	_ =	sdelay $0x1  }
0x8a: {  	s1 =	srdreg.scid  }
0x8b: {  	s0 =	sand.u32 $0x1, s1  }
0x8c: {  	s17 =	sshll.u32 s0, $0xA;
	s2 =	sadd.s32 s3, s2  }
0x8d: {  	s2 =	sadd.s32 s2, s17  }
0x8e: {  	[smem:$0x3FC1] =	sst s2  }
0x8f: {  	_ = 	snop  }
0x90: {  	s2 =	sld [smem:$0x3FD0];
	(tm) =	ssettm $0x1  }
0x91: {  	s18 =	sld [smem:$0x3FFB];
	_ =	sdelay $0x3  }
0x92: {  	_ =	strace s18  }
0x93: {  	s3 =	sld [smem:$0x3FFC];
	_ =	sdelay $0x3  }
0x94: {  	_ =	strace s3  }
0x95: {  	s3 =	sld [smem:$0x3FFD];
	_ =	sdelay $0x3  }
0x96: {  	_ =	strace s3  }
0x97: {  	_ =	strace $0x8FFFFFFF  }
0x98: {  	s19 =	sld [smem:$0x3FDB];
	_ =	sdelay $0x1  }
0x99: {  	s4 =	simm.s32 $_scs_section_size  }
0x9a: {  	s5 =	simm.s32 $_size__tile_overlayer_lowered;
	s6 =	simm.s32 $_tile_overlayer_lowered  }
0x9b: {  	s22 =	simm.s32 $0x1BFF;
	s21 =	sshll.u32 s6, $0x1;
	s3 =	sadd.s32 s4, s19  }
0x9c: {  	s7 =	simm.s32 $0x0;
	s20 =	sshll.u32 s5, $0x1;
	s5 =	sadd.s32 s21, s3  }
0x9d: {  	[timem:s7], [sflag:s22] =	dma.local [hbm:s5], s20  }
0x9e: {  	_ =	swait.ge [sflag:s22], s20  }
0x9f: {  	s4 =	ssub.s32 $0x0, s20;
	[sflag:s22] =	ssyncset.done $0x0  }
0xa0: {  	[sflag:s22] =	ssyncadd.s32 s4;
	_ =	sdelay $0x1  }
0xa1: {  	s23 =	simm.s32 $0x1B8B  }
0xa2: {  	_ =	swait.ge [sflag:s23], $0x1  }
0xa3: {  	[sflag:s23] =	ssyncset.done $0x0  }
0xa4: {  	s25 =	simm.s32 $0x1B8E;
	s24 =	sld [smem:$0x3FFE];
	[sflag:s23] =	ssyncadd.s32 $0xFFFFFFFF  }
0xa5: {  	s26 =	simm.s32 $execute0_lowered;
	[smem:$0x3FD2] =	sst s25  }
0xa6: {  	s5 =	sshll.u32 s26, $0x1;
	_ =	strace $0x80000046;
	[dreg:$0x1] =	wrdreg $0xFFFFFFFF  }
0xa7: {  	s28 =	simm.s32 $_size_execute0_lowered;
	s3 =	sadd.s32 s3, s5;
	[dreg:$0x0] =	wrdreg $0x0  }
0xa8: {  	s5 =	sshll.u32 s28, $0x1;
	[dreg:$0x2] =	wrdreg s3  }
0xa9: {  	[dreg:$0x3] =	wrdreg s5  }
0xaa: {  	[dreg:$0x4] =	wrdreg $0xC0  }
0xab: {  	_ =	task [dreg:s7], $0x5FFFF  }
0xac: {  	[dreg:$0x1] =	wrdreg $0xFFFFFFFF  }
0xad: {  	[dreg:$0x0] =	wrdreg $0x60  }
0xae: {  	[dreg:$0x2] =	wrdreg s2  }
0xaf: {  	[dreg:$0x3] =	wrdreg s24  }
0xb0: {  	[dreg:$0x4] =	wrdreg $0xA7C00  }
0xb1: {  	[dreg:$0x5] =	wrdreg $0x1E3C00  }
0xb2: {  	[dreg:$0x6] =	wrdreg $0x9  }
0xb3: {  	_ =	task.clear_ibuf [dreg:s7], $0x7FFFF;
	_ =	strace $0x90000046  }
0xb4: {  	s29 =	simm.s32 $0x9;
	_ =	strace $0x80000048  }
0xb5: {  	_ =	swait.ge [sflag:s29], $0x1  }
0xb6: {  	[sflag:s29] =	ssyncadd.s32 $0xFFFFFFFF  }
0xb7: {  	_ =	strace $0x90000048  }
0xb8: {  	_ =	sfence  }
0xb9: {  	s30 =	sld [smem:$0x0];
	_ =	sdelay $0x2  }
0xba: {  	s31 =	sshll.u32 s1, $0xD;
	s1 =	sshrl.u32 s1, $0x2  }
0xbb: {  	s3 =	sand.u32 $0x4000, s31;
	s1 =	sadd.s32 s1, s30  }
0xbc: {  	s0 =	sor.u32 s3, s0;
	s1 =	sshll.u32 s1, $0x11  }
0xbd: {  	s0 =	sor.u32 s1, s0  }
0xbe: {  	s0 =	sadd.s32 $0x8F2B, s0  }
0xbf: {  	[sflag:s0] =	ssyncadd.remote.s32 $0x1  }
0xc0: {  	_ =	sfence.sel $0xFFFF  }
0xc1: {  	[dreg:$0x0] =	wrdreg $0xFFFFFFFF;
	(pc) =	sbr.abs _section_cstart, $3  }
0xc2: {  	[dreg:$0x1] =	wrdreg $0xFFFFFFFF  }
0xc3: {  	_ =	task.clear_ibuf [dreg:s7], $0x2FFFF;
	_ =	strace $0x9FFFFFFF  }
0xc4: {  	(tm) =	ssettm $0x7FFFFFFF  }
0xc5: {  	_ =	shalt  }
tec
execute0_lowered:
.L_overlay_start_1:
0x0: {  	(tag) =	ssettag $0x1  }
0x1: {  	s0 =	rddreg [dreg:$0x0]  }
0x2: {  	s1 =	rddreg [dreg:$0x1]  }
0x3: {  	s2 =	srdreg.scid;
	s3 =	rddreg [dreg:$0x2]  }
0x4: {  	s12 =	stileid.u32;
	s4 =	rddreg [dreg:$0x3]  }
0x5: {  	s5 =	simm.s32 $0x0;
	s14 =	simm.s32 $0x280;
	s16 =	simm.s32 $0x300  }
0x6: {  	s17 =	simm.s32 $0x380;
	s28 =	simm.s32 $0x980;
	s7 =	smul.u32 $0x2800, s12  }
0x7: {  	s29 =	simm.s32 $0xA00;
	s30 =	simm.s32 $0xA80;
	s18 =	smul.u32 $0x13C0, s12  }
0x8: {  	s31 =	simm.s32 $0xB00;
	s2 =	sand.u32 $0x1, s2;
	s12 =	smul.u32 $0x13C00, s12  }
0x9: {  	[smem:$0x7FF] =	sst s5;
	s9 =	sadd.s32 $0x1A800, s1;
	s6 =	smul.u32 $0x28000, s2  }
0xa: {  	s8 =	smul.u32 $0x13C00, s2;
	_ =	strace $0x80000047;
	[dreg:$0xa] =	wrdreg s14  }
0xb: {  	s10 =	ssub.s32 $0x2, s2;
	s2 =	smul.u32 $0x13C000, s2;
	[dreg:$0xb] =	wrdreg s16  }
0xc: {  	s16 =	simm.s32 $0x4;
	[dreg:$0xc] =	wrdreg s17;
	s14 =	simm.s32 $0xE80  }
0xd: {  	s17 =	simm.s32 $0xF00;
	s11 =	sshrl.u32 s10, $0x1;
	s24 =	sadd.s32 s12, s3  }
0xe: {  	s20 =	sadd.s32 $0x8000, s12;
	s21 =	sadd.s32 $0x10000, s12;
	s6 =	sadd.s32 s7, s6  }
0xf: {  	s8 =	sadd.s32 s18, s8;
	s19 =	ssub.s32 s10, s11;
	s13 =	sadd.s32 s20, s3  }
0x10: {  	s22 =	sadd.s32 s21, s3;
	s12 =	sadd.s32 s12, s2;
	[dreg:$0x15] =	wrdreg s24  }
0x11: {  	s7 =	sadd.s32 s18, s4;
	s10 =	sadd.s32 s2, s20;
	[dreg:$0x16] =	wrdreg s13  }
0x12: {  	s2 =	sadd.s32 s2, s21;
	s11 =	simm.s32 $0x100;
	[dreg:$0x17] =	wrdreg s22  }
0x13: {  	s18 =	simm.s32 $0x400;
	s20 =	simm.s32 $0x500;
	[dreg:$0x18] =	wrdreg s7  }
0x14: {  	s21 =	simm.s32 $0x580;
	s6 =	sshrl.u32 s6, $0x3;
	[dreg:$0x7] =	wrdreg s11  }
0x15: {  	s8 =	sshrl.u32 s8, $0x3;
	s23 =	sshrl.u32 s12, $0x3;
	[dreg:$0xd] =	wrdreg s18  }
0x16: {  	s25 =	sshrl.u32 s10, $0x3;
	s2 =	sshrl.u32 s2, $0x3;
	[dreg:$0xf] =	wrdreg s20  }
0x17: {  	s12 =	simm.s32 $0x180;
	s13 =	simm.s32 $0x200;
	[dreg:$0x10] =	wrdreg s21  }
0x18: {  	s15 =	smax.u32 s19, $0x1;
	s19 =	simm.s32 $0x480;
	[dreg:$0x8] =	wrdreg s12  }
0x19: {  	s18 =	simm.s32 $0x800;
	s20 =	simm.s32 $0x5000;
	[dreg:$0x9] =	wrdreg s13  }
0x1a: {  	s22 =	simm.s32 $0x600;
	s21 =	simm.s32 $0x1;
	[dreg:$0x1d] =	wrdreg s15  }
0x1b: {  	s10 =	simm.s32 $0xC80;
	s11 =	simm.s32 $0xD00;
	[dreg:$0xe] =	wrdreg s19  }
0x1c: {  	s6 =	sadd.s32 s6, s1;
	s7 =	sadd.s32 s9, s23;
	[dreg:$0x11] =	wrdreg s22  }
0x1d: {  	s1 =	sadd.s32 s8, s1;
	s2 =	sadd.s32 s9, s2;
	[dreg:$0x19] =	wrdreg s7  }
0x1e: {  	s15 =	simm.s32 $0x1000;
	s23 =	simm.s32 $0x680;
	[dreg:$0x1b] =	wrdreg s2  }
0x1f: {  	s19 =	simm.s32 $0x80;
	s7 =	sadd.s32 s9, s25;
	[dreg:$0x12] =	wrdreg s23  }
0x20: {  	s22 =	simm.s32 $0x9000;
	s26 =	sadd.s32 $0xB800, s6;
	[dreg:$0x1a] =	wrdreg s7  }
0x21: {  	s12 =	simm.s32 $0xD80;
	s6 =	sadd.s32 $0x1800, s6;
	[dreg:$0x5] =	wrdreg s26  }
0x22: {  	s13 =	simm.s32 $0xE00;
	s1 =	sadd.s32 $0x15800, s1;
	[dreg:$0x6] =	wrdreg s6  }
0x23: {  	s8 =	simm.s32 $0x0;
	s25 =	simm.s32 $0x700;
	[dreg:$0x1c] =	wrdreg s1  }
0x24: {  	s23 =	simm.s32 $0x2;
	s2 =	simm.s32 $0xB80;
	[dreg:$0x13] =	wrdreg s25  }
0x25: {  	s26 =	simm.s32 $0x780;
	s25 =	simm.s32 $0x3;
	s1 =	simm.s32 $0xC00  }
0x26: {  	v0 =	vimm.f32 $1.000000000e+00;
	v1 =	vimm.f32 $0.0e+00;
	s6 =	simm.s32 $0xF80;
	[dreg:$0x14] =	wrdreg s26;
	s26 =	simm.s32 $0x900  }
.LBB2_1:
0x27: {  	[dreg:$0x1e] =	wrdreg s8;
	s8 =	simm.s32 $0x40;
	s7 =	simm.s32 $0x0  }
.LBB2_2:
0x28: {  	p0 =	sne.s32 s8, $0xFC0;
	[tilespmem:s7+$0x9000] =	vst.msk $0xff, v0;
	s9 =	smov.u32 s8;
	s8 =	sadd.s32 $0x40, s8  }
.Ltmp0:
0x29: {  	[tilespmem:s7+$0x9008] =	vst.msk $0xff, v0;
	(pc) =	sbr.rel @p0 .LBB2_2-.Ltmp0, $2  }
0x2a: {  	_ =	sdelay $0x2  }
0x2b: {  	s7 =	sshra.s32 s9, $0x2  }
0x2c: {  	[tilespmem:s7+$0x9000] =	vst.msk $0xff, v0  }
0x2d: {  	[tilespmem:s7+$0x9008] =	vst.msk $0xff, v0;
	s8 =	simm.s32 $0x40;
	s7 =	simm.s32 $0x0  }
.LBB2_4:
0x2e: {  	p0 =	sne.s32 s8, $0x4EC0;
	[tilespmem:s7+$0x9400] =	vst.msk $0xff, v1;
	s9 =	smov.u32 s8;
	s8 =	sadd.s32 $0x40, s8  }
.Ltmp1:
0x2f: {  	[tilespmem:s7+$0x9408] =	vst.msk $0xff, v1;
	(pc) =	sbr.rel @p0 .LBB2_4-.Ltmp1, $2  }
0x30: {  	_ =	sdelay $0x2  }
0x31: {  	s7 =	sshra.s32 s9, $0x2  }
0x32: {  	[tilespmem:s7+$0x9400] =	vst.msk $0xff, v1  }
0x33: {  	[tilespmem:s7+$0x9408] =	vst.msk $0xff, v1;
	s8 =	simm.s32 $0x0;
	s9 =	simm.s32 $0x200  }
.LBB2_6:
0x34: {  	p0 =	sne.s32 s9, $0x1FE00;
	[tilespmem:s8+$0x1070] =	vst v1  }
0x35: {  	[tilespmem:s8+$0x1000] =	vst v1  }
0x36: {  	[tilespmem:s8+$0x1010] =	vst v1  }
.Ltmp2:
0x37: {  	[tilespmem:s8+$0x1020] =	vst v1;
	(pc) =	sbr.rel @p0 .LBB2_6-.Ltmp2, $4  }
0x38: {  	[tilespmem:s8+$0x1030] =	vst v1  }
0x39: {  	[tilespmem:s8+$0x1040] =	vst v1  }
0x3a: {  	[tilespmem:s8+$0x1050] =	vst v1  }
0x3b: {  	[tilespmem:s8+$0x1060] =	vst v1;
	s8 =	sshra.s32 s9, $0x2;
	s9 =	sadd.s32 $0x200, s9  }
0x3c: {  	[tilespmem:s8+$0x1070] =	vst v1  }
0x3d: {  	[tilespmem:s8+$0x1000] =	vst v1  }
0x3e: {  	[tilespmem:s8+$0x1010] =	vst v1  }
0x3f: {  	[tilespmem:s8+$0x1020] =	vst v1  }
0x40: {  	[tilespmem:s8+$0x1030] =	vst v1  }
0x41: {  	[tilespmem:s8+$0x1040] =	vst v1  }
0x42: {  	[tilespmem:s8+$0x1050] =	vst v1  }
0x43: {  	[tilespmem:s8+$0x1060] =	vst v1  }
0x44: {  	[spmem:s24] =	stream.linear.scatter [tilespmem:s15], [sflag:$0x4], $0x8000, $0x38;
	[tilespmem:$0x1F780] =	vst v63  }
0x45: {  	_ =	swait.ge [sflag:s16], $0x8000  }
0x46: {  	[sflag:s16] =	ssyncset.done $0x0  }
0x47: {  	s7 =	rddreg [dreg:$0x16];
	[sflag:s16] =	ssyncadd.s32 $0xFFFF8000  }
0x48: {  	[spmem:s7] =	stream.linear.scatter [tilespmem:s15], [sflag:$0x4], $0x8000, $0x38;
	[tilespmem:$0x1F780] =	vst v63  }
0x49: {  	_ =	swait.ge [sflag:s16], $0x8000  }
0x4a: {  	[sflag:s16] =	ssyncset.done $0x0  }
0x4b: {  	s8 =	rddreg [dreg:$0x17];
	[sflag:s16] =	ssyncadd.s32 $0xFFFF8000  }
0x4c: {  	[spmem:s8] =	stream.linear.scatter [tilespmem:s15], [sflag:$0x4], $0x3C00, $0x38;
	[tilespmem:$0x1F780] =	vst v63  }
0x4d: {  	_ =	swait.ge [sflag:s16], $0x3C00  }
0x4e: {  	[sflag:s16] =	ssyncset.done $0x0  }
0x4f: {  	s24 =	simm.s32 $0x9400;
	s9 =	rddreg [dreg:$0x18];
	[sflag:s16] =	ssyncadd.s32 $0xFFFFC400  }
0x50: {  	[spmem:s9] =	stream.linear.scatter [tilespmem:s24], [sflag:$0x4], $0x13C0, $0x38;
	[tilespmem:$0x1F780] =	vst v63  }
0x51: {  	_ =	swait.ge [sflag:s16], $0x13C0  }
0x52: {  	[sflag:s16] =	ssyncset.done $0x0  }
0x53: {  	[sflag:s16] =	ssyncadd.s32 $0xFFFFEC40  }
0x54: {  	[bflag:$0x0] =	sbarrier.arrive $0xFFFF  }
0x55: {  	s9 =	rddreg [dreg:$0x6]  }
0x56: {  	s7 =	sadd.s32 $0x0, s9  }
0x57: {  	[tilespmem:s5], [sflag:$0x4] =	stream.linear.gather [hbm4b:s7+s5], $0x800, $0x38;
	[tilespmem:$0x1F780] =	vst v63  }
0x58: {  	_ =	swait.ge [sflag:s16], $0x800  }
0x59: {  	s24 =	rddreg [dreg:$0x5];
	[sflag:s16] =	ssyncset.done $0x0  }
0x5a: {  	[sflag:s16] =	ssyncadd.s32 $0xFFFFF800;
	s7 =	sadd.s32 $0x0, s24  }
0x5b: {  	[tilespmem:s18], [sflag:$0x4] =	stream.linear.gather [hbm4b:s7+s5], $0x800, $0x38;
	[tilespmem:$0x1F780] =	vst v63  }
0x5c: {  	_ =	swait.ge [sflag:s16], $0x800  }
0x5d: {  	[sflag:s16] =	ssyncset.done $0x0  }
0x5e: {  	[sflag:s16] =	ssyncadd.s32 $0xFFFFF800  }
0x5f: {  	[tilespmem:s15], [sflag:$0x1] =	stream.indirect.gather [hbm4b:s0+s19], $0x80, s5, s19, $0xb8;
	[tilespmem:$0x1F780] =	vst v63  }
0x60: {  	_ = 	snop  }
0x61: {  	[tilespmem:s20], [sflag:$0x1] =	stream.indirect.gather [hbm4b:s0+s19], $0x80, s19, s19, $0xb8;
	[tilespmem:$0x1F780] =	vst v63  }
0x62: {  	_ =	swait.ge [sflag:s21], $0x4000  }
0x63: {  	[sflag:s21] =	ssyncset.done $0x0  }
0x64: {  	[sflag:s21] =	ssyncadd.s32 $0xFFFFC000  }
0x65: {  	[spmem:s3] =	stream.indirect.scatter.add.f32 [tilespmem:s15], [sflag:$0x2], $0x80, s18, s19, $0xb8;
	[tilespmem:$0x1F780] =	vst v63  }
0x66: {  	_ = 	snop  }
0x67: {  	[spmem:s4] =	stream.indirect.scatter.add.f32 [tilespmem:s22], [sflag:$0x3], $0x8, s18, s19, $0xb8;
	[tilespmem:$0x1F780] =	vst v63  }
0x68: {  	_ =	swait.ge [sflag:s23], $0x4000  }
0x69: {  	[sflag:s23] =	ssyncset.done $0x0  }
0x6a: {  	s8 =	rddreg [dreg:$0x7];
	[sflag:s23] =	ssyncadd.s32 $0xFFFFC000  }
0x6b: {  	[tilespmem:s15], [sflag:$0x1] =	stream.indirect.gather [hbm4b:s0+s19], $0x80, s8, s19, $0xb8;
	[tilespmem:$0x1F780] =	vst v63  }
0x6c: {  	_ =	swait.ge [sflag:s21], $0x4000  }
0x6d: {  	[sflag:s21] =	ssyncset.done $0x0  }
0x6e: {  	s9 =	simm.s32 $0x880;
	[sflag:s21] =	ssyncadd.s32 $0xFFFFC000  }
0x6f: {  	[spmem:s3] =	stream.indirect.scatter.add.f32 [tilespmem:s20], [sflag:$0x2], $0x80, s9, s19, $0xb8;
	[tilespmem:$0x1F780] =	vst v63  }
0x70: {  	_ = 	snop  }
0x71: {  	[spmem:s4] =	stream.indirect.scatter.add.f32 [tilespmem:s22], [sflag:$0x3], $0x8, s9, s19, $0xb8;
	[tilespmem:$0x1F780] =	vst v63  }
0x72: {  	_ =	swait.ge [sflag:s25], $0x400  }
0x73: {  	[sflag:s25] =	ssyncset.done $0x0  }
0x74: {  	[sflag:s25] =	ssyncadd.s32 $0xFFFFFC00  }
0x75: {  	_ =	swait.ge [sflag:s23], $0x4000  }
0x76: {  	[sflag:s23] =	ssyncset.done $0x0  }
0x77: {  	s24 =	rddreg [dreg:$0x8];
	[sflag:s23] =	ssyncadd.s32 $0xFFFFC000  }
0x78: {  	[tilespmem:s20], [sflag:$0x1] =	stream.indirect.gather [hbm4b:s0+s19], $0x80, s24, s19, $0xb8;
	[tilespmem:$0x1F780] =	vst v63  }
0x79: {  	_ =	swait.ge [sflag:s21], $0x4000  }
0x7a: {  	[sflag:s21] =	ssyncset.done $0x0  }
0x7b: {  	[sflag:s21] =	ssyncadd.s32 $0xFFFFC000  }
0x7c: {  	[spmem:s3] =	stream.indirect.scatter.add.f32 [tilespmem:s15], [sflag:$0x2], $0x80, s26, s19, $0xb8;
	[tilespmem:$0x1F780] =	vst v63  }
0x7d: {  	_ = 	snop  }
0x7e: {  	[spmem:s4] =	stream.indirect.scatter.add.f32 [tilespmem:s22], [sflag:$0x3], $0x8, s26, s19, $0xb8;
	[tilespmem:$0x1F780] =	vst v63  }
0x7f: {  	_ =	swait.ge [sflag:s25], $0x400  }
0x80: {  	[sflag:s25] =	ssyncset.done $0x0  }
0x81: {  	[sflag:s25] =	ssyncadd.s32 $0xFFFFFC00  }
0x82: {  	_ =	swait.ge [sflag:s23], $0x4000  }
0x83: {  	[sflag:s23] =	ssyncset.done $0x0  }
0x84: {  	s8 =	rddreg [dreg:$0x9];
	[sflag:s23] =	ssyncadd.s32 $0xFFFFC000  }
0x85: {  	[tilespmem:s15], [sflag:$0x1] =	stream.indirect.gather [hbm4b:s0+s19], $0x80, s8, s19, $0xb8;
	[tilespmem:$0x1F780] =	vst v63  }
0x86: {  	_ =	swait.ge [sflag:s21], $0x4000  }
0x87: {  	[sflag:s21] =	ssyncset.done $0x0  }
0x88: {  	[sflag:s21] =	ssyncadd.s32 $0xFFFFC000  }
0x89: {  	[spmem:s3] =	stream.indirect.scatter.add.f32 [tilespmem:s20], [sflag:$0x2], $0x80, s28, s19, $0xb8;
	[tilespmem:$0x1F780] =	vst v63  }
0x8a: {  	_ = 	snop  }
0x8b: {  	[spmem:s4] =	stream.indirect.scatter.add.f32 [tilespmem:s22], [sflag:$0x3], $0x8, s28, s19, $0xb8;
	[tilespmem:$0x1F780] =	vst v63  }
0x8c: {  	_ =	swait.ge [sflag:s25], $0x400  }
0x8d: {  	[sflag:s25] =	ssyncset.done $0x0  }
0x8e: {  	[sflag:s25] =	ssyncadd.s32 $0xFFFFFC00  }
0x8f: {  	_ =	swait.ge [sflag:s23], $0x4000  }
0x90: {  	[sflag:s23] =	ssyncset.done $0x0  }
0x91: {  	s9 =	rddreg [dreg:$0xa];
	[sflag:s23] =	ssyncadd.s32 $0xFFFFC000  }
0x92: {  	[tilespmem:s20], [sflag:$0x1] =	stream.indirect.gather [hbm4b:s0+s19], $0x80, s9, s19, $0xb8;
	[tilespmem:$0x1F780] =	vst v63  }
0x93: {  	_ =	swait.ge [sflag:s21], $0x4000  }
0x94: {  	[sflag:s21] =	ssyncset.done $0x0  }
0x95: {  	[sflag:s21] =	ssyncadd.s32 $0xFFFFC000  }
0x96: {  	[spmem:s3] =	stream.indirect.scatter.add.f32 [tilespmem:s15], [sflag:$0x2], $0x80, s29, s19, $0xb8;
	[tilespmem:$0x1F780] =	vst v63  }
0x97: {  	_ = 	snop  }
0x98: {  	[spmem:s4] =	stream.indirect.scatter.add.f32 [tilespmem:s22], [sflag:$0x3], $0x8, s29, s19, $0xb8;
	[tilespmem:$0x1F780] =	vst v63  }
0x99: {  	_ =	swait.ge [sflag:s25], $0x400  }
0x9a: {  	[sflag:s25] =	ssyncset.done $0x0  }
0x9b: {  	[sflag:s25] =	ssyncadd.s32 $0xFFFFFC00  }
0x9c: {  	_ =	swait.ge [sflag:s23], $0x4000  }
0x9d: {  	[sflag:s23] =	ssyncset.done $0x0  }
0x9e: {  	s24 =	rddreg [dreg:$0xb];
	[sflag:s23] =	ssyncadd.s32 $0xFFFFC000  }
0x9f: {  	[tilespmem:s15], [sflag:$0x1] =	stream.indirect.gather [hbm4b:s0+s19], $0x80, s24, s19, $0xb8;
	[tilespmem:$0x1F780] =	vst v63  }
0xa0: {  	_ =	swait.ge [sflag:s21], $0x4000  }
0xa1: {  	[sflag:s21] =	ssyncset.done $0x0  }
0xa2: {  	[sflag:s21] =	ssyncadd.s32 $0xFFFFC000  }
0xa3: {  	[spmem:s3] =	stream.indirect.scatter.add.f32 [tilespmem:s20], [sflag:$0x2], $0x80, s30, s19, $0xb8;
	[tilespmem:$0x1F780] =	vst v63  }
0xa4: {  	_ = 	snop  }
0xa5: {  	[spmem:s4] =	stream.indirect.scatter.add.f32 [tilespmem:s22], [sflag:$0x3], $0x8, s30, s19, $0xb8;
	[tilespmem:$0x1F780] =	vst v63  }
0xa6: {  	_ =	swait.ge [sflag:s25], $0x400  }
0xa7: {  	[sflag:s25] =	ssyncset.done $0x0  }
0xa8: {  	[sflag:s25] =	ssyncadd.s32 $0xFFFFFC00  }
0xa9: {  	_ =	swait.ge [sflag:s23], $0x4000  }
0xaa: {  	[sflag:s23] =	ssyncset.done $0x0  }
0xab: {  	s8 =	rddreg [dreg:$0xc];
	[sflag:s23] =	ssyncadd.s32 $0xFFFFC000  }
0xac: {  	[tilespmem:s20], [sflag:$0x1] =	stream.indirect.gather [hbm4b:s0+s19], $0x80, s8, s19, $0xb8;
	[tilespmem:$0x1F780] =	vst v63  }
0xad: {  	_ =	swait.ge [sflag:s21], $0x4000  }
0xae: {  	[sflag:s21] =	ssyncset.done $0x0  }
0xaf: {  	[sflag:s21] =	ssyncadd.s32 $0xFFFFC000  }
0xb0: {  	[spmem:s3] =	stream.indirect.scatter.add.f32 [tilespmem:s15], [sflag:$0x2], $0x80, s31, s19, $0xb8;
	[tilespmem:$0x1F780] =	vst v63  }
0xb1: {  	_ = 	snop  }
0xb2: {  	[spmem:s4] =	stream.indirect.scatter.add.f32 [tilespmem:s22], [sflag:$0x3], $0x8, s31, s19, $0xb8;
	[tilespmem:$0x1F780] =	vst v63  }
0xb3: {  	_ =	swait.ge [sflag:s25], $0x400  }
0xb4: {  	[sflag:s25] =	ssyncset.done $0x0  }
0xb5: {  	[sflag:s25] =	ssyncadd.s32 $0xFFFFFC00  }
0xb6: {  	_ =	swait.ge [sflag:s23], $0x4000  }
0xb7: {  	[sflag:s23] =	ssyncset.done $0x0  }
0xb8: {  	s9 =	rddreg [dreg:$0xd];
	[sflag:s23] =	ssyncadd.s32 $0xFFFFC000  }
0xb9: {  	[tilespmem:s15], [sflag:$0x1] =	stream.indirect.gather [hbm4b:s0+s19], $0x80, s9, s19, $0xb8;
	[tilespmem:$0x1F780] =	vst v63  }
0xba: {  	_ =	swait.ge [sflag:s21], $0x4000  }
0xbb: {  	[sflag:s21] =	ssyncset.done $0x0  }
0xbc: {  	[sflag:s21] =	ssyncadd.s32 $0xFFFFC000  }
0xbd: {  	[spmem:s3] =	stream.indirect.scatter.add.f32 [tilespmem:s20], [sflag:$0x2], $0x80, s2, s19, $0xb8;
	[tilespmem:$0x1F780] =	vst v63  }
0xbe: {  	_ = 	snop  }
0xbf: {  	[spmem:s4] =	stream.indirect.scatter.add.f32 [tilespmem:s22], [sflag:$0x3], $0x8, s2, s19, $0xb8;
	[tilespmem:$0x1F780] =	vst v63  }
0xc0: {  	_ =	swait.ge [sflag:s25], $0x400  }
0xc1: {  	[sflag:s25] =	ssyncset.done $0x0  }
0xc2: {  	[sflag:s25] =	ssyncadd.s32 $0xFFFFFC00  }
0xc3: {  	_ =	swait.ge [sflag:s23], $0x4000  }
0xc4: {  	[sflag:s23] =	ssyncset.done $0x0  }
0xc5: {  	s24 =	rddreg [dreg:$0xe];
	[sflag:s23] =	ssyncadd.s32 $0xFFFFC000  }
0xc6: {  	[tilespmem:s20], [sflag:$0x1] =	stream.indirect.gather [hbm4b:s0+s19], $0x80, s24, s19, $0xb8;
	[tilespmem:$0x1F780] =	vst v63  }
0xc7: {  	_ =	swait.ge [sflag:s21], $0x4000  }
0xc8: {  	[sflag:s21] =	ssyncset.done $0x0  }
0xc9: {  	[sflag:s21] =	ssyncadd.s32 $0xFFFFC000  }
0xca: {  	[spmem:s3] =	stream.indirect.scatter.add.f32 [tilespmem:s15], [sflag:$0x2], $0x80, s1, s19, $0xb8;
	[tilespmem:$0x1F780] =	vst v63  }
0xcb: {  	_ = 	snop  }
0xcc: {  	[spmem:s4] =	stream.indirect.scatter.add.f32 [tilespmem:s22], [sflag:$0x3], $0x8, s1, s19, $0xb8;
	[tilespmem:$0x1F780] =	vst v63  }
0xcd: {  	_ =	swait.ge [sflag:s25], $0x400  }
0xce: {  	[sflag:s25] =	ssyncset.done $0x0  }
0xcf: {  	[sflag:s25] =	ssyncadd.s32 $0xFFFFFC00  }
0xd0: {  	_ =	swait.ge [sflag:s23], $0x4000  }
0xd1: {  	[sflag:s23] =	ssyncset.done $0x0  }
0xd2: {  	s8 =	rddreg [dreg:$0xf];
	[sflag:s23] =	ssyncadd.s32 $0xFFFFC000  }
0xd3: {  	[tilespmem:s15], [sflag:$0x1] =	stream.indirect.gather [hbm4b:s0+s19], $0x80, s8, s19, $0xb8;
	[tilespmem:$0x1F780] =	vst v63  }
0xd4: {  	_ =	swait.ge [sflag:s21], $0x4000  }
0xd5: {  	[sflag:s21] =	ssyncset.done $0x0  }
0xd6: {  	[sflag:s21] =	ssyncadd.s32 $0xFFFFC000  }
0xd7: {  	[spmem:s3] =	stream.indirect.scatter.add.f32 [tilespmem:s20], [sflag:$0x2], $0x80, s10, s19, $0xb8;
	[tilespmem:$0x1F780] =	vst v63  }
0xd8: {  	_ = 	snop  }
0xd9: {  	[spmem:s4] =	stream.indirect.scatter.add.f32 [tilespmem:s22], [sflag:$0x3], $0x8, s10, s19, $0xb8;
	[tilespmem:$0x1F780] =	vst v63  }
0xda: {  	_ =	swait.ge [sflag:s25], $0x400  }
0xdb: {  	[sflag:s25] =	ssyncset.done $0x0  }
0xdc: {  	[sflag:s25] =	ssyncadd.s32 $0xFFFFFC00  }
0xdd: {  	_ =	swait.ge [sflag:s23], $0x4000  }
0xde: {  	[sflag:s23] =	ssyncset.done $0x0  }
0xdf: {  	s9 =	rddreg [dreg:$0x10];
	[sflag:s23] =	ssyncadd.s32 $0xFFFFC000  }
0xe0: {  	[tilespmem:s20], [sflag:$0x1] =	stream.indirect.gather [hbm4b:s0+s19], $0x80, s9, s19, $0xb8;
	[tilespmem:$0x1F780] =	vst v63  }
0xe1: {  	_ =	swait.ge [sflag:s21], $0x4000  }
0xe2: {  	[sflag:s21] =	ssyncset.done $0x0  }
0xe3: {  	[sflag:s21] =	ssyncadd.s32 $0xFFFFC000  }
0xe4: {  	[spmem:s3] =	stream.indirect.scatter.add.f32 [tilespmem:s15], [sflag:$0x2], $0x80, s11, s19, $0xb8;
	[tilespmem:$0x1F780] =	vst v63  }
0xe5: {  	_ = 	snop  }
0xe6: {  	[spmem:s4] =	stream.indirect.scatter.add.f32 [tilespmem:s22], [sflag:$0x3], $0x8, s11, s19, $0xb8;
	[tilespmem:$0x1F780] =	vst v63  }
0xe7: {  	_ =	swait.ge [sflag:s25], $0x400  }
0xe8: {  	[sflag:s25] =	ssyncset.done $0x0  }
0xe9: {  	[sflag:s25] =	ssyncadd.s32 $0xFFFFFC00  }
0xea: {  	_ =	swait.ge [sflag:s23], $0x4000  }
0xeb: {  	[sflag:s23] =	ssyncset.done $0x0  }
0xec: {  	s24 =	rddreg [dreg:$0x11];
	[sflag:s23] =	ssyncadd.s32 $0xFFFFC000  }
0xed: {  	[tilespmem:s15], [sflag:$0x1] =	stream.indirect.gather [hbm4b:s0+s19], $0x80, s24, s19, $0xb8;
	[tilespmem:$0x1F780] =	vst v63  }
0xee: {  	_ =	swait.ge [sflag:s21], $0x4000  }
0xef: {  	[sflag:s21] =	ssyncset.done $0x0  }
0xf0: {  	[sflag:s21] =	ssyncadd.s32 $0xFFFFC000  }
0xf1: {  	[spmem:s3] =	stream.indirect.scatter.add.f32 [tilespmem:s20], [sflag:$0x2], $0x80, s12, s19, $0xb8;
	[tilespmem:$0x1F780] =	vst v63  }
0xf2: {  	_ = 	snop  }
0xf3: {  	[spmem:s4] =	stream.indirect.scatter.add.f32 [tilespmem:s22], [sflag:$0x3], $0x8, s12, s19, $0xb8;
	[tilespmem:$0x1F780] =	vst v63  }
0xf4: {  	_ =	swait.ge [sflag:s25], $0x400  }
0xf5: {  	[sflag:s25] =	ssyncset.done $0x0  }
0xf6: {  	[sflag:s25] =	ssyncadd.s32 $0xFFFFFC00  }
0xf7: {  	_ =	swait.ge [sflag:s23], $0x4000  }
0xf8: {  	[sflag:s23] =	ssyncset.done $0x0  }
0xf9: {  	s8 =	rddreg [dreg:$0x12];
	[sflag:s23] =	ssyncadd.s32 $0xFFFFC000  }
0xfa: {  	[tilespmem:s20], [sflag:$0x1] =	stream.indirect.gather [hbm4b:s0+s19], $0x80, s8, s19, $0xb8;
	[tilespmem:$0x1F780] =	vst v63  }
0xfb: {  	_ =	swait.ge [sflag:s21], $0x4000  }
0xfc: {  	[sflag:s21] =	ssyncset.done $0x0  }
0xfd: {  	[sflag:s21] =	ssyncadd.s32 $0xFFFFC000  }
0xfe: {  	[spmem:s3] =	stream.indirect.scatter.add.f32 [tilespmem:s15], [sflag:$0x2], $0x80, s13, s19, $0xb8;
	[tilespmem:$0x1F780] =	vst v63  }
0xff: {  	_ = 	snop  }
0x100: {  	[spmem:s4] =	stream.indirect.scatter.add.f32 [tilespmem:s22], [sflag:$0x3], $0x8, s13, s19, $0xb8;
	[tilespmem:$0x1F780] =	vst v63  }
0x101: {  	_ =	swait.ge [sflag:s25], $0x400  }
0x102: {  	[sflag:s25] =	ssyncset.done $0x0  }
0x103: {  	[sflag:s25] =	ssyncadd.s32 $0xFFFFFC00  }
0x104: {  	_ =	swait.ge [sflag:s23], $0x4000  }
0x105: {  	[sflag:s23] =	ssyncset.done $0x0  }
0x106: {  	s9 =	rddreg [dreg:$0x13];
	[sflag:s23] =	ssyncadd.s32 $0xFFFFC000  }
0x107: {  	[tilespmem:s15], [sflag:$0x1] =	stream.indirect.gather [hbm4b:s0+s19], $0x80, s9, s19, $0xb8;
	[tilespmem:$0x1F780] =	vst v63  }
0x108: {  	_ =	swait.ge [sflag:s21], $0x4000  }
0x109: {  	[sflag:s21] =	ssyncset.done $0x0  }
0x10a: {  	[sflag:s21] =	ssyncadd.s32 $0xFFFFC000  }
0x10b: {  	[spmem:s3] =	stream.indirect.scatter.add.f32 [tilespmem:s20], [sflag:$0x2], $0x80, s14, s19, $0xb8;
	[tilespmem:$0x1F780] =	vst v63  }
0x10c: {  	_ = 	snop  }
0x10d: {  	[spmem:s4] =	stream.indirect.scatter.add.f32 [tilespmem:s22], [sflag:$0x3], $0x8, s14, s19, $0xb8;
	[tilespmem:$0x1F780] =	vst v63  }
0x10e: {  	_ =	swait.ge [sflag:s25], $0x400  }
0x10f: {  	[sflag:s25] =	ssyncset.done $0x0  }
0x110: {  	[sflag:s25] =	ssyncadd.s32 $0xFFFFFC00  }
0x111: {  	_ =	swait.ge [sflag:s23], $0x4000  }
0x112: {  	[sflag:s23] =	ssyncset.done $0x0  }
0x113: {  	s24 =	rddreg [dreg:$0x14];
	[sflag:s23] =	ssyncadd.s32 $0xFFFFC000  }
0x114: {  	[tilespmem:s20], [sflag:$0x1] =	stream.indirect.gather [hbm4b:s0+s19], $0x80, s24, s19, $0xb8;
	[tilespmem:$0x1F780] =	vst v63  }
0x115: {  	_ =	swait.ge [sflag:s21], $0x4000  }
0x116: {  	[sflag:s21] =	ssyncset.done $0x0  }
0x117: {  	[sflag:s21] =	ssyncadd.s32 $0xFFFFC000  }
0x118: {  	[spmem:s3] =	stream.indirect.scatter.add.f32 [tilespmem:s15], [sflag:$0x2], $0x80, s17, s19, $0xb8;
	[tilespmem:$0x1F780] =	vst v63  }
0x119: {  	_ = 	snop  }
0x11a: {  	[spmem:s4] =	stream.indirect.scatter.add.f32 [tilespmem:s22], [sflag:$0x3], $0x8, s17, s19, $0xb8;
	[tilespmem:$0x1F780] =	vst v63  }
0x11b: {  	_ =	swait.ge [sflag:s25], $0x400  }
0x11c: {  	[sflag:s25] =	ssyncset.done $0x0  }
0x11d: {  	[sflag:s25] =	ssyncadd.s32 $0xFFFFFC00  }
0x11e: {  	_ =	swait.ge [sflag:s23], $0x4000  }
0x11f: {  	[sflag:s23] =	ssyncset.done $0x0  }
0x120: {  	[sflag:s23] =	ssyncadd.s32 $0xFFFFC000  }
0x121: {  	_ =	swait.ge [sflag:s21], $0x4000  }
0x122: {  	[sflag:s21] =	ssyncset.done $0x0  }
0x123: {  	[sflag:s21] =	ssyncadd.s32 $0xFFFFC000  }
0x124: {  	[spmem:s3] =	stream.indirect.scatter.add.f32 [tilespmem:s20], [sflag:$0x2], $0x80, s6, s19, $0xb8;
	[tilespmem:$0x1F780] =	vst v63  }
0x125: {  	_ = 	snop  }
0x126: {  	[spmem:s4] =	stream.indirect.scatter.add.f32 [tilespmem:s22], [sflag:$0x3], $0x8, s6, s19, $0xb8;
	[tilespmem:$0x1F780] =	vst v63  }
0x127: {  	_ =	swait.ge [sflag:s25], $0x400  }
0x128: {  	[sflag:s25] =	ssyncset.done $0x0  }
0x129: {  	[sflag:s25] =	ssyncadd.s32 $0xFFFFFC00  }
0x12a: {  	_ =	swait.ge [sflag:s23], $0x4000  }
0x12b: {  	[sflag:s23] =	ssyncset.done $0x0  }
0x12c: {  	[sflag:s23] =	ssyncadd.s32 $0xFFFFC000  }
0x12d: {  	s8 =	simm.s32 $0x100;
	_ =	swait.ge [sflag:s25], $0x400  }
0x12e: {  	s9 =	simm.s32 $0x200;
	s7 =	rddreg [dreg:$0x6];
	[sflag:s25] =	ssyncset.done $0x0  }
.LBB2_8:
0x12f: {  	[sflag:s25] =	ssyncadd.s32 $0xFFFFFC00;
	s7 =	sadd.s32 s8, s7  }
0x130: {  	[tilespmem:s5], [sflag:$0x4] =	stream.linear.gather [hbm4b:s7+s5], $0x800, $0x38;
	[tilespmem:$0x1F780] =	vst v63  }
0x131: {  	_ =	swait.ge [sflag:s16], $0x800  }
0x132: {  	s7 =	rddreg [dreg:$0x5];
	[sflag:s16] =	ssyncset.done $0x0  }
0x133: {  	[sflag:s16] =	ssyncadd.s32 $0xFFFFF800;
	s7 =	sadd.s32 s8, s7  }
0x134: {  	[tilespmem:s18], [sflag:$0x4] =	stream.linear.gather [hbm4b:s7+s5], $0x800, $0x38;
	[tilespmem:$0x1F780] =	vst v63  }
0x135: {  	_ =	swait.ge [sflag:s16], $0x800  }
0x136: {  	[sflag:s16] =	ssyncset.done $0x0  }
0x137: {  	[sflag:s16] =	ssyncadd.s32 $0xFFFFF800  }
0x138: {  	[tilespmem:s15], [sflag:$0x1] =	stream.indirect.gather [hbm4b:s0+s19], $0x80, s5, s19, $0xb8;
	[tilespmem:$0x1F780] =	vst v63  }
0x139: {  	_ = 	snop  }
0x13a: {  	[tilespmem:s20], [sflag:$0x1] =	stream.indirect.gather [hbm4b:s0+s19], $0x80, s19, s19, $0xb8;
	[tilespmem:$0x1F780] =	vst v63  }
0x13b: {  	_ =	swait.ge [sflag:s21], $0x4000  }
0x13c: {  	[sflag:s21] =	ssyncset.done $0x0  }
0x13d: {  	[sflag:s21] =	ssyncadd.s32 $0xFFFFC000  }
0x13e: {  	[spmem:s3] =	stream.indirect.scatter.add.f32 [tilespmem:s15], [sflag:$0x2], $0x80, s18, s19, $0xb8;
	[tilespmem:$0x1F780] =	vst v63  }
0x13f: {  	_ = 	snop  }
0x140: {  	[spmem:s4] =	stream.indirect.scatter.add.f32 [tilespmem:s22], [sflag:$0x3], $0x8, s18, s19, $0xb8;
	[tilespmem:$0x1F780] =	vst v63  }
0x141: {  	_ =	swait.ge [sflag:s23], $0x4000  }
0x142: {  	[sflag:s23] =	ssyncset.done $0x0  }
0x143: {  	s7 =	rddreg [dreg:$0x7];
	[sflag:s23] =	ssyncadd.s32 $0xFFFFC000  }
0x144: {  	[tilespmem:s15], [sflag:$0x1] =	stream.indirect.gather [hbm4b:s0+s19], $0x80, s7, s19, $0xb8;
	[tilespmem:$0x1F780] =	vst v63  }
0x145: {  	_ =	swait.ge [sflag:s21], $0x4000  }
0x146: {  	s24 =	smov.u32 s9;
	[sflag:s21] =	ssyncset.done $0x0  }
0x147: {  	s8 =	smov.u32 s24;
	s24 =	simm.s32 $0x880;
	[sflag:s21] =	ssyncadd.s32 $0xFFFFC000  }
0x148: {  	[spmem:s3] =	stream.indirect.scatter.add.f32 [tilespmem:s20], [sflag:$0x2], $0x80, s24, s19, $0xb8;
	[tilespmem:$0x1F780] =	vst v63  }
0x149: {  	_ = 	snop  }
0x14a: {  	[spmem:s4] =	stream.indirect.scatter.add.f32 [tilespmem:s22], [sflag:$0x3], $0x8, s24, s19, $0xb8;
	[tilespmem:$0x1F780] =	vst v63  }
0x14b: {  	_ =	swait.ge [sflag:s25], $0x400  }
0x14c: {  	[sflag:s25] =	ssyncset.done $0x0  }
0x14d: {  	[sflag:s25] =	ssyncadd.s32 $0xFFFFFC00  }
0x14e: {  	_ =	swait.ge [sflag:s23], $0x4000  }
0x14f: {  	[sflag:s23] =	ssyncset.done $0x0  }
0x150: {  	s7 =	rddreg [dreg:$0x8];
	[sflag:s23] =	ssyncadd.s32 $0xFFFFC000  }
0x151: {  	[tilespmem:s20], [sflag:$0x1] =	stream.indirect.gather [hbm4b:s0+s19], $0x80, s7, s19, $0xb8;
	[tilespmem:$0x1F780] =	vst v63  }
0x152: {  	_ =	swait.ge [sflag:s21], $0x4000  }
0x153: {  	[sflag:s21] =	ssyncset.done $0x0  }
0x154: {  	[sflag:s21] =	ssyncadd.s32 $0xFFFFC000  }
0x155: {  	[spmem:s3] =	stream.indirect.scatter.add.f32 [tilespmem:s15], [sflag:$0x2], $0x80, s26, s19, $0xb8;
	[tilespmem:$0x1F780] =	vst v63  }
0x156: {  	_ = 	snop  }
0x157: {  	[spmem:s4] =	stream.indirect.scatter.add.f32 [tilespmem:s22], [sflag:$0x3], $0x8, s26, s19, $0xb8;
	[tilespmem:$0x1F780] =	vst v63  }
0x158: {  	_ =	swait.ge [sflag:s25], $0x400  }
0x159: {  	[sflag:s25] =	ssyncset.done $0x0  }
0x15a: {  	[sflag:s25] =	ssyncadd.s32 $0xFFFFFC00  }
0x15b: {  	_ =	swait.ge [sflag:s23], $0x4000  }
0x15c: {  	[sflag:s23] =	ssyncset.done $0x0  }
0x15d: {  	s7 =	rddreg [dreg:$0x9];
	[sflag:s23] =	ssyncadd.s32 $0xFFFFC000  }
0x15e: {  	[tilespmem:s15], [sflag:$0x1] =	stream.indirect.gather [hbm4b:s0+s19], $0x80, s7, s19, $0xb8;
	[tilespmem:$0x1F780] =	vst v63  }
0x15f: {  	_ =	swait.ge [sflag:s21], $0x4000  }
0x160: {  	[sflag:s21] =	ssyncset.done $0x0  }
0x161: {  	[sflag:s21] =	ssyncadd.s32 $0xFFFFC000  }
0x162: {  	[spmem:s3] =	stream.indirect.scatter.add.f32 [tilespmem:s20], [sflag:$0x2], $0x80, s28, s19, $0xb8;
	[tilespmem:$0x1F780] =	vst v63  }
0x163: {  	_ = 	snop  }
0x164: {  	[spmem:s4] =	stream.indirect.scatter.add.f32 [tilespmem:s22], [sflag:$0x3], $0x8, s28, s19, $0xb8;
	[tilespmem:$0x1F780] =	vst v63  }
0x165: {  	_ =	swait.ge [sflag:s25], $0x400  }
0x166: {  	[sflag:s25] =	ssyncset.done $0x0  }
0x167: {  	[sflag:s25] =	ssyncadd.s32 $0xFFFFFC00  }
0x168: {  	_ =	swait.ge [sflag:s23], $0x4000  }
0x169: {  	[sflag:s23] =	ssyncset.done $0x0  }
0x16a: {  	s7 =	rddreg [dreg:$0xa];
	[sflag:s23] =	ssyncadd.s32 $0xFFFFC000  }
0x16b: {  	[tilespmem:s20], [sflag:$0x1] =	stream.indirect.gather [hbm4b:s0+s19], $0x80, s7, s19, $0xb8;
	[tilespmem:$0x1F780] =	vst v63  }
0x16c: {  	_ =	swait.ge [sflag:s21], $0x4000  }
0x16d: {  	[sflag:s21] =	ssyncset.done $0x0  }
0x16e: {  	[sflag:s21] =	ssyncadd.s32 $0xFFFFC000  }
0x16f: {  	[spmem:s3] =	stream.indirect.scatter.add.f32 [tilespmem:s15], [sflag:$0x2], $0x80, s29, s19, $0xb8;
	[tilespmem:$0x1F780] =	vst v63  }
0x170: {  	_ = 	snop  }
0x171: {  	[spmem:s4] =	stream.indirect.scatter.add.f32 [tilespmem:s22], [sflag:$0x3], $0x8, s29, s19, $0xb8;
	[tilespmem:$0x1F780] =	vst v63  }
0x172: {  	_ =	swait.ge [sflag:s25], $0x400  }
0x173: {  	[sflag:s25] =	ssyncset.done $0x0  }
0x174: {  	[sflag:s25] =	ssyncadd.s32 $0xFFFFFC00  }
0x175: {  	_ =	swait.ge [sflag:s23], $0x4000  }
0x176: {  	[sflag:s23] =	ssyncset.done $0x0  }
0x177: {  	s7 =	rddreg [dreg:$0xb];
	[sflag:s23] =	ssyncadd.s32 $0xFFFFC000  }
0x178: {  	[tilespmem:s15], [sflag:$0x1] =	stream.indirect.gather [hbm4b:s0+s19], $0x80, s7, s19, $0xb8;
	[tilespmem:$0x1F780] =	vst v63  }
0x179: {  	_ =	swait.ge [sflag:s21], $0x4000  }
0x17a: {  	[sflag:s21] =	ssyncset.done $0x0  }
0x17b: {  	[sflag:s21] =	ssyncadd.s32 $0xFFFFC000  }
0x17c: {  	[spmem:s3] =	stream.indirect.scatter.add.f32 [tilespmem:s20], [sflag:$0x2], $0x80, s30, s19, $0xb8;
	[tilespmem:$0x1F780] =	vst v63  }
0x17d: {  	_ = 	snop  }
0x17e: {  	[spmem:s4] =	stream.indirect.scatter.add.f32 [tilespmem:s22], [sflag:$0x3], $0x8, s30, s19, $0xb8;
	[tilespmem:$0x1F780] =	vst v63  }
0x17f: {  	_ =	swait.ge [sflag:s25], $0x400  }
0x180: {  	[sflag:s25] =	ssyncset.done $0x0  }
0x181: {  	[sflag:s25] =	ssyncadd.s32 $0xFFFFFC00  }
0x182: {  	_ =	swait.ge [sflag:s23], $0x4000  }
0x183: {  	[sflag:s23] =	ssyncset.done $0x0  }
0x184: {  	s7 =	rddreg [dreg:$0xc];
	[sflag:s23] =	ssyncadd.s32 $0xFFFFC000  }
0x185: {  	[tilespmem:s20], [sflag:$0x1] =	stream.indirect.gather [hbm4b:s0+s19], $0x80, s7, s19, $0xb8;
	[tilespmem:$0x1F780] =	vst v63  }
0x186: {  	_ =	swait.ge [sflag:s21], $0x4000  }
0x187: {  	[sflag:s21] =	ssyncset.done $0x0  }
0x188: {  	[sflag:s21] =	ssyncadd.s32 $0xFFFFC000  }
0x189: {  	[spmem:s3] =	stream.indirect.scatter.add.f32 [tilespmem:s15], [sflag:$0x2], $0x80, s31, s19, $0xb8;
	[tilespmem:$0x1F780] =	vst v63  }
0x18a: {  	_ = 	snop  }
0x18b: {  	[spmem:s4] =	stream.indirect.scatter.add.f32 [tilespmem:s22], [sflag:$0x3], $0x8, s31, s19, $0xb8;
	[tilespmem:$0x1F780] =	vst v63  }
0x18c: {  	_ =	swait.ge [sflag:s25], $0x400  }
0x18d: {  	[sflag:s25] =	ssyncset.done $0x0  }
0x18e: {  	[sflag:s25] =	ssyncadd.s32 $0xFFFFFC00  }
0x18f: {  	_ =	swait.ge [sflag:s23], $0x4000  }
0x190: {  	[sflag:s23] =	ssyncset.done $0x0  }
0x191: {  	s7 =	rddreg [dreg:$0xd];
	[sflag:s23] =	ssyncadd.s32 $0xFFFFC000  }
0x192: {  	[tilespmem:s15], [sflag:$0x1] =	stream.indirect.gather [hbm4b:s0+s19], $0x80, s7, s19, $0xb8;
	[tilespmem:$0x1F780] =	vst v63  }
0x193: {  	_ =	swait.ge [sflag:s21], $0x4000  }
0x194: {  	[sflag:s21] =	ssyncset.done $0x0  }
0x195: {  	[sflag:s21] =	ssyncadd.s32 $0xFFFFC000  }
0x196: {  	[spmem:s3] =	stream.indirect.scatter.add.f32 [tilespmem:s20], [sflag:$0x2], $0x80, s2, s19, $0xb8;
	[tilespmem:$0x1F780] =	vst v63  }
0x197: {  	_ = 	snop  }
0x198: {  	[spmem:s4] =	stream.indirect.scatter.add.f32 [tilespmem:s22], [sflag:$0x3], $0x8, s2, s19, $0xb8;
	[tilespmem:$0x1F780] =	vst v63  }
0x199: {  	_ =	swait.ge [sflag:s25], $0x400  }
0x19a: {  	[sflag:s25] =	ssyncset.done $0x0  }
0x19b: {  	[sflag:s25] =	ssyncadd.s32 $0xFFFFFC00  }
0x19c: {  	_ =	swait.ge [sflag:s23], $0x4000  }
0x19d: {  	[sflag:s23] =	ssyncset.done $0x0  }
0x19e: {  	s7 =	rddreg [dreg:$0xe];
	[sflag:s23] =	ssyncadd.s32 $0xFFFFC000  }
0x19f: {  	[tilespmem:s20], [sflag:$0x1] =	stream.indirect.gather [hbm4b:s0+s19], $0x80, s7, s19, $0xb8;
	[tilespmem:$0x1F780] =	vst v63  }
0x1a0: {  	_ =	swait.ge [sflag:s21], $0x4000  }
0x1a1: {  	[sflag:s21] =	ssyncset.done $0x0  }
0x1a2: {  	[sflag:s21] =	ssyncadd.s32 $0xFFFFC000  }
0x1a3: {  	[spmem:s3] =	stream.indirect.scatter.add.f32 [tilespmem:s15], [sflag:$0x2], $0x80, s1, s19, $0xb8;
	[tilespmem:$0x1F780] =	vst v63  }
0x1a4: {  	_ = 	snop  }
0x1a5: {  	[spmem:s4] =	stream.indirect.scatter.add.f32 [tilespmem:s22], [sflag:$0x3], $0x8, s1, s19, $0xb8;
	[tilespmem:$0x1F780] =	vst v63  }
0x1a6: {  	_ =	swait.ge [sflag:s25], $0x400  }
0x1a7: {  	[sflag:s25] =	ssyncset.done $0x0  }
0x1a8: {  	[sflag:s25] =	ssyncadd.s32 $0xFFFFFC00  }
0x1a9: {  	_ =	swait.ge [sflag:s23], $0x4000  }
0x1aa: {  	[sflag:s23] =	ssyncset.done $0x0  }
0x1ab: {  	s7 =	rddreg [dreg:$0xf];
	[sflag:s23] =	ssyncadd.s32 $0xFFFFC000  }
0x1ac: {  	[tilespmem:s15], [sflag:$0x1] =	stream.indirect.gather [hbm4b:s0+s19], $0x80, s7, s19, $0xb8;
	[tilespmem:$0x1F780] =	vst v63  }
0x1ad: {  	_ =	swait.ge [sflag:s21], $0x4000  }
0x1ae: {  	[sflag:s21] =	ssyncset.done $0x0  }
0x1af: {  	[sflag:s21] =	ssyncadd.s32 $0xFFFFC000  }
0x1b0: {  	[spmem:s3] =	stream.indirect.scatter.add.f32 [tilespmem:s20], [sflag:$0x2], $0x80, s10, s19, $0xb8;
	[tilespmem:$0x1F780] =	vst v63  }
0x1b1: {  	_ = 	snop  }
0x1b2: {  	[spmem:s4] =	stream.indirect.scatter.add.f32 [tilespmem:s22], [sflag:$0x3], $0x8, s10, s19, $0xb8;
	[tilespmem:$0x1F780] =	vst v63  }
0x1b3: {  	_ =	swait.ge [sflag:s25], $0x400  }
0x1b4: {  	[sflag:s25] =	ssyncset.done $0x0  }
0x1b5: {  	[sflag:s25] =	ssyncadd.s32 $0xFFFFFC00  }
0x1b6: {  	_ =	swait.ge [sflag:s23], $0x4000  }
0x1b7: {  	[sflag:s23] =	ssyncset.done $0x0  }
0x1b8: {  	s7 =	rddreg [dreg:$0x10];
	[sflag:s23] =	ssyncadd.s32 $0xFFFFC000  }
0x1b9: {  	[tilespmem:s20], [sflag:$0x1] =	stream.indirect.gather [hbm4b:s0+s19], $0x80, s7, s19, $0xb8;
	[tilespmem:$0x1F780] =	vst v63  }
0x1ba: {  	_ =	swait.ge [sflag:s21], $0x4000  }
0x1bb: {  	[sflag:s21] =	ssyncset.done $0x0  }
0x1bc: {  	[sflag:s21] =	ssyncadd.s32 $0xFFFFC000  }
0x1bd: {  	[spmem:s3] =	stream.indirect.scatter.add.f32 [tilespmem:s15], [sflag:$0x2], $0x80, s11, s19, $0xb8;
	[tilespmem:$0x1F780] =	vst v63  }
0x1be: {  	_ = 	snop  }
0x1bf: {  	[spmem:s4] =	stream.indirect.scatter.add.f32 [tilespmem:s22], [sflag:$0x3], $0x8, s11, s19, $0xb8;
	[tilespmem:$0x1F780] =	vst v63  }
0x1c0: {  	_ =	swait.ge [sflag:s25], $0x400  }
0x1c1: {  	[sflag:s25] =	ssyncset.done $0x0  }
0x1c2: {  	[sflag:s25] =	ssyncadd.s32 $0xFFFFFC00  }
0x1c3: {  	_ =	swait.ge [sflag:s23], $0x4000  }
0x1c4: {  	[sflag:s23] =	ssyncset.done $0x0  }
0x1c5: {  	s7 =	rddreg [dreg:$0x11];
	[sflag:s23] =	ssyncadd.s32 $0xFFFFC000  }
0x1c6: {  	[tilespmem:s15], [sflag:$0x1] =	stream.indirect.gather [hbm4b:s0+s19], $0x80, s7, s19, $0xb8;
	[tilespmem:$0x1F780] =	vst v63  }
0x1c7: {  	_ =	swait.ge [sflag:s21], $0x4000  }
0x1c8: {  	[sflag:s21] =	ssyncset.done $0x0  }
0x1c9: {  	[sflag:s21] =	ssyncadd.s32 $0xFFFFC000  }
0x1ca: {  	[spmem:s3] =	stream.indirect.scatter.add.f32 [tilespmem:s20], [sflag:$0x2], $0x80, s12, s19, $0xb8;
	[tilespmem:$0x1F780] =	vst v63  }
0x1cb: {  	_ = 	snop  }
0x1cc: {  	[spmem:s4] =	stream.indirect.scatter.add.f32 [tilespmem:s22], [sflag:$0x3], $0x8, s12, s19, $0xb8;
	[tilespmem:$0x1F780] =	vst v63  }
0x1cd: {  	_ =	swait.ge [sflag:s25], $0x400  }
0x1ce: {  	[sflag:s25] =	ssyncset.done $0x0  }
0x1cf: {  	[sflag:s25] =	ssyncadd.s32 $0xFFFFFC00  }
0x1d0: {  	_ =	swait.ge [sflag:s23], $0x4000  }
0x1d1: {  	[sflag:s23] =	ssyncset.done $0x0  }
0x1d2: {  	s7 =	rddreg [dreg:$0x12];
	[sflag:s23] =	ssyncadd.s32 $0xFFFFC000  }
0x1d3: {  	[tilespmem:s20], [sflag:$0x1] =	stream.indirect.gather [hbm4b:s0+s19], $0x80, s7, s19, $0xb8;
	[tilespmem:$0x1F780] =	vst v63  }
0x1d4: {  	_ =	swait.ge [sflag:s21], $0x4000  }
0x1d5: {  	[sflag:s21] =	ssyncset.done $0x0  }
0x1d6: {  	[sflag:s21] =	ssyncadd.s32 $0xFFFFC000  }
0x1d7: {  	[spmem:s3] =	stream.indirect.scatter.add.f32 [tilespmem:s15], [sflag:$0x2], $0x80, s13, s19, $0xb8;
	[tilespmem:$0x1F780] =	vst v63  }
0x1d8: {  	_ = 	snop  }
0x1d9: {  	[spmem:s4] =	stream.indirect.scatter.add.f32 [tilespmem:s22], [sflag:$0x3], $0x8, s13, s19, $0xb8;
	[tilespmem:$0x1F780] =	vst v63  }
0x1da: {  	_ =	swait.ge [sflag:s25], $0x400  }
0x1db: {  	[sflag:s25] =	ssyncset.done $0x0  }
0x1dc: {  	[sflag:s25] =	ssyncadd.s32 $0xFFFFFC00  }
0x1dd: {  	_ =	swait.ge [sflag:s23], $0x4000  }
0x1de: {  	[sflag:s23] =	ssyncset.done $0x0  }
0x1df: {  	s7 =	rddreg [dreg:$0x13];
	[sflag:s23] =	ssyncadd.s32 $0xFFFFC000  }
0x1e0: {  	[tilespmem:s15], [sflag:$0x1] =	stream.indirect.gather [hbm4b:s0+s19], $0x80, s7, s19, $0xb8;
	[tilespmem:$0x1F780] =	vst v63  }
0x1e1: {  	_ =	swait.ge [sflag:s21], $0x4000  }
0x1e2: {  	[sflag:s21] =	ssyncset.done $0x0  }
0x1e3: {  	[sflag:s21] =	ssyncadd.s32 $0xFFFFC000  }
0x1e4: {  	[spmem:s3] =	stream.indirect.scatter.add.f32 [tilespmem:s20], [sflag:$0x2], $0x80, s14, s19, $0xb8;
	[tilespmem:$0x1F780] =	vst v63  }
0x1e5: {  	_ = 	snop  }
0x1e6: {  	[spmem:s4] =	stream.indirect.scatter.add.f32 [tilespmem:s22], [sflag:$0x3], $0x8, s14, s19, $0xb8;
	[tilespmem:$0x1F780] =	vst v63  }
0x1e7: {  	_ =	swait.ge [sflag:s25], $0x400  }
0x1e8: {  	[sflag:s25] =	ssyncset.done $0x0  }
0x1e9: {  	[sflag:s25] =	ssyncadd.s32 $0xFFFFFC00  }
0x1ea: {  	_ =	swait.ge [sflag:s23], $0x4000  }
0x1eb: {  	[sflag:s23] =	ssyncset.done $0x0  }
0x1ec: {  	s7 =	rddreg [dreg:$0x14];
	[sflag:s23] =	ssyncadd.s32 $0xFFFFC000  }
0x1ed: {  	[tilespmem:s20], [sflag:$0x1] =	stream.indirect.gather [hbm4b:s0+s19], $0x80, s7, s19, $0xb8;
	[tilespmem:$0x1F780] =	vst v63  }
0x1ee: {  	_ =	swait.ge [sflag:s21], $0x4000  }
0x1ef: {  	[sflag:s21] =	ssyncset.done $0x0  }
0x1f0: {  	[sflag:s21] =	ssyncadd.s32 $0xFFFFC000  }
0x1f1: {  	[spmem:s3] =	stream.indirect.scatter.add.f32 [tilespmem:s15], [sflag:$0x2], $0x80, s17, s19, $0xb8;
	[tilespmem:$0x1F780] =	vst v63  }
0x1f2: {  	_ = 	snop  }
0x1f3: {  	[spmem:s4] =	stream.indirect.scatter.add.f32 [tilespmem:s22], [sflag:$0x3], $0x8, s17, s19, $0xb8;
	[tilespmem:$0x1F780] =	vst v63  }
0x1f4: {  	_ =	swait.ge [sflag:s25], $0x400  }
0x1f5: {  	[sflag:s25] =	ssyncset.done $0x0  }
0x1f6: {  	[sflag:s25] =	ssyncadd.s32 $0xFFFFFC00  }
0x1f7: {  	_ =	swait.ge [sflag:s23], $0x4000  }
0x1f8: {  	[sflag:s23] =	ssyncset.done $0x0  }
0x1f9: {  	[sflag:s23] =	ssyncadd.s32 $0xFFFFC000  }
0x1fa: {  	_ =	swait.ge [sflag:s21], $0x4000  }
0x1fb: {  	[sflag:s21] =	ssyncset.done $0x0  }
0x1fc: {  	[sflag:s21] =	ssyncadd.s32 $0xFFFFC000  }
0x1fd: {  	[spmem:s3] =	stream.indirect.scatter.add.f32 [tilespmem:s20], [sflag:$0x2], $0x80, s6, s19, $0xb8;
	[tilespmem:$0x1F780] =	vst v63  }
0x1fe: {  	_ = 	snop  }
0x1ff: {  	[spmem:s4] =	stream.indirect.scatter.add.f32 [tilespmem:s22], [sflag:$0x3], $0x8, s6, s19, $0xb8;
	[tilespmem:$0x1F780] =	vst v63  }
0x200: {  	_ =	swait.ge [sflag:s25], $0x400  }
0x201: {  	[sflag:s25] =	ssyncset.done $0x0  }
0x202: {  	p0 =	sne.s32 s9, $0x400;
	[sflag:s25] =	ssyncadd.s32 $0xFFFFFC00  }
.Ltmp3:
0x203: {  	_ =	swait.ge [sflag:s23], $0x4000;
	(pc) =	sbr.rel @p0 .LBB2_8-.Ltmp3, $4  }
0x204: {  	[sflag:s23] =	ssyncset.done $0x0  }
0x205: {  	[sflag:s23] =	ssyncadd.s32 $0xFFFFC000  }
0x206: {  	_ =	swait.ge [sflag:s25], $0x400  }
0x207: {  	s9 =	sadd.s32 $0x100, s9;
	s7 =	rddreg [dreg:$0x6];
	[sflag:s25] =	ssyncset.done $0x0  }
0x208: {  	[sflag:s25] =	ssyncadd.s32 $0xFFFFFC00;
	s7 =	sadd.s32 s8, s7  }
0x209: {  	[tilespmem:s5], [sflag:$0x4] =	stream.linear.gather [hbm4b:s7+s5], $0x800, $0x38;
	[tilespmem:$0x1F780] =	vst v63  }
0x20a: {  	_ =	swait.ge [sflag:s16], $0x800  }
0x20b: {  	s9 =	rddreg [dreg:$0x5];
	[sflag:s16] =	ssyncset.done $0x0  }
0x20c: {  	s7 =	sadd.s32 s8, s9;
	[sflag:s16] =	ssyncadd.s32 $0xFFFFF800  }
0x20d: {  	[tilespmem:s18], [sflag:$0x4] =	stream.linear.gather [hbm4b:s7+s5], $0x800, $0x38;
	[tilespmem:$0x1F780] =	vst v63  }
0x20e: {  	_ =	swait.ge [sflag:s16], $0x800  }
0x20f: {  	[sflag:s16] =	ssyncset.done $0x0  }
0x210: {  	[sflag:s16] =	ssyncadd.s32 $0xFFFFF800  }
0x211: {  	[tilespmem:s15], [sflag:$0x1] =	stream.indirect.gather [hbm4b:s0+s19], $0x80, s5, s19, $0xb8;
	[tilespmem:$0x1F780] =	vst v63  }
0x212: {  	_ = 	snop  }
0x213: {  	[tilespmem:s20], [sflag:$0x1] =	stream.indirect.gather [hbm4b:s0+s19], $0x80, s19, s19, $0xb8;
	[tilespmem:$0x1F780] =	vst v63  }
0x214: {  	_ =	swait.ge [sflag:s21], $0x4000  }
0x215: {  	[sflag:s21] =	ssyncset.done $0x0  }
0x216: {  	[sflag:s21] =	ssyncadd.s32 $0xFFFFC000  }
0x217: {  	[spmem:s3] =	stream.indirect.scatter.add.f32 [tilespmem:s15], [sflag:$0x2], $0x80, s18, s19, $0xb8;
	[tilespmem:$0x1F780] =	vst v63  }
0x218: {  	_ = 	snop  }
0x219: {  	[spmem:s4] =	stream.indirect.scatter.add.f32 [tilespmem:s22], [sflag:$0x3], $0x8, s18, s19, $0xb8;
	[tilespmem:$0x1F780] =	vst v63  }
0x21a: {  	_ =	swait.ge [sflag:s23], $0x4000  }
0x21b: {  	[sflag:s23] =	ssyncset.done $0x0  }
0x21c: {  	s9 =	rddreg [dreg:$0x7];
	[sflag:s23] =	ssyncadd.s32 $0xFFFFC000  }
0x21d: {  	[tilespmem:s15], [sflag:$0x1] =	stream.indirect.gather [hbm4b:s0+s19], $0x80, s9, s19, $0xb8;
	[tilespmem:$0x1F780] =	vst v63  }
0x21e: {  	_ =	swait.ge [sflag:s21], $0x4000  }
0x21f: {  	[sflag:s21] =	ssyncset.done $0x0  }
0x220: {  	[sflag:s21] =	ssyncadd.s32 $0xFFFFC000  }
0x221: {  	[spmem:s3] =	stream.indirect.scatter.add.f32 [tilespmem:s20], [sflag:$0x2], $0x80, s24, s19, $0xb8;
	[tilespmem:$0x1F780] =	vst v63  }
0x222: {  	_ = 	snop  }
0x223: {  	[spmem:s4] =	stream.indirect.scatter.add.f32 [tilespmem:s22], [sflag:$0x3], $0x8, s24, s19, $0xb8;
	[tilespmem:$0x1F780] =	vst v63  }
0x224: {  	_ =	swait.ge [sflag:s25], $0x400  }
0x225: {  	[sflag:s25] =	ssyncset.done $0x0  }
0x226: {  	[sflag:s25] =	ssyncadd.s32 $0xFFFFFC00  }
0x227: {  	_ =	swait.ge [sflag:s23], $0x4000  }
0x228: {  	[sflag:s23] =	ssyncset.done $0x0  }
0x229: {  	s24 =	rddreg [dreg:$0x8];
	[sflag:s23] =	ssyncadd.s32 $0xFFFFC000  }
0x22a: {  	[tilespmem:s20], [sflag:$0x1] =	stream.indirect.gather [hbm4b:s0+s19], $0x80, s24, s19, $0xb8;
	[tilespmem:$0x1F780] =	vst v63  }
0x22b: {  	_ =	swait.ge [sflag:s21], $0x4000  }
0x22c: {  	[sflag:s21] =	ssyncset.done $0x0  }
0x22d: {  	[sflag:s21] =	ssyncadd.s32 $0xFFFFC000  }
0x22e: {  	[spmem:s3] =	stream.indirect.scatter.add.f32 [tilespmem:s15], [sflag:$0x2], $0x80, s26, s19, $0xb8;
	[tilespmem:$0x1F780] =	vst v63  }
0x22f: {  	_ = 	snop  }
0x230: {  	[spmem:s4] =	stream.indirect.scatter.add.f32 [tilespmem:s22], [sflag:$0x3], $0x8, s26, s19, $0xb8;
	[tilespmem:$0x1F780] =	vst v63  }
0x231: {  	_ =	swait.ge [sflag:s25], $0x400  }
0x232: {  	[sflag:s25] =	ssyncset.done $0x0  }
0x233: {  	[sflag:s25] =	ssyncadd.s32 $0xFFFFFC00  }
0x234: {  	_ =	swait.ge [sflag:s23], $0x4000  }
0x235: {  	[sflag:s23] =	ssyncset.done $0x0  }
0x236: {  	s8 =	rddreg [dreg:$0x9];
	[sflag:s23] =	ssyncadd.s32 $0xFFFFC000  }
0x237: {  	[tilespmem:s15], [sflag:$0x1] =	stream.indirect.gather [hbm4b:s0+s19], $0x80, s8, s19, $0xb8;
	[tilespmem:$0x1F780] =	vst v63  }
0x238: {  	_ =	swait.ge [sflag:s21], $0x4000  }
0x239: {  	[sflag:s21] =	ssyncset.done $0x0  }
0x23a: {  	[sflag:s21] =	ssyncadd.s32 $0xFFFFC000  }
0x23b: {  	[spmem:s3] =	stream.indirect.scatter.add.f32 [tilespmem:s20], [sflag:$0x2], $0x80, s28, s19, $0xb8;
	[tilespmem:$0x1F780] =	vst v63  }
0x23c: {  	_ = 	snop  }
0x23d: {  	[spmem:s4] =	stream.indirect.scatter.add.f32 [tilespmem:s22], [sflag:$0x3], $0x8, s28, s19, $0xb8;
	[tilespmem:$0x1F780] =	vst v63  }
0x23e: {  	_ =	swait.ge [sflag:s25], $0x400  }
0x23f: {  	[sflag:s25] =	ssyncset.done $0x0  }
0x240: {  	[sflag:s25] =	ssyncadd.s32 $0xFFFFFC00  }
0x241: {  	_ =	swait.ge [sflag:s23], $0x4000  }
0x242: {  	[sflag:s23] =	ssyncset.done $0x0  }
0x243: {  	s9 =	rddreg [dreg:$0xa];
	[sflag:s23] =	ssyncadd.s32 $0xFFFFC000  }
0x244: {  	[tilespmem:s20], [sflag:$0x1] =	stream.indirect.gather [hbm4b:s0+s19], $0x80, s9, s19, $0xb8;
	[tilespmem:$0x1F780] =	vst v63  }
0x245: {  	_ =	swait.ge [sflag:s21], $0x4000  }
0x246: {  	[sflag:s21] =	ssyncset.done $0x0  }
0x247: {  	[sflag:s21] =	ssyncadd.s32 $0xFFFFC000  }
0x248: {  	[spmem:s3] =	stream.indirect.scatter.add.f32 [tilespmem:s15], [sflag:$0x2], $0x80, s29, s19, $0xb8;
	[tilespmem:$0x1F780] =	vst v63  }
0x249: {  	_ = 	snop  }
0x24a: {  	[spmem:s4] =	stream.indirect.scatter.add.f32 [tilespmem:s22], [sflag:$0x3], $0x8, s29, s19, $0xb8;
	[tilespmem:$0x1F780] =	vst v63  }
0x24b: {  	_ =	swait.ge [sflag:s25], $0x400  }
0x24c: {  	[sflag:s25] =	ssyncset.done $0x0  }
0x24d: {  	[sflag:s25] =	ssyncadd.s32 $0xFFFFFC00  }
0x24e: {  	_ =	swait.ge [sflag:s23], $0x4000  }
0x24f: {  	[sflag:s23] =	ssyncset.done $0x0  }
0x250: {  	s24 =	rddreg [dreg:$0xb];
	[sflag:s23] =	ssyncadd.s32 $0xFFFFC000  }
0x251: {  	[tilespmem:s15], [sflag:$0x1] =	stream.indirect.gather [hbm4b:s0+s19], $0x80, s24, s19, $0xb8;
	[tilespmem:$0x1F780] =	vst v63  }
0x252: {  	_ =	swait.ge [sflag:s21], $0x4000  }
0x253: {  	[sflag:s21] =	ssyncset.done $0x0  }
0x254: {  	[sflag:s21] =	ssyncadd.s32 $0xFFFFC000  }
0x255: {  	[spmem:s3] =	stream.indirect.scatter.add.f32 [tilespmem:s20], [sflag:$0x2], $0x80, s30, s19, $0xb8;
	[tilespmem:$0x1F780] =	vst v63  }
0x256: {  	_ = 	snop  }
0x257: {  	[spmem:s4] =	stream.indirect.scatter.add.f32 [tilespmem:s22], [sflag:$0x3], $0x8, s30, s19, $0xb8;
	[tilespmem:$0x1F780] =	vst v63  }
0x258: {  	_ =	swait.ge [sflag:s25], $0x400  }
0x259: {  	[sflag:s25] =	ssyncset.done $0x0  }
0x25a: {  	[sflag:s25] =	ssyncadd.s32 $0xFFFFFC00  }
0x25b: {  	_ =	swait.ge [sflag:s23], $0x4000  }
0x25c: {  	[sflag:s23] =	ssyncset.done $0x0  }
0x25d: {  	s8 =	rddreg [dreg:$0xc];
	[sflag:s23] =	ssyncadd.s32 $0xFFFFC000  }
0x25e: {  	[tilespmem:s20], [sflag:$0x1] =	stream.indirect.gather [hbm4b:s0+s19], $0x80, s8, s19, $0xb8;
	[tilespmem:$0x1F780] =	vst v63  }
0x25f: {  	_ =	swait.ge [sflag:s21], $0x4000  }
0x260: {  	[sflag:s21] =	ssyncset.done $0x0  }
0x261: {  	[sflag:s21] =	ssyncadd.s32 $0xFFFFC000  }
0x262: {  	[spmem:s3] =	stream.indirect.scatter.add.f32 [tilespmem:s15], [sflag:$0x2], $0x80, s31, s19, $0xb8;
	[tilespmem:$0x1F780] =	vst v63  }
0x263: {  	_ = 	snop  }
0x264: {  	[spmem:s4] =	stream.indirect.scatter.add.f32 [tilespmem:s22], [sflag:$0x3], $0x8, s31, s19, $0xb8;
	[tilespmem:$0x1F780] =	vst v63  }
0x265: {  	_ =	swait.ge [sflag:s25], $0x400  }
0x266: {  	[sflag:s25] =	ssyncset.done $0x0  }
0x267: {  	[sflag:s25] =	ssyncadd.s32 $0xFFFFFC00  }
0x268: {  	_ =	swait.ge [sflag:s23], $0x4000  }
0x269: {  	[sflag:s23] =	ssyncset.done $0x0  }
0x26a: {  	s9 =	rddreg [dreg:$0xd];
	[sflag:s23] =	ssyncadd.s32 $0xFFFFC000  }
0x26b: {  	[tilespmem:s15], [sflag:$0x1] =	stream.indirect.gather [hbm4b:s0+s19], $0x80, s9, s19, $0xb8;
	[tilespmem:$0x1F780] =	vst v63  }
0x26c: {  	_ =	swait.ge [sflag:s21], $0x4000  }
0x26d: {  	[sflag:s21] =	ssyncset.done $0x0  }
0x26e: {  	[sflag:s21] =	ssyncadd.s32 $0xFFFFC000  }
0x26f: {  	[spmem:s3] =	stream.indirect.scatter.add.f32 [tilespmem:s20], [sflag:$0x2], $0x80, s2, s19, $0xb8;
	[tilespmem:$0x1F780] =	vst v63  }
0x270: {  	_ = 	snop  }
0x271: {  	[spmem:s4] =	stream.indirect.scatter.add.f32 [tilespmem:s22], [sflag:$0x3], $0x8, s2, s19, $0xb8;
	[tilespmem:$0x1F780] =	vst v63  }
0x272: {  	_ =	swait.ge [sflag:s25], $0x400  }
0x273: {  	[sflag:s25] =	ssyncset.done $0x0  }
0x274: {  	[sflag:s25] =	ssyncadd.s32 $0xFFFFFC00  }
0x275: {  	_ =	swait.ge [sflag:s23], $0x4000  }
0x276: {  	[sflag:s23] =	ssyncset.done $0x0  }
0x277: {  	s24 =	rddreg [dreg:$0xe];
	[sflag:s23] =	ssyncadd.s32 $0xFFFFC000  }
0x278: {  	[tilespmem:s20], [sflag:$0x1] =	stream.indirect.gather [hbm4b:s0+s19], $0x80, s24, s19, $0xb8;
	[tilespmem:$0x1F780] =	vst v63  }
0x279: {  	_ =	swait.ge [sflag:s21], $0x4000  }
0x27a: {  	[sflag:s21] =	ssyncset.done $0x0  }
0x27b: {  	[sflag:s21] =	ssyncadd.s32 $0xFFFFC000  }
0x27c: {  	[spmem:s3] =	stream.indirect.scatter.add.f32 [tilespmem:s15], [sflag:$0x2], $0x80, s1, s19, $0xb8;
	[tilespmem:$0x1F780] =	vst v63  }
0x27d: {  	_ = 	snop  }
0x27e: {  	[spmem:s4] =	stream.indirect.scatter.add.f32 [tilespmem:s22], [sflag:$0x3], $0x8, s1, s19, $0xb8;
	[tilespmem:$0x1F780] =	vst v63  }
0x27f: {  	_ =	swait.ge [sflag:s25], $0x400  }
0x280: {  	[sflag:s25] =	ssyncset.done $0x0  }
0x281: {  	[sflag:s25] =	ssyncadd.s32 $0xFFFFFC00  }
0x282: {  	_ =	swait.ge [sflag:s23], $0x4000  }
0x283: {  	[sflag:s23] =	ssyncset.done $0x0  }
0x284: {  	s8 =	rddreg [dreg:$0xf];
	[sflag:s23] =	ssyncadd.s32 $0xFFFFC000  }
0x285: {  	[tilespmem:s15], [sflag:$0x1] =	stream.indirect.gather [hbm4b:s0+s19], $0x80, s8, s19, $0xb8;
	[tilespmem:$0x1F780] =	vst v63  }
0x286: {  	_ =	swait.ge [sflag:s21], $0x4000  }
0x287: {  	[sflag:s21] =	ssyncset.done $0x0  }
0x288: {  	[sflag:s21] =	ssyncadd.s32 $0xFFFFC000  }
0x289: {  	[spmem:s3] =	stream.indirect.scatter.add.f32 [tilespmem:s20], [sflag:$0x2], $0x80, s10, s19, $0xb8;
	[tilespmem:$0x1F780] =	vst v63  }
0x28a: {  	_ = 	snop  }
0x28b: {  	[spmem:s4] =	stream.indirect.scatter.add.f32 [tilespmem:s22], [sflag:$0x3], $0x8, s10, s19, $0xb8;
	[tilespmem:$0x1F780] =	vst v63  }
0x28c: {  	_ =	swait.ge [sflag:s25], $0x400  }
0x28d: {  	[sflag:s25] =	ssyncset.done $0x0  }
0x28e: {  	[sflag:s25] =	ssyncadd.s32 $0xFFFFFC00  }
0x28f: {  	_ =	swait.ge [sflag:s23], $0x4000  }
0x290: {  	[sflag:s23] =	ssyncset.done $0x0  }
0x291: {  	s9 =	rddreg [dreg:$0x10];
	[sflag:s23] =	ssyncadd.s32 $0xFFFFC000  }
0x292: {  	[tilespmem:s20], [sflag:$0x1] =	stream.indirect.gather [hbm4b:s0+s19], $0x80, s9, s19, $0xb8;
	[tilespmem:$0x1F780] =	vst v63  }
0x293: {  	_ =	swait.ge [sflag:s21], $0x4000  }
0x294: {  	[sflag:s21] =	ssyncset.done $0x0  }
0x295: {  	[sflag:s21] =	ssyncadd.s32 $0xFFFFC000  }
0x296: {  	[spmem:s3] =	stream.indirect.scatter.add.f32 [tilespmem:s15], [sflag:$0x2], $0x80, s11, s19, $0xb8;
	[tilespmem:$0x1F780] =	vst v63  }
0x297: {  	_ = 	snop  }
0x298: {  	[spmem:s4] =	stream.indirect.scatter.add.f32 [tilespmem:s22], [sflag:$0x3], $0x8, s11, s19, $0xb8;
	[tilespmem:$0x1F780] =	vst v63  }
0x299: {  	_ =	swait.ge [sflag:s25], $0x400  }
0x29a: {  	[sflag:s25] =	ssyncset.done $0x0  }
0x29b: {  	[sflag:s25] =	ssyncadd.s32 $0xFFFFFC00  }
0x29c: {  	_ =	swait.ge [sflag:s23], $0x4000  }
0x29d: {  	[sflag:s23] =	ssyncset.done $0x0  }
0x29e: {  	s24 =	rddreg [dreg:$0x11];
	[sflag:s23] =	ssyncadd.s32 $0xFFFFC000  }
0x29f: {  	[tilespmem:s15], [sflag:$0x1] =	stream.indirect.gather [hbm4b:s0+s19], $0x80, s24, s19, $0xb8;
	[tilespmem:$0x1F780] =	vst v63  }
0x2a0: {  	_ =	swait.ge [sflag:s21], $0x4000  }
0x2a1: {  	[sflag:s21] =	ssyncset.done $0x0  }
0x2a2: {  	[sflag:s21] =	ssyncadd.s32 $0xFFFFC000  }
0x2a3: {  	[spmem:s3] =	stream.indirect.scatter.add.f32 [tilespmem:s20], [sflag:$0x2], $0x80, s12, s19, $0xb8;
	[tilespmem:$0x1F780] =	vst v63  }
0x2a4: {  	_ = 	snop  }
0x2a5: {  	[spmem:s4] =	stream.indirect.scatter.add.f32 [tilespmem:s22], [sflag:$0x3], $0x8, s12, s19, $0xb8;
	[tilespmem:$0x1F780] =	vst v63  }
0x2a6: {  	_ =	swait.ge [sflag:s25], $0x400  }
0x2a7: {  	[sflag:s25] =	ssyncset.done $0x0  }
0x2a8: {  	[sflag:s25] =	ssyncadd.s32 $0xFFFFFC00  }
0x2a9: {  	_ =	swait.ge [sflag:s23], $0x4000  }
0x2aa: {  	[sflag:s23] =	ssyncset.done $0x0  }
0x2ab: {  	s8 =	rddreg [dreg:$0x12];
	[sflag:s23] =	ssyncadd.s32 $0xFFFFC000  }
0x2ac: {  	[tilespmem:s20], [sflag:$0x1] =	stream.indirect.gather [hbm4b:s0+s19], $0x80, s8, s19, $0xb8;
	[tilespmem:$0x1F780] =	vst v63  }
0x2ad: {  	_ =	swait.ge [sflag:s21], $0x4000  }
0x2ae: {  	[sflag:s21] =	ssyncset.done $0x0  }
0x2af: {  	[sflag:s21] =	ssyncadd.s32 $0xFFFFC000  }
0x2b0: {  	[spmem:s3] =	stream.indirect.scatter.add.f32 [tilespmem:s15], [sflag:$0x2], $0x80, s13, s19, $0xb8;
	[tilespmem:$0x1F780] =	vst v63  }
0x2b1: {  	_ = 	snop  }
0x2b2: {  	[spmem:s4] =	stream.indirect.scatter.add.f32 [tilespmem:s22], [sflag:$0x3], $0x8, s13, s19, $0xb8;
	[tilespmem:$0x1F780] =	vst v63  }
0x2b3: {  	_ =	swait.ge [sflag:s25], $0x400  }
0x2b4: {  	[sflag:s25] =	ssyncset.done $0x0  }
0x2b5: {  	[sflag:s25] =	ssyncadd.s32 $0xFFFFFC00  }
0x2b6: {  	_ =	swait.ge [sflag:s23], $0x4000  }
0x2b7: {  	[sflag:s23] =	ssyncset.done $0x0  }
0x2b8: {  	s9 =	rddreg [dreg:$0x13];
	[sflag:s23] =	ssyncadd.s32 $0xFFFFC000  }
0x2b9: {  	[tilespmem:s15], [sflag:$0x1] =	stream.indirect.gather [hbm4b:s0+s19], $0x80, s9, s19, $0xb8;
	[tilespmem:$0x1F780] =	vst v63  }
0x2ba: {  	_ =	swait.ge [sflag:s21], $0x4000  }
0x2bb: {  	[sflag:s21] =	ssyncset.done $0x0  }
0x2bc: {  	[sflag:s21] =	ssyncadd.s32 $0xFFFFC000  }
0x2bd: {  	[spmem:s3] =	stream.indirect.scatter.add.f32 [tilespmem:s20], [sflag:$0x2], $0x80, s14, s19, $0xb8;
	[tilespmem:$0x1F780] =	vst v63  }
0x2be: {  	_ = 	snop  }
0x2bf: {  	[spmem:s4] =	stream.indirect.scatter.add.f32 [tilespmem:s22], [sflag:$0x3], $0x8, s14, s19, $0xb8;
	[tilespmem:$0x1F780] =	vst v63  }
0x2c0: {  	_ =	swait.ge [sflag:s25], $0x400  }
0x2c1: {  	[sflag:s25] =	ssyncset.done $0x0  }
0x2c2: {  	[sflag:s25] =	ssyncadd.s32 $0xFFFFFC00  }
0x2c3: {  	_ =	swait.ge [sflag:s23], $0x4000  }
0x2c4: {  	[sflag:s23] =	ssyncset.done $0x0  }
0x2c5: {  	s24 =	rddreg [dreg:$0x14];
	[sflag:s23] =	ssyncadd.s32 $0xFFFFC000  }
0x2c6: {  	[tilespmem:s20], [sflag:$0x1] =	stream.indirect.gather [hbm4b:s0+s19], $0x80, s24, s19, $0xb8;
	[tilespmem:$0x1F780] =	vst v63  }
0x2c7: {  	_ =	swait.ge [sflag:s21], $0x4000  }
0x2c8: {  	[sflag:s21] =	ssyncset.done $0x0  }
0x2c9: {  	[sflag:s21] =	ssyncadd.s32 $0xFFFFC000  }
0x2ca: {  	[spmem:s3] =	stream.indirect.scatter.add.f32 [tilespmem:s15], [sflag:$0x2], $0x80, s17, s19, $0xb8;
	[tilespmem:$0x1F780] =	vst v63  }
0x2cb: {  	_ = 	snop  }
0x2cc: {  	[spmem:s4] =	stream.indirect.scatter.add.f32 [tilespmem:s22], [sflag:$0x3], $0x8, s17, s19, $0xb8;
	[tilespmem:$0x1F780] =	vst v63  }
0x2cd: {  	_ =	swait.ge [sflag:s25], $0x400  }
0x2ce: {  	[sflag:s25] =	ssyncset.done $0x0  }
0x2cf: {  	[sflag:s25] =	ssyncadd.s32 $0xFFFFFC00  }
0x2d0: {  	_ =	swait.ge [sflag:s23], $0x4000  }
0x2d1: {  	[sflag:s23] =	ssyncset.done $0x0  }
0x2d2: {  	[sflag:s23] =	ssyncadd.s32 $0xFFFFC000  }
0x2d3: {  	_ =	swait.ge [sflag:s21], $0x4000  }
0x2d4: {  	[sflag:s21] =	ssyncset.done $0x0  }
0x2d5: {  	[sflag:s21] =	ssyncadd.s32 $0xFFFFC000  }
0x2d6: {  	[spmem:s3] =	stream.indirect.scatter.add.f32 [tilespmem:s20], [sflag:$0x2], $0x80, s6, s19, $0xb8;
	[tilespmem:$0x1F780] =	vst v63  }
0x2d7: {  	_ = 	snop  }
0x2d8: {  	[spmem:s4] =	stream.indirect.scatter.add.f32 [tilespmem:s22], [sflag:$0x3], $0x8, s6, s19, $0xb8;
	[tilespmem:$0x1F780] =	vst v63  }
0x2d9: {  	_ =	swait.ge [sflag:s25], $0x400  }
0x2da: {  	[sflag:s25] =	ssyncset.done $0x0  }
0x2db: {  	[sflag:s25] =	ssyncadd.s32 $0xFFFFFC00  }
0x2dc: {  	_ =	swait.ge [sflag:s23], $0x4000  }
0x2dd: {  	[sflag:s23] =	ssyncset.done $0x0  }
0x2de: {  	[sflag:s23] =	ssyncadd.s32 $0xFFFFC000  }
0x2df: {  	_ =	swait.ge [sflag:s25], $0x400  }
0x2e0: {  	[sflag:s25] =	ssyncset.done $0x0  }
0x2e1: {  	[sflag:s25] =	ssyncadd.s32 $0xFFFFFC00  }
0x2e2: {  	[bflag:$0x0] =	sbarrier.arrive $0xFFFF  }
0x2e3: {  	s24 =	rddreg [dreg:$0x15]  }
0x2e4: {  	[tilespmem:s15], [sflag:$0x4] =	stream.linear.gather [spmem:s24], $0x8000, $0x38;
	[tilespmem:$0x1F780] =	vst v63  }
0x2e5: {  	_ =	swait.ge [sflag:s16], $0x8000  }
0x2e6: {  	[sflag:s16] =	ssyncset.done $0x0  }
0x2e7: {  	s8 =	rddreg [dreg:$0x19];
	[sflag:s16] =	ssyncadd.s32 $0xFFFF8000  }
0x2e8: {  	[hbm4b:s8+s5] =	stream.linear.scatter [tilespmem:s15], [sflag:$0x4], $0x8000, $0x38;
	[tilespmem:$0x1F780] =	vst v63  }
0x2e9: {  	_ =	swait.ge [sflag:s16], $0x8000  }
0x2ea: {  	[sflag:s16] =	ssyncset.done $0x0  }
0x2eb: {  	s9 =	rddreg [dreg:$0x16];
	[sflag:s16] =	ssyncadd.s32 $0xFFFF8000  }
0x2ec: {  	[tilespmem:s15], [sflag:$0x4] =	stream.linear.gather [spmem:s9], $0x8000, $0x38;
	[tilespmem:$0x1F780] =	vst v63  }
0x2ed: {  	_ =	swait.ge [sflag:s16], $0x8000  }
0x2ee: {  	[sflag:s16] =	ssyncset.done $0x0  }
0x2ef: {  	s8 =	rddreg [dreg:$0x1a];
	[sflag:s16] =	ssyncadd.s32 $0xFFFF8000  }
0x2f0: {  	[hbm4b:s8+s5] =	stream.linear.scatter [tilespmem:s15], [sflag:$0x4], $0x8000, $0x38;
	[tilespmem:$0x1F780] =	vst v63  }
0x2f1: {  	_ =	swait.ge [sflag:s16], $0x8000  }
0x2f2: {  	[sflag:s16] =	ssyncset.done $0x0  }
0x2f3: {  	s9 =	rddreg [dreg:$0x17];
	[sflag:s16] =	ssyncadd.s32 $0xFFFF8000  }
0x2f4: {  	[tilespmem:s15], [sflag:$0x4] =	stream.linear.gather [spmem:s9], $0x3C00, $0x38;
	[tilespmem:$0x1F780] =	vst v63  }
0x2f5: {  	_ =	swait.ge [sflag:s16], $0x3C00  }
0x2f6: {  	[sflag:s16] =	ssyncset.done $0x0  }
0x2f7: {  	s8 =	rddreg [dreg:$0x1b];
	[sflag:s16] =	ssyncadd.s32 $0xFFFFC400  }
0x2f8: {  	[hbm4b:s8+s5] =	stream.linear.scatter [tilespmem:s15], [sflag:$0x4], $0x3C00, $0x38;
	[tilespmem:$0x1F780] =	vst v63  }
0x2f9: {  	_ =	swait.ge [sflag:s16], $0x3C00  }
0x2fa: {  	[sflag:s16] =	ssyncset.done $0x0  }
0x2fb: {  	s8 =	simm.s32 $0x9400;
	s9 =	rddreg [dreg:$0x18];
	[sflag:s16] =	ssyncadd.s32 $0xFFFFC400  }
0x2fc: {  	[tilespmem:s8], [sflag:$0x4] =	stream.linear.gather [spmem:s9], $0x13C0, $0x38;
	[tilespmem:$0x1F780] =	vst v63  }
0x2fd: {  	_ =	swait.ge [sflag:s16], $0x13C0  }
0x2fe: {  	[sflag:s16] =	ssyncset.done $0x0  }
0x2ff: {  	s9 =	rddreg [dreg:$0x1c];
	[sflag:s16] =	ssyncadd.s32 $0xFFFFEC40  }
0x300: {  	[hbm4b:s9+s5] =	stream.linear.scatter [tilespmem:s8], [sflag:$0x4], $0x13C0, $0x38;
	[tilespmem:$0x1F780] =	vst v63  }
0x301: {  	_ =	swait.ge [sflag:s16], $0x13C0  }
0x302: {  	s7 =	rddreg [dreg:$0x1e]  }
0x303: {  	s9 =	rddreg [dreg:$0x1d];
	s8 =	sadd.s32 $0x1, s7  }
0x304: {  	p0 =	sne.s32 s8, s9  }
.Ltmp4:
0x305: {  	_ = 	snop;
	(pc) =	sbr.rel @p0 .LBB2_1-.Ltmp4, $3  }
0x306: {  	_ =	sdelay $0x1  }
0x307: {  	[sflag:s16] =	ssyncset.done $0x0  }
0x308: {  	[sflag:s16] =	ssyncadd.s32 $0xFFFFEC40  }
0x309: {  	_ =	sfence.sel $0x180000  }
0x30a: {  	[bflag:$0x0] =	sbarrier.arrive $0xFFFF  }
0x30b: {  	_ =	strace $0x90000047  }
0x30c: {  	s0 =	stileid.u32;
	[bflag:$0x2] =	sbarrier.arrive $0xFFFF  }
0x30d: {  	p0 =	sne.s32 s0, $0x0;
	s0 =	rddreg [dreg:$0x4]  }
0x30e: {  	s0 =	sadd.s32 @!p0 $0x100000, s0  }
0x30f: {  	[sflag:s0] =	ssyncadd.tile.s32 @!p0 $0x1;
	_ =	shalt  }
.Lfunc_end2:
_tile_overlayer_lowered:
.L_overlay_start_2:
0x310: {  	(tag) =	ssettag $0x2  }
0x311: {  	s0 =	rddreg [dreg:$0x0];
	s2 =	stileid.u32  }
0x312: {  	s1 =	rddreg [dreg:$0x1];
	p0 =	sne.s32 s2, $0x0  }
0x313: {  	s3 =	rddreg [dreg:$0x2];
	[bflag:$0x3] =	sbarrier.arrive $0xFFFF;
	s2 =	simm.s32 @!p0 $0x1C04  }
0x314: {  	[timem:s3], [sflag:s2] =	dma.local @!p0 [hbm:s0], s1  }
0x315: {  	s0 =	simm.s32 @!p0 $0x4  }
0x316: {  	_ =	swait.ge @!p0 [sflag:s0], s1  }
0x317: {  	s1 =	ssub.s32 @!p0 $0x0, s1;
	[sflag:s0] =	ssyncset.done @!p0 $0x0  }
0x318: {  	[sflag:s0] =	ssyncadd.s32 @!p0 s1  }
0x319: {  	[bflag:$0x3] =	sbarrier.arrive $0xFFFF  }
0x31a: {  	_ =	shalt  }

</sc_bundles>
